<compile_context>
chip_gen: v7x
topology: tpu7x:2x2x1
jax: 0.10.2.dev20260603
libtpu: 0.0.44.dev20260713+nightly
codegen_flags: <defaults>
</compile_context>

<pallas_src>
import jax
import jax.numpy as jnp
from jax import lax
from jax.experimental import pallas as pl
from jax.experimental.pallas import tpu as pltpu
from jax.experimental.pallas import tpu_sc as plsc

N = 10000
NP = 10240
E = 320000
EB = 128
NBLK = 2560
EP = NBLK * EB
NC = 2
NS = 16
NBW = NBLK // (NC * NS)
RPS = NP // NS
F = 128

_MESH = plsc.VectorSubcoreMesh(
    core_axis_name="c", subcore_axis_name="s", num_cores=NC, num_subcores=NS)


NBD = NBLK // NS


def _deg_body(src2d, dst2d, deg_src, deg_dst, idx_v, ones_v, zb_v, hist_sh):
    c = lax.axis_index("c")
    sid = lax.axis_index("s")

    one16 = jnp.full((16,), 1.0, jnp.float32)
    zero16 = jnp.zeros((16,), jnp.float32)
    for j in range(EB // 16):
        ones_v[pl.ds(j * 16, 16)] = one16

    @pl.loop(0, RPS // 16)
    def _(j):
        zb_v[pl.ds(j * 16, 16)] = zero16

    pltpu.sync_copy(zb_v, hist_sh.at[pl.ds(sid * RPS, RPS)])

    @pl.when(c == 0)
    def _():
        pltpu.sync_copy(src2d.at[pl.ds(sid * NBD, NBD)], idx_v)

    @pl.when(c == 1)
    def _():
        pltpu.sync_copy(dst2d.at[pl.ds(sid * NBD, NBD)], idx_v)

    plsc.subcore_barrier()

    @pl.loop(0, NBD)
    def _(b):
        pltpu.sync_copy(ones_v, hist_sh.at[idx_v.at[b]], add=True)

    plsc.subcore_barrier()

    pltpu.sync_copy(hist_sh.at[pl.ds(sid * RPS, RPS)], zb_v)

    @pl.when(c == 0)
    def _():
        pltpu.sync_copy(zb_v, deg_src.at[pl.ds(sid * RPS, RPS)])

    @pl.when(c == 1)
    def _():
        pltpu.sync_copy(zb_v, deg_dst.at[pl.ds(sid * RPS, RPS)])


_deg_call = pl.kernel(
    _deg_body,
    out_type=(jax.ShapeDtypeStruct((NP,), jnp.float32),
              jax.ShapeDtypeStruct((NP,), jnp.float32)),
    mesh=_MESH,
    compiler_params=pltpu.CompilerParams(use_tc_tiling_on_sc=False),
    scratch_types=[
        pltpu.VMEM((NBD, EB), jnp.int32),
        pltpu.VMEM((EB,), jnp.float32),
        pltpu.VMEM((RPS,), jnp.float32),
        pltpu.VMEM_SHARED((NP,), jnp.float32),
    ],
)


CHK = 40
NCH = NBW // CHK


def _edge_body(src2d, dst2d, h_hbm, out_hbm,
               srcb, dstb, rows0, rows1, sem0, sem1, agg_sh):
    D = rows0.shape[1]
    c = lax.axis_index("c")
    sid = lax.axis_index("s")
    base = pl.multiple_of(c * NP, NP)
    bb = (c * NS + sid) * NBW

    z16 = jnp.zeros((16,), jnp.float32)

    @pl.loop(0, EB)
    def _(r):
        for j in range(D // 16):
            rows0[r, pl.ds(j * 16, 16)] = z16

    for k in range(RPS // EB):
        pltpu.sync_copy(rows0, agg_sh.at[pl.ds(sid * RPS + k * EB, EB)])
    plsc.subcore_barrier()

    def gstart(b, buf, sem):
        pltpu.async_copy(h_hbm.at[srcb.at[b]], buf, sem)

    def gwait(b, buf, sem):
        pltpu.make_async_copy(h_hbm.at[srcb.at[b]], buf, sem).wait()

    def scat(b, buf):
        pltpu.sync_copy(buf, agg_sh.at[dstb.at[b]], add=True)

    @pl.loop(0, NCH)
    def _(ch):
        pltpu.sync_copy(src2d.at[pl.ds(bb + ch * CHK, CHK)], srcb)
        pltpu.sync_copy(dst2d.at[pl.ds(bb + ch * CHK, CHK)], dstb)
        gstart(0, rows0, sem0)

        @pl.loop(0, CHK // 2)
        def _(i):
            b0 = i * 2
            gstart(b0 + 1, rows1, sem1)
            gwait(b0, rows0, sem0)
            scat(b0, rows0)
            b1 = b0 + 1

            @pl.when(b1 + 1 < CHK)
            def _():
                gstart(b1 + 1, rows0, sem0)

            gwait(b1, rows1, sem1)
            scat(b1, rows1)

    plsc.subcore_barrier()

    for k in range(RPS // EB):
        r = sid * RPS + k * EB
        pltpu.sync_copy(agg_sh.at[pl.ds(r, EB)], rows0)
        pltpu.sync_copy(rows0, out_hbm.at[pl.ds(base + r, EB)])


def _make_edge_call(D, untiled):
    params = (pltpu.CompilerParams(use_tc_tiling_on_sc=False)
              if untiled else None)
    return pl.kernel(
        _edge_body,
        out_type=jax.ShapeDtypeStruct((2 * NP, D), jnp.float32),
        mesh=_MESH,
        compiler_params=params,
        scratch_types=[
            pltpu.VMEM((CHK, EB), jnp.int32),
            pltpu.VMEM((CHK, EB), jnp.int32),
            pltpu.VMEM((EB, D), jnp.float32),
            pltpu.VMEM((EB, D), jnp.float32),
            pltpu.SemaphoreType.DMA,
            pltpu.SemaphoreType.DMA,
            pltpu.VMEM_SHARED((NP, D), jnp.float32),
        ],
    )


_edge_call = _make_edge_call(F, untiled=True)
_edge_call64 = _make_edge_call(64, untiled=True)


BN = 256
GRID = NP // BN


def _mm1_body(x_ref, degs_ref, w_ref, out_ref):
    ns = lax.rsqrt(jnp.maximum(degs_ref[...], 1.0))
    out_ref[...] = jnp.dot(x_ref[...] * ns, w_ref[...],
                           preferred_element_type=jnp.float32)


_mm1 = pl.pallas_call(
    _mm1_body,
    grid=(GRID,),
    in_specs=[
        pl.BlockSpec((BN, F), lambda i: (i, 0)),
        pl.BlockSpec((BN, 1), lambda i: (i, 0)),
        pl.BlockSpec((F, F), lambda i: (0, 0)),
    ],
    out_specs=pl.BlockSpec((BN, F), lambda i: (i, 0)),
    out_shape=jax.ShapeDtypeStruct((NP, F), jnp.float32),
)


def _mid_body(agg_ref, degd_ref, degs_ref, b1_ref, w2_ref, out_ref):
    i = pl.program_id(0)
    a = agg_ref[0] + agg_ref[1]
    nd = lax.rsqrt(jnp.maximum(degd_ref[...], 1.0))
    h = jnp.maximum(a * nd + b1_ref[...], 0.0)
    rid = i * BN + lax.broadcasted_iota(jnp.int32, (BN, 1), 0)
    h = jnp.where(rid < N, h, 0.0)
    ns = lax.rsqrt(jnp.maximum(degs_ref[...], 1.0))
    out_ref[...] = jnp.dot(h * ns, w2_ref[...],
                           preferred_element_type=jnp.float32)


_mid = pl.pallas_call(
    _mid_body,
    grid=(GRID,),
    in_specs=[
        pl.BlockSpec((2, BN, F), lambda i: (0, i, 0)),
        pl.BlockSpec((BN, 1), lambda i: (i, 0)),
        pl.BlockSpec((BN, 1), lambda i: (i, 0)),
        pl.BlockSpec((1, F), lambda i: (0, 0)),
        pl.BlockSpec((F, 64), lambda i: (0, 0)),
    ],
    out_specs=pl.BlockSpec((BN, 64), lambda i: (i, 0)),
    out_shape=jax.ShapeDtypeStruct((NP, 64), jnp.float32),
)


def _fin_body(agg_ref, degd_ref, b2_ref, out_ref):
    a = agg_ref[0] + agg_ref[1]
    nd = lax.rsqrt(jnp.maximum(degd_ref[...], 1.0))
    out_ref[...] = a * nd + b2_ref[...]


_fin = pl.pallas_call(
    _fin_body,
    grid=(GRID,),
    in_specs=[
        pl.BlockSpec((2, BN, 64), lambda i: (0, i, 0)),
        pl.BlockSpec((BN, 1), lambda i: (i, 0)),
        pl.BlockSpec((1, 64), lambda i: (0, 0)),
    ],
    out_specs=pl.BlockSpec((BN, 64), lambda i: (i, 0)),
    out_shape=jax.ShapeDtypeStruct((NP, 64), jnp.float32),
)


def kernel(x, edge_index, W1, b1, W2, b2):
    src = edge_index[0]
    dst = edge_index[1]
    pad = N + jnp.arange(EP - E, dtype=jnp.int32) % (NP - N)
    src2d = jnp.concatenate([src, pad]).reshape(NBLK, EB)
    dst2d = jnp.concatenate([dst, pad]).reshape(NBLK, EB)
    xp = jnp.pad(x, ((0, NP - N), (0, 0)))

    deg_src, deg_dst = _deg_call(src2d, dst2d)
    degs_col = deg_src.reshape(NP, 1)
    degd_col = deg_dst.reshape(NP, 1)

    h1 = _mm1(xp, degs_col, W1)
    agg1 = _edge_call(src2d, dst2d, h1)
    h2 = _mid(agg1.reshape(2, NP, F), degd_col, degs_col,
              b1.reshape(1, F), W2)
    agg2 = _edge_call64(src2d, dst2d, h2)
    out = _fin(agg2.reshape(2, NP, 64), degd_col, b2.reshape(1, 64))
    return out[:N]

# --- scband reference (transcript-rebuilt; emitter-appended) ---
"""Pipeline reference for scband-simple-gnn-2869038154213 (READ-ONLY COPY).

The authoritative reference and input builder live on the scoring server;
editing this copy changes nothing except your own understanding.
"""

import jax, jax.numpy as jnp
import numpy as np

N = 10000
E = 320000
IN_FEATS = 128
H_FEATS = 128
NUM_CLASSES = 64


def setup_inputs(seed: int = 0) -> dict:
    key = jax.random.key(seed)
    ks = jax.random.split(key, 6)
    x = jax.random.normal(ks[0], (N, IN_FEATS), dtype=jnp.float32)
    edge_index = jax.random.randint(ks[1], (2, E), 0, N, dtype=jnp.int32)
    # GraphConv layer 1 params (glorot-style init)
    W1 = jax.random.normal(ks[2], (IN_FEATS, H_FEATS), dtype=jnp.float32) * (1.0 / np.sqrt(IN_FEATS))
    b1 = jnp.zeros((H_FEATS,), dtype=jnp.float32)
    # GraphConv layer 2 params
    W2 = jax.random.normal(ks[3], (H_FEATS, NUM_CLASSES), dtype=jnp.float32) * (1.0 / np.sqrt(H_FEATS))
    b2 = jnp.zeros((NUM_CLASSES,), dtype=jnp.float32)
    return {"x": x, "edge_index": edge_index, "W1": W1, "b1": b1, "W2": W2, "b2": b2}


def _graph_conv(x, W, b, src, dst, n_nodes):
    # DGL GraphConv with norm='both':
    #   h = D_in^{-1/2} * A * (D_out^{-1/2} * x * W) + b
    ones_e = jnp.ones((src.shape[0],), dtype=x.dtype)
    deg_out = jax.ops.segment_sum(ones_e, src, num_segments=n_nodes)
    deg_in = jax.ops.segment_sum(ones_e, dst, num_segments=n_nodes)
    norm_src = jax.lax.rsqrt(jnp.clip(deg_out, 1.0, None))
    norm_dst = jax.lax.rsqrt(jnp.clip(deg_in, 1.0, None))
    # weight applied before aggregation (in_feats >= out_feats path)
    h = (x * norm_src[:, None]) @ W
    # message passing: gather from src, scatter-add to dst
    msgs = jnp.take(h, src, axis=0)
    agg = jax.ops.segment_sum(msgs, dst, num_segments=n_nodes)
    return agg * norm_dst[:, None] + b


def reference(x, edge_index, W1, b1, W2, b2):
    src = edge_index[0]
    dst = edge_index[1]
    h = _graph_conv(x, W1, b1, src, dst, N)
    h = jax.nn.relu(h)
    h = _graph_conv(h, W2, b2, src, dst, N)
    return h

if __name__ == "__main__":
    import jax
    _d = setup_inputs()
    print(jax.jit(kernel)(*tuple(_d.values())))

</pallas_src>

<mosaic_0001>
#map = affine_map<(d0, d1) -> (0, 0)>
#map1 = affine_map<(d0, d1) -> (0)>
module attributes {stable_mosaic.version = 14 : i64} {
  func.func @_deg_body(%arg0: i32, %arg1: i32, %arg2: memref<2560x128xi32, #tpu.memory_space<hbm>>, %arg3: memref<2560x128xi32, #tpu.memory_space<hbm>>, %arg4: memref<10240xf32, #tpu.memory_space<hbm>>, %arg5: memref<10240xf32, #tpu.memory_space<hbm>>, %arg6: memref<160x128xi32, #tpu.memory_space<vmem>>, %arg7: memref<128xf32, #tpu.memory_space<vmem>>, %arg8: memref<640xf32, #tpu.memory_space<vmem>>, %arg9: memref<10240xf32, #tpu.memory_space<vmem_shared>>) attributes {dimension_semantics = [#tpu.dimension_semantics<core_parallel>, #tpu.dimension_semantics<subcore_parallel>], iteration_bounds = array<i64: 2, 16>, scalar_prefetch = 0 : i64, scratch_operands = 4 : i64, tpu.core_type = #tpu.core_type<sc_vector_subcore>, window_params = [{transform_indices = #map}, {transform_indices = #map}, {transform_indices = #map1}, {transform_indices = #map1}]} {
    %broadcast_in_dim3A = arith.constant 1.000000e+00 : f32
    %broadcast_in_dim3A_0 = vector.broadcast %broadcast_in_dim3A : f32 to vector<16xf32>
    %broadcast_in_dim3A_1 = arith.constant 0.000000e+00 : f32
    %broadcast_in_dim3A_2 = vector.broadcast %broadcast_in_dim3A_1 : f32 to vector<16xf32>
    %swap3A = arith.constant 0 : index
    %swap3A_3 = tpu.vector_load %arg7[%swap3A] {strides = array<i32>} : memref<128xf32, #tpu.memory_space<vmem>>, vector<16xf32>,
    %swap3A_4 = vector.shape_cast %swap3A_3 : vector<16xf32> to vector<16xf32>
    %swap3A_5 = vector.shape_cast %broadcast_in_dim3A_0 : vector<16xf32> to vector<16xf32>
    tpu.vector_store %arg7[%swap3A], %swap3A_5 {strides = array<i32>} : memref<128xf32, #tpu.memory_space<vmem>>, vector<16xf32>,
    %swap3A_6 = arith.constant 16 : index
    %swap3A_7 = tpu.vector_load %arg7[%swap3A_6] {strides = array<i32>} : memref<128xf32, #tpu.memory_space<vmem>>, vector<16xf32>,
    %swap3A_8 = vector.shape_cast %swap3A_7 : vector<16xf32> to vector<16xf32>
    %swap3A_9 = vector.shape_cast %broadcast_in_dim3A_0 : vector<16xf32> to vector<16xf32>
    tpu.vector_store %arg7[%swap3A_6], %swap3A_9 {strides = array<i32>} : memref<128xf32, #tpu.memory_space<vmem>>, vector<16xf32>,
    %swap3A_10 = arith.constant 32 : index
    %swap3A_11 = tpu.vector_load %arg7[%swap3A_10] {strides = array<i32>} : memref<128xf32, #tpu.memory_space<vmem>>, vector<16xf32>,
    %swap3A_12 = vector.shape_cast %swap3A_11 : vector<16xf32> to vector<16xf32>
    %swap3A_13 = vector.shape_cast %broadcast_in_dim3A_0 : vector<16xf32> to vector<16xf32>
    tpu.vector_store %arg7[%swap3A_10], %swap3A_13 {strides = array<i32>} : memref<128xf32, #tpu.memory_space<vmem>>, vector<16xf32>,
    %swap3A_14 = arith.constant 48 : index
    %swap3A_15 = tpu.vector_load %arg7[%swap3A_14] {strides = array<i32>} : memref<128xf32, #tpu.memory_space<vmem>>, vector<16xf32>,
    %swap3A_16 = vector.shape_cast %swap3A_15 : vector<16xf32> to vector<16xf32>
    %swap3A_17 = vector.shape_cast %broadcast_in_dim3A_0 : vector<16xf32> to vector<16xf32>
    tpu.vector_store %arg7[%swap3A_14], %swap3A_17 {strides = array<i32>} : memref<128xf32, #tpu.memory_space<vmem>>, vector<16xf32>,
    %swap3A_18 = arith.constant 64 : index
    %swap3A_19 = tpu.vector_load %arg7[%swap3A_18] {strides = array<i32>} : memref<128xf32, #tpu.memory_space<vmem>>, vector<16xf32>,
    %swap3A_20 = vector.shape_cast %swap3A_19 : vector<16xf32> to vector<16xf32>
    %swap3A_21 = vector.shape_cast %broadcast_in_dim3A_0 : vector<16xf32> to vector<16xf32>
    tpu.vector_store %arg7[%swap3A_18], %swap3A_21 {strides = array<i32>} : memref<128xf32, #tpu.memory_space<vmem>>, vector<16xf32>,
    %swap3A_22 = arith.constant 80 : index
    %swap3A_23 = tpu.vector_load %arg7[%swap3A_22] {strides = array<i32>} : memref<128xf32, #tpu.memory_space<vmem>>, vector<16xf32>,
    %swap3A_24 = vector.shape_cast %swap3A_23 : vector<16xf32> to vector<16xf32>
    %swap3A_25 = vector.shape_cast %broadcast_in_dim3A_0 : vector<16xf32> to vector<16xf32>
    tpu.vector_store %arg7[%swap3A_22], %swap3A_25 {strides = array<i32>} : memref<128xf32, #tpu.memory_space<vmem>>, vector<16xf32>,
    %swap3A_26 = arith.constant 96 : index
    %swap3A_27 = tpu.vector_load %arg7[%swap3A_26] {strides = array<i32>} : memref<128xf32, #tpu.memory_space<vmem>>, vector<16xf32>,
    %swap3A_28 = vector.shape_cast %swap3A_27 : vector<16xf32> to vector<16xf32>
    %swap3A_29 = vector.shape_cast %broadcast_in_dim3A_0 : vector<16xf32> to vector<16xf32>
    tpu.vector_store %arg7[%swap3A_26], %swap3A_29 {strides = array<i32>} : memref<128xf32, #tpu.memory_space<vmem>>, vector<16xf32>,
    %swap3A_30 = arith.constant 112 : index
    %swap3A_31 = tpu.vector_load %arg7[%swap3A_30] {strides = array<i32>} : memref<128xf32, #tpu.memory_space<vmem>>, vector<16xf32>,
    %swap3A_32 = vector.shape_cast %swap3A_31 : vector<16xf32> to vector<16xf32>
    %swap3A_33 = vector.shape_cast %broadcast_in_dim3A_0 : vector<16xf32> to vector<16xf32>
    tpu.vector_store %arg7[%swap3A_30], %swap3A_33 {strides = array<i32>} : memref<128xf32, #tpu.memory_space<vmem>>, vector<16xf32>,
    %scan3A = arith.constant 0 : i32
    %scan3A_34 = arith.constant 40 : i32
    %scan3A_35 = arith.addi %scan3A, %scan3A_34 : i32
    %scan3A_36 = arith.constant 1 : i32
    scf.for %scan3A_64 = %scan3A to %scan3A_35 step %scan3A_36  : i32 {
      %mul3A_65 = arith.constant 1 : i32
      %mul3A_66 = arith.muli %scan3A_64, %mul3A_65 : i32
      %add3A = arith.constant 0 : i32
      %add3A_67 = arith.addi %add3A, %mul3A_66 : i32
      %mul3A_68 = arith.constant 16 : i32
      %mul3A_69 = arith.muli %add3A_67, %mul3A_68 : i32
      %swap3A_70 = arith.index_cast %mul3A_69 : i32 to index
      %swap3A_71 = tpu.vector_load %arg8[%swap3A_70] {strides = array<i32>} : memref<640xf32, #tpu.memory_space<vmem>>, vector<16xf32>,
      %swap3A_72 = vector.shape_cast %swap3A_71 : vector<16xf32> to vector<16xf32>
      %swap3A_73 = vector.shape_cast %broadcast_in_dim3A_2 : vector<16xf32> to vector<16xf32>
      tpu.vector_store %arg8[%swap3A_70], %swap3A_73 {strides = array<i32>} : memref<640xf32, #tpu.memory_space<vmem>>, vector<16xf32>,
    }
    %scan3A_37 = arith.constant 40 : i32
    %mul3A = arith.constant 640 : i32
    %mul3A_38 = arith.muli %arg1, %mul3A : i32
    "tpu.region"() ({
      %run_scoped3A = tpu.sem_alloc : memref<!tpu.dma_semaphore, #tpu.memory_space<semaphore_mem>>
      %dma_start3A = tpu.memref_slice %arg9[%mul3A_38] : memref<10240xf32, #tpu.memory_space<vmem_shared>> -> memref<640xf32, #tpu.memory_space<vmem_shared>>
      %dma_start3A_64 = tpu.memref_slice %arg9[%mul3A_38] : memref<10240xf32, #tpu.memory_space<vmem_shared>> -> memref<640xf32, #tpu.memory_space<vmem_shared>>
      tpu.enqueue_dma source(%arg8 : memref<640xf32, #tpu.memory_space<vmem>>) target(%dma_start3A_64 : memref<640xf32, #tpu.memory_space<vmem_shared>>) target_semaphore(%run_scoped3A : memref<!tpu.dma_semaphore, #tpu.memory_space<semaphore_mem>>)
      %dma_wait3A = tpu.memref_slice %arg9[%mul3A_38] : memref<10240xf32, #tpu.memory_space<vmem_shared>> -> memref<640xf32, #tpu.memory_space<vmem_shared>>
      %dma_wait3A_65 = tpu.memref_slice %arg9[%mul3A_38] : memref<10240xf32, #tpu.memory_space<vmem_shared>> -> memref<640xf32, #tpu.memory_space<vmem_shared>>
      tpu.wait_dma2 semaphore(%run_scoped3A : memref<!tpu.dma_semaphore, #tpu.memory_space<semaphore_mem>>) src(%arg8 : memref<640xf32, #tpu.memory_space<vmem>>) dst(%dma_wait3A_65 : memref<640xf32, #tpu.memory_space<vmem_shared>>)
      tpu.yield
    }) : () -> ()
    %eq3A = arith.constant 0 : i32
    %eq3A_39 = arith.cmpi eq, %arg0, %eq3A : i32
    %convert_element_type3A = arith.extui %eq3A_39 : i1 to i32
    %cond3A = arith.constant 0 : i32
    %cond3A_40 = arith.cmpi ne, %convert_element_type3A, %cond3A : i32
    scf.if %cond3A_40 {
      %mul3A_64 = arith.constant 160 : i32
      %mul3A_65 = arith.muli %arg1, %mul3A_64 : i32
      "tpu.region"() ({
        %run_scoped3A = tpu.sem_alloc : memref<!tpu.dma_semaphore, #tpu.memory_space<semaphore_mem>>
        %dma_start3A = arith.constant 0 : i32
        %dma_start3A_66 = tpu.memref_slice %arg2[%mul3A_65, %dma_start3A] : memref<2560x128xi32, #tpu.memory_space<hbm>> -> memref<160x128xi32, #tpu.memory_space<hbm>>
        %dma_start3A_67 = arith.constant 0 : i32
        %dma_start3A_68 = tpu.memref_slice %arg2[%mul3A_65, %dma_start3A_67] : memref<2560x128xi32, #tpu.memory_space<hbm>> -> memref<160x128xi32, #tpu.memory_space<hbm>>
        tpu.enqueue_dma source(%dma_start3A_68 : memref<160x128xi32, #tpu.memory_space<hbm>>) target(%arg6 : memref<160x128xi32, #tpu.memory_space<vmem>>) target_semaphore(%run_scoped3A : memref<!tpu.dma_semaphore, #tpu.memory_space<semaphore_mem>>)
        %dma_wait3A = arith.constant 0 : i32
        %dma_wait3A_69 = tpu.memref_slice %arg2[%mul3A_65, %dma_wait3A] : memref<2560x128xi32, #tpu.memory_space<hbm>> -> memref<160x128xi32, #tpu.memory_space<hbm>>
        %dma_wait3A_70 = arith.constant 0 : i32
        %dma_wait3A_71 = tpu.memref_slice %arg2[%mul3A_65, %dma_wait3A_70] : memref<2560x128xi32, #tpu.memory_space<hbm>> -> memref<160x128xi32, #tpu.memory_space<hbm>>
        tpu.wait_dma2 semaphore(%run_scoped3A : memref<!tpu.dma_semaphore, #tpu.memory_space<semaphore_mem>>) src(%dma_wait3A_71 : memref<160x128xi32, #tpu.memory_space<hbm>>) dst(%arg6 : memref<160x128xi32, #tpu.memory_space<vmem>>)
        tpu.yield
      }) : () -> ()
    } else {
    }
    %eq3A_41 = arith.constant 1 : i32
    %eq3A_42 = arith.cmpi eq, %arg0, %eq3A_41 : i32
    %convert_element_type3A_43 = arith.extui %eq3A_42 : i1 to i32
    %cond3A_44 = arith.constant 0 : i32
    %cond3A_45 = arith.cmpi ne, %convert_element_type3A_43, %cond3A_44 : i32
    scf.if %cond3A_45 {
      %mul3A_64 = arith.constant 160 : i32
      %mul3A_65 = arith.muli %arg1, %mul3A_64 : i32
      "tpu.region"() ({
        %run_scoped3A = tpu.sem_alloc : memref<!tpu.dma_semaphore, #tpu.memory_space<semaphore_mem>>
        %dma_start3A = arith.constant 0 : i32
        %dma_start3A_66 = tpu.memref_slice %arg3[%mul3A_65, %dma_start3A] : memref<2560x128xi32, #tpu.memory_space<hbm>> -> memref<160x128xi32, #tpu.memory_space<hbm>>
        %dma_start3A_67 = arith.constant 0 : i32
        %dma_start3A_68 = tpu.memref_slice %arg3[%mul3A_65, %dma_start3A_67] : memref<2560x128xi32, #tpu.memory_space<hbm>> -> memref<160x128xi32, #tpu.memory_space<hbm>>
        tpu.enqueue_dma source(%dma_start3A_68 : memref<160x128xi32, #tpu.memory_space<hbm>>) target(%arg6 : memref<160x128xi32, #tpu.memory_space<vmem>>) target_semaphore(%run_scoped3A : memref<!tpu.dma_semaphore, #tpu.memory_space<semaphore_mem>>)
        %dma_wait3A = arith.constant 0 : i32
        %dma_wait3A_69 = tpu.memref_slice %arg3[%mul3A_65, %dma_wait3A] : memref<2560x128xi32, #tpu.memory_space<hbm>> -> memref<160x128xi32, #tpu.memory_space<hbm>>
        %dma_wait3A_70 = arith.constant 0 : i32
        %dma_wait3A_71 = tpu.memref_slice %arg3[%mul3A_65, %dma_wait3A_70] : memref<2560x128xi32, #tpu.memory_space<hbm>> -> memref<160x128xi32, #tpu.memory_space<hbm>>
        tpu.wait_dma2 semaphore(%run_scoped3A : memref<!tpu.dma_semaphore, #tpu.memory_space<semaphore_mem>>) src(%dma_wait3A_71 : memref<160x128xi32, #tpu.memory_space<hbm>>) dst(%arg6 : memref<160x128xi32, #tpu.memory_space<vmem>>)
        tpu.yield
      }) : () -> ()
    } else {
    }
    %barrier3A = arith.constant 0 : index
    tpu.barrier barrier_id(%barrier3A)
    %scan3A_46 = arith.constant 0 : i32
    %scan3A_47 = arith.constant 160 : i32
    %scan3A_48 = arith.addi %scan3A_46, %scan3A_47 : i32
    %scan3A_49 = arith.constant 1 : i32
    scf.for %scan3A_64 = %scan3A_46 to %scan3A_48 step %scan3A_49  : i32 {
      %mul3A_65 = arith.constant 1 : i32
      %mul3A_66 = arith.muli %scan3A_64, %mul3A_65 : i32
      %add3A = arith.constant 0 : i32
      %add3A_67 = arith.addi %add3A, %mul3A_66 : i32
      "tpu.region"() ({
        %run_scoped3A = tpu.sem_alloc : memref<!tpu.dma_semaphore, #tpu.memory_space<semaphore_mem>>
        %dma_start3A = arith.constant 0 : i32
        %dma_start3A_68 = tpu.memref_slice %arg6[%add3A_67, %dma_start3A] : memref<160x128xi32, #tpu.memory_space<vmem>> -> memref<1x128xi32, #tpu.memory_space<vmem>>
        %dma_start3A_69 = tpu.memref_squeeze %dma_start3A_68 : memref<1x128xi32, #tpu.memory_space<vmem>> -> memref<128xi32, #tpu.memory_space<vmem>>
        %dma_start3A_70 = arith.constant 0 : i32
        %dma_start3A_71 = tpu.memref_slice %arg9[%dma_start3A_70] : memref<10240xf32, #tpu.memory_space<vmem_shared>> -> memref<10240xf32, #tpu.memory_space<vmem_shared>>
        tpu.enqueue_indirect_dma source(%arg7 : memref<128xf32, #tpu.memory_space<vmem>>) target(%dma_start3A_71 : memref<10240xf32, #tpu.memory_space<vmem_shared>>) offsets(%dma_start3A_69 : memref<128xi32, #tpu.memory_space<vmem>>) semaphore(%run_scoped3A : memref<!tpu.dma_semaphore, #tpu.memory_space<semaphore_mem>>) {add = true}
        %dma_wait3A = arith.constant 0 : i32
        %dma_wait3A_72 = tpu.memref_slice %arg6[%add3A_67, %dma_wait3A] : memref<160x128xi32, #tpu.memory_space<vmem>> -> memref<1x128xi32, #tpu.memory_space<vmem>>
        %dma_wait3A_73 = tpu.memref_squeeze %dma_wait3A_72 : memref<1x128xi32, #tpu.memory_space<vmem>> -> memref<128xi32, #tpu.memory_space<vmem>>
        %dma_wait3A_74 = arith.constant 0 : i32
        %dma_wait3A_75 = tpu.memref_slice %arg9[%dma_wait3A_74] : memref<10240xf32, #tpu.memory_space<vmem_shared>> -> memref<10240xf32, #tpu.memory_space<vmem_shared>>
        tpu.wait_indirect_dma semaphore(%run_scoped3A : memref<!tpu.dma_semaphore, #tpu.memory_space<semaphore_mem>>) src(%arg7 : memref<128xf32, #tpu.memory_space<vmem>>) dst(%dma_wait3A_75 : memref<10240xf32, #tpu.memory_space<vmem_shared>>)
        tpu.yield
      }) : () -> ()
    }
    %scan3A_50 = arith.constant 160 : i32
    %barrier3A_51 = arith.constant 0 : index
    tpu.barrier barrier_id(%barrier3A_51)
    %mul3A_52 = arith.constant 640 : i32
    %mul3A_53 = arith.muli %arg1, %mul3A_52 : i32
    "tpu.region"() ({
      %run_scoped3A = tpu.sem_alloc : memref<!tpu.dma_semaphore, #tpu.memory_space<semaphore_mem>>
      %dma_start3A = tpu.memref_slice %arg9[%mul3A_53] : memref<10240xf32, #tpu.memory_space<vmem_shared>> -> memref<640xf32, #tpu.memory_space<vmem_shared>>
      %dma_start3A_64 = tpu.memref_slice %arg9[%mul3A_53] : memref<10240xf32, #tpu.memory_space<vmem_shared>> -> memref<640xf32, #tpu.memory_space<vmem_shared>>
      tpu.enqueue_dma source(%dma_start3A_64 : memref<640xf32, #tpu.memory_space<vmem_shared>>) target(%arg8 : memref<640xf32, #tpu.memory_space<vmem>>) target_semaphore(%run_scoped3A : memref<!tpu.dma_semaphore, #tpu.memory_space<semaphore_mem>>)
      %dma_wait3A = tpu.memref_slice %arg9[%mul3A_53] : memref<10240xf32, #tpu.memory_space<vmem_shared>> -> memref<640xf32, #tpu.memory_space<vmem_shared>>
      %dma_wait3A_65 = tpu.memref_slice %arg9[%mul3A_53] : memref<10240xf32, #tpu.memory_space<vmem_shared>> -> memref<640xf32, #tpu.memory_space<vmem_shared>>
      tpu.wait_dma2 semaphore(%run_scoped3A : memref<!tpu.dma_semaphore, #tpu.memory_space<semaphore_mem>>) src(%dma_wait3A_65 : memref<640xf32, #tpu.memory_space<vmem_shared>>) dst(%arg8 : memref<640xf32, #tpu.memory_space<vmem>>)
      tpu.yield
    }) : () -> ()
    %eq3A_54 = arith.constant 0 : i32
    %eq3A_55 = arith.cmpi eq, %arg0, %eq3A_54 : i32
    %convert_element_type3A_56 = arith.extui %eq3A_55 : i1 to i32
    %cond3A_57 = arith.constant 0 : i32
    %cond3A_58 = arith.cmpi ne, %convert_element_type3A_56, %cond3A_57 : i32
    scf.if %cond3A_58 {
      %mul3A_64 = arith.constant 640 : i32
      %mul3A_65 = arith.muli %arg1, %mul3A_64 : i32
      "tpu.region"() ({
        %run_scoped3A = tpu.sem_alloc : memref<!tpu.dma_semaphore, #tpu.memory_space<semaphore_mem>>
        %dma_start3A = tpu.memref_slice %arg4[%mul3A_65] : memref<10240xf32, #tpu.memory_space<hbm>> -> memref<640xf32, #tpu.memory_space<hbm>>
        %dma_start3A_66 = tpu.memref_slice %arg4[%mul3A_65] : memref<10240xf32, #tpu.memory_space<hbm>> -> memref<640xf32, #tpu.memory_space<hbm>>
        tpu.enqueue_dma source(%arg8 : memref<640xf32, #tpu.memory_space<vmem>>) target(%dma_start3A_66 : memref<640xf32, #tpu.memory_space<hbm>>) target_semaphore(%run_scoped3A : memref<!tpu.dma_semaphore, #tpu.memory_space<semaphore_mem>>)
        %dma_wait3A = tpu.memref_slice %arg4[%mul3A_65] : memref<10240xf32, #tpu.memory_space<hbm>> -> memref<640xf32, #tpu.memory_space<hbm>>
        %dma_wait3A_67 = tpu.memref_slice %arg4[%mul3A_65] : memref<10240xf32, #tpu.memory_space<hbm>> -> memref<640xf32, #tpu.memory_space<hbm>>
        tpu.wait_dma2 semaphore(%run_scoped3A : memref<!tpu.dma_semaphore, #tpu.memory_space<semaphore_mem>>) src(%arg8 : memref<640xf32, #tpu.memory_space<vmem>>) dst(%dma_wait3A_67 : memref<640xf32, #tpu.memory_space<hbm>>)
        tpu.yield
      }) : () -> ()
    } else {
    }
    %eq3A_59 = arith.constant 1 : i32
    %eq3A_60 = arith.cmpi eq, %arg0, %eq3A_59 : i32
    %convert_element_type3A_61 = arith.extui %eq3A_60 : i1 to i32
    %cond3A_62 = arith.constant 0 : i32
    %cond3A_63 = arith.cmpi ne, %convert_element_type3A_61, %cond3A_62 : i32
    scf.if %cond3A_63 {
      %mul3A_64 = arith.constant 640 : i32
      %mul3A_65 = arith.muli %arg1, %mul3A_64 : i32
      "tpu.region"() ({
        %run_scoped3A = tpu.sem_alloc : memref<!tpu.dma_semaphore, #tpu.memory_space<semaphore_mem>>
        %dma_start3A = tpu.memref_slice %arg5[%mul3A_65] : memref<10240xf32, #tpu.memory_space<hbm>> -> memref<640xf32, #tpu.memory_space<hbm>>
        %dma_start3A_66 = tpu.memref_slice %arg5[%mul3A_65] : memref<10240xf32, #tpu.memory_space<hbm>> -> memref<640xf32, #tpu.memory_space<hbm>>
        tpu.enqueue_dma source(%arg8 : memref<640xf32, #tpu.memory_space<vmem>>) target(%dma_start3A_66 : memref<640xf32, #tpu.memory_space<hbm>>) target_semaphore(%run_scoped3A : memref<!tpu.dma_semaphore, #tpu.memory_space<semaphore_mem>>)
        %dma_wait3A = tpu.memref_slice %arg5[%mul3A_65] : memref<10240xf32, #tpu.memory_space<hbm>> -> memref<640xf32, #tpu.memory_space<hbm>>
        %dma_wait3A_67 = tpu.memref_slice %arg5[%mul3A_65] : memref<10240xf32, #tpu.memory_space<hbm>> -> memref<640xf32, #tpu.memory_space<hbm>>
        tpu.wait_dma2 semaphore(%run_scoped3A : memref<!tpu.dma_semaphore, #tpu.memory_space<semaphore_mem>>) src(%arg8 : memref<640xf32, #tpu.memory_space<vmem>>) dst(%dma_wait3A_67 : memref<640xf32, #tpu.memory_space<hbm>>)
        tpu.yield
      }) : () -> ()
    } else {
    }
    return
  }
}

#map = affine_map<(d0, d1) -> (0, 0)>
module attributes {stable_mosaic.version = 14 : i64} {
  func.func @_edge_body(%arg0: i32, %arg1: i32, %arg2: memref<2560x128xi32, #tpu.memory_space<hbm>>, %arg3: memref<2560x128xi32, #tpu.memory_space<hbm>>, %arg4: memref<10240x128xf32, #tpu.memory_space<hbm>>, %arg5: memref<20480x128xf32, #tpu.memory_space<hbm>>, %arg6: memref<40x128xi32, #tpu.memory_space<vmem>>, %arg7: memref<40x128xi32, #tpu.memory_space<vmem>>, %arg8: memref<128x128xf32, #tpu.memory_space<vmem>>, %arg9: memref<128x128xf32, #tpu.memory_space<vmem>>, %arg10: memref<!tpu.dma_semaphore, #tpu.memory_space<semaphore_mem>>, %arg11: memref<!tpu.dma_semaphore, #tpu.memory_space<semaphore_mem>>, %arg12: memref<10240x128xf32, #tpu.memory_space<vmem_shared>>) attributes {dimension_semantics = [#tpu.dimension_semantics<core_parallel>, #tpu.dimension_semantics<subcore_parallel>], iteration_bounds = array<i64: 2, 16>, scalar_prefetch = 0 : i64, scratch_operands = 7 : i64, tpu.core_type = #tpu.core_type<sc_vector_subcore>, window_params = [{transform_indices = #map}, {transform_indices = #map}, {transform_indices = #map}, {transform_indices = #map}]} {
    %mul3A = arith.constant 10240 : i32
    %mul3A_0 = arith.muli %arg0, %mul3A : i32
    %multiple_of3A = tpu.assume_multiple %mul3A_0, 10240 : i32
    %mul3A_1 = arith.constant 16 : i32
    %mul3A_2 = arith.muli %arg0, %mul3A_1 : i32
    %add3A = arith.addi %mul3A_2, %arg1 : i32
    %mul3A_3 = arith.constant 80 : i32
    %mul3A_4 = arith.muli %add3A, %mul3A_3 : i32
    %broadcast_in_dim3A = arith.constant 0.000000e+00 : f32
    %broadcast_in_dim3A_5 = vector.broadcast %broadcast_in_dim3A : f32 to vector<16xf32>
    %scan3A = arith.constant 0 : i32
    %scan3A_6 = arith.constant 128 : i32
    %scan3A_7 = arith.addi %scan3A, %scan3A_6 : i32
    %scan3A_8 = arith.constant 1 : i32
    scf.for %scan3A_61 = %scan3A to %scan3A_7 step %scan3A_8  : i32 {
      %mul3A_62 = arith.constant 1 : i32
      %mul3A_63 = arith.muli %scan3A_61, %mul3A_62 : i32
      %add3A_64 = arith.constant 0 : i32
      %add3A_65 = arith.addi %add3A_64, %mul3A_63 : i32
      %swap3A = arith.index_cast %add3A_65 : i32 to index
      %swap3A_66 = arith.constant 0 : index
      %swap3A_67 = tpu.vector_load %arg8[%swap3A, %swap3A_66] {strides = array<i32>} : memref<128x128xf32, #tpu.memory_space<vmem>>, vector<1x16xf32>,
      %swap3A_68 = vector.shape_cast %swap3A_67 : vector<1x16xf32> to vector<16xf32>
      %swap3A_69 = vector.shape_cast %broadcast_in_dim3A_5 : vector<16xf32> to vector<1x16xf32>
      tpu.vector_store %arg8[%swap3A, %swap3A_66], %swap3A_69 {strides = array<i32>} : memref<128x128xf32, #tpu.memory_space<vmem>>, vector<1x16xf32>,
      %swap3A_70 = arith.index_cast %add3A_65 : i32 to index
      %swap3A_71 = arith.constant 16 : index
      %swap3A_72 = tpu.vector_load %arg8[%swap3A_70, %swap3A_71] {strides = array<i32>} : memref<128x128xf32, #tpu.memory_space<vmem>>, vector<1x16xf32>,
      %swap3A_73 = vector.shape_cast %swap3A_72 : vector<1x16xf32> to vector<16xf32>
      %swap3A_74 = vector.shape_cast %broadcast_in_dim3A_5 : vector<16xf32> to vector<1x16xf32>
      tpu.vector_store %arg8[%swap3A_70, %swap3A_71], %swap3A_74 {strides = array<i32>} : memref<128x128xf32, #tpu.memory_space<vmem>>, vector<1x16xf32>,
      %swap3A_75 = arith.index_cast %add3A_65 : i32 to index
      %swap3A_76 = arith.constant 32 : index
      %swap3A_77 = tpu.vector_load %arg8[%swap3A_75, %swap3A_76] {strides = array<i32>} : memref<128x128xf32, #tpu.memory_space<vmem>>, vector<1x16xf32>,
      %swap3A_78 = vector.shape_cast %swap3A_77 : vector<1x16xf32> to vector<16xf32>
      %swap3A_79 = vector.shape_cast %broadcast_in_dim3A_5 : vector<16xf32> to vector<1x16xf32>
      tpu.vector_store %arg8[%swap3A_75, %swap3A_76], %swap3A_79 {strides = array<i32>} : memref<128x128xf32, #tpu.memory_space<vmem>>, vector<1x16xf32>,
      %swap3A_80 = arith.index_cast %add3A_65 : i32 to index
      %swap3A_81 = arith.constant 48 : index
      %swap3A_82 = tpu.vector_load %arg8[%swap3A_80, %swap3A_81] {strides = array<i32>} : memref<128x128xf32, #tpu.memory_space<vmem>>, vector<1x16xf32>,
      %swap3A_83 = vector.shape_cast %swap3A_82 : vector<1x16xf32> to vector<16xf32>
      %swap3A_84 = vector.shape_cast %broadcast_in_dim3A_5 : vector<16xf32> to vector<1x16xf32>
      tpu.vector_store %arg8[%swap3A_80, %swap3A_81], %swap3A_84 {strides = array<i32>} : memref<128x128xf32, #tpu.memory_space<vmem>>, vector<1x16xf32>,
      %swap3A_85 = arith.index_cast %add3A_65 : i32 to index
      %swap3A_86 = arith.constant 64 : index
      %swap3A_87 = tpu.vector_load %arg8[%swap3A_85, %swap3A_86] {strides = array<i32>} : memref<128x128xf32, #tpu.memory_space<vmem>>, vector<1x16xf32>,
      %swap3A_88 = vector.shape_cast %swap3A_87 : vector<1x16xf32> to vector<16xf32>
      %swap3A_89 = vector.shape_cast %broadcast_in_dim3A_5 : vector<16xf32> to vector<1x16xf32>
      tpu.vector_store %arg8[%swap3A_85, %swap3A_86], %swap3A_89 {strides = array<i32>} : memref<128x128xf32, #tpu.memory_space<vmem>>, vector<1x16xf32>,
      %swap3A_90 = arith.index_cast %add3A_65 : i32 to index
      %swap3A_91 = arith.constant 80 : index
      %swap3A_92 = tpu.vector_load %arg8[%swap3A_90, %swap3A_91] {strides = array<i32>} : memref<128x128xf32, #tpu.memory_space<vmem>>, vector<1x16xf32>,
      %swap3A_93 = vector.shape_cast %swap3A_92 : vector<1x16xf32> to vector<16xf32>
      %swap3A_94 = vector.shape_cast %broadcast_in_dim3A_5 : vector<16xf32> to vector<1x16xf32>
      tpu.vector_store %arg8[%swap3A_90, %swap3A_91], %swap3A_94 {strides = array<i32>} : memref<128x128xf32, #tpu.memory_space<vmem>>, vector<1x16xf32>,
      %swap3A_95 = arith.index_cast %add3A_65 : i32 to index
      %swap3A_96 = arith.constant 96 : index
      %swap3A_97 = tpu.vector_load %arg8[%swap3A_95, %swap3A_96] {strides = array<i32>} : memref<128x128xf32, #tpu.memory_space<vmem>>, vector<1x16xf32>,
      %swap3A_98 = vector.shape_cast %swap3A_97 : vector<1x16xf32> to vector<16xf32>
      %swap3A_99 = vector.shape_cast %broadcast_in_dim3A_5 : vector<16xf32> to vector<1x16xf32>
      tpu.vector_store %arg8[%swap3A_95, %swap3A_96], %swap3A_99 {strides = array<i32>} : memref<128x128xf32, #tpu.memory_space<vmem>>, vector<1x16xf32>,
      %swap3A_100 = arith.index_cast %add3A_65 : i32 to index
      %swap3A_101 = arith.constant 112 : index
      %swap3A_102 = tpu.vector_load %arg8[%swap3A_100, %swap3A_101] {strides = array<i32>} : memref<128x128xf32, #tpu.memory_space<vmem>>, vector<1x16xf32>,
      %swap3A_103 = vector.shape_cast %swap3A_102 : vector<1x16xf32> to vector<16xf32>
      %swap3A_104 = vector.shape_cast %broadcast_in_dim3A_5 : vector<16xf32> to vector<1x16xf32>
      tpu.vector_store %arg8[%swap3A_100, %swap3A_101], %swap3A_104 {strides = array<i32>} : memref<128x128xf32, #tpu.memory_space<vmem>>, vector<1x16xf32>,
    }
    %scan3A_9 = arith.constant 128 : i32
    %mul3A_10 = arith.constant 640 : i32
    %mul3A_11 = arith.muli %arg1, %mul3A_10 : i32
    %add3A_12 = arith.constant 0 : i32
    %add3A_13 = arith.addi %mul3A_11, %add3A_12 : i32
    "tpu.region"() ({
      %run_scoped3A = tpu.sem_alloc : memref<!tpu.dma_semaphore, #tpu.memory_space<semaphore_mem>>
      %dma_start3A = arith.constant 0 : i32
      %dma_start3A_61 = tpu.memref_slice %arg12[%add3A_13, %dma_start3A] : memref<10240x128xf32, #tpu.memory_space<vmem_shared>> -> memref<128x128xf32, #tpu.memory_space<vmem_shared>>
      %dma_start3A_62 = arith.constant 0 : i32
      %dma_start3A_63 = tpu.memref_slice %arg12[%add3A_13, %dma_start3A_62] : memref<10240x128xf32, #tpu.memory_space<vmem_shared>> -> memref<128x128xf32, #tpu.memory_space<vmem_shared>>
      tpu.enqueue_dma source(%arg8 : memref<128x128xf32, #tpu.memory_space<vmem>>) target(%dma_start3A_63 : memref<128x128xf32, #tpu.memory_space<vmem_shared>>) target_semaphore(%run_scoped3A : memref<!tpu.dma_semaphore, #tpu.memory_space<semaphore_mem>>)
      %dma_wait3A = arith.constant 0 : i32
      %dma_wait3A_64 = tpu.memref_slice %arg12[%add3A_13, %dma_wait3A] : memref<10240x128xf32, #tpu.memory_space<vmem_shared>> -> memref<128x128xf32, #tpu.memory_space<vmem_shared>>
      %dma_wait3A_65 = arith.constant 0 : i32
      %dma_wait3A_66 = tpu.memref_slice %arg12[%add3A_13, %dma_wait3A_65] : memref<10240x128xf32, #tpu.memory_space<vmem_shared>> -> memref<128x128xf32, #tpu.memory_space<vmem_shared>>
      tpu.wait_dma2 semaphore(%run_scoped3A : memref<!tpu.dma_semaphore, #tpu.memory_space<semaphore_mem>>) src(%arg8 : memref<128x128xf32, #tpu.memory_space<vmem>>) dst(%dma_wait3A_66 : memref<128x128xf32, #tpu.memory_space<vmem_shared>>)
      tpu.yield
    }) : () -> ()
    %mul3A_14 = arith.constant 640 : i32
    %mul3A_15 = arith.muli %arg1, %mul3A_14 : i32
    %add3A_16 = arith.constant 128 : i32
    %add3A_17 = arith.addi %mul3A_15, %add3A_16 : i32
    "tpu.region"() ({
      %run_scoped3A = tpu.sem_alloc : memref<!tpu.dma_semaphore, #tpu.memory_space<semaphore_mem>>
      %dma_start3A = arith.constant 0 : i32
      %dma_start3A_61 = tpu.memref_slice %arg12[%add3A_17, %dma_start3A] : memref<10240x128xf32, #tpu.memory_space<vmem_shared>> -> memref<128x128xf32, #tpu.memory_space<vmem_shared>>
      %dma_start3A_62 = arith.constant 0 : i32
      %dma_start3A_63 = tpu.memref_slice %arg12[%add3A_17, %dma_start3A_62] : memref<10240x128xf32, #tpu.memory_space<vmem_shared>> -> memref<128x128xf32, #tpu.memory_space<vmem_shared>>
      tpu.enqueue_dma source(%arg8 : memref<128x128xf32, #tpu.memory_space<vmem>>) target(%dma_start3A_63 : memref<128x128xf32, #tpu.memory_space<vmem_shared>>) target_semaphore(%run_scoped3A : memref<!tpu.dma_semaphore, #tpu.memory_space<semaphore_mem>>)
      %dma_wait3A = arith.constant 0 : i32
      %dma_wait3A_64 = tpu.memref_slice %arg12[%add3A_17, %dma_wait3A] : memref<10240x128xf32, #tpu.memory_space<vmem_shared>> -> memref<128x128xf32, #tpu.memory_space<vmem_shared>>
      %dma_wait3A_65 = arith.constant 0 : i32
      %dma_wait3A_66 = tpu.memref_slice %arg12[%add3A_17, %dma_wait3A_65] : memref<10240x128xf32, #tpu.memory_space<vmem_shared>> -> memref<128x128xf32, #tpu.memory_space<vmem_shared>>
      tpu.wait_dma2 semaphore(%run_scoped3A : memref<!tpu.dma_semaphore, #tpu.memory_space<semaphore_mem>>) src(%arg8 : memref<128x128xf32, #tpu.memory_space<vmem>>) dst(%dma_wait3A_66 : memref<128x128xf32, #tpu.memory_space<vmem_shared>>)
      tpu.yield
    }) : () -> ()
    %mul3A_18 = arith.constant 640 : i32
    %mul3A_19 = arith.muli %arg1, %mul3A_18 : i32
    %add3A_20 = arith.constant 256 : i32
    %add3A_21 = arith.addi %mul3A_19, %add3A_20 : i32
    "tpu.region"() ({
      %run_scoped3A = tpu.sem_alloc : memref<!tpu.dma_semaphore, #tpu.memory_space<semaphore_mem>>
      %dma_start3A = arith.constant 0 : i32
      %dma_start3A_61 = tpu.memref_slice %arg12[%add3A_21, %dma_start3A] : memref<10240x128xf32, #tpu.memory_space<vmem_shared>> -> memref<128x128xf32, #tpu.memory_space<vmem_shared>>
      %dma_start3A_62 = arith.constant 0 : i32
      %dma_start3A_63 = tpu.memref_slice %arg12[%add3A_21, %dma_start3A_62] : memref<10240x128xf32, #tpu.memory_space<vmem_shared>> -> memref<128x128xf32, #tpu.memory_space<vmem_shared>>
      tpu.enqueue_dma source(%arg8 : memref<128x128xf32, #tpu.memory_space<vmem>>) target(%dma_start3A_63 : memref<128x128xf32, #tpu.memory_space<vmem_shared>>) target_semaphore(%run_scoped3A : memref<!tpu.dma_semaphore, #tpu.memory_space<semaphore_mem>>)
      %dma_wait3A = arith.constant 0 : i32
      %dma_wait3A_64 = tpu.memref_slice %arg12[%add3A_21, %dma_wait3A] : memref<10240x128xf32, #tpu.memory_space<vmem_shared>> -> memref<128x128xf32, #tpu.memory_space<vmem_shared>>
      %dma_wait3A_65 = arith.constant 0 : i32
      %dma_wait3A_66 = tpu.memref_slice %arg12[%add3A_21, %dma_wait3A_65] : memref<10240x128xf32, #tpu.memory_space<vmem_shared>> -> memref<128x128xf32, #tpu.memory_space<vmem_shared>>
      tpu.wait_dma2 semaphore(%run_scoped3A : memref<!tpu.dma_semaphore, #tpu.memory_space<semaphore_mem>>) src(%arg8 : memref<128x128xf32, #tpu.memory_space<vmem>>) dst(%dma_wait3A_66 : memref<128x128xf32, #tpu.memory_space<vmem_shared>>)
      tpu.yield
    }) : () -> ()
    %mul3A_22 = arith.constant 640 : i32
    %mul3A_23 = arith.muli %arg1, %mul3A_22 : i32
    %add3A_24 = arith.constant 384 : i32
    %add3A_25 = arith.addi %mul3A_23, %add3A_24 : i32
    "tpu.region"() ({
      %run_scoped3A = tpu.sem_alloc : memref<!tpu.dma_semaphore, #tpu.memory_space<semaphore_mem>>
      %dma_start3A = arith.constant 0 : i32
      %dma_start3A_61 = tpu.memref_slice %arg12[%add3A_25, %dma_start3A] : memref<10240x128xf32, #tpu.memory_space<vmem_shared>> -> memref<128x128xf32, #tpu.memory_space<vmem_shared>>
      %dma_start3A_62 = arith.constant 0 : i32
      %dma_start3A_63 = tpu.memref_slice %arg12[%add3A_25, %dma_start3A_62] : memref<10240x128xf32, #tpu.memory_space<vmem_shared>> -> memref<128x128xf32, #tpu.memory_space<vmem_shared>>
      tpu.enqueue_dma source(%arg8 : memref<128x128xf32, #tpu.memory_space<vmem>>) target(%dma_start3A_63 : memref<128x128xf32, #tpu.memory_space<vmem_shared>>) target_semaphore(%run_scoped3A : memref<!tpu.dma_semaphore, #tpu.memory_space<semaphore_mem>>)
      %dma_wait3A = arith.constant 0 : i32
      %dma_wait3A_64 = tpu.memref_slice %arg12[%add3A_25, %dma_wait3A] : memref<10240x128xf32, #tpu.memory_space<vmem_shared>> -> memref<128x128xf32, #tpu.memory_space<vmem_shared>>
      %dma_wait3A_65 = arith.constant 0 : i32
      %dma_wait3A_66 = tpu.memref_slice %arg12[%add3A_25, %dma_wait3A_65] : memref<10240x128xf32, #tpu.memory_space<vmem_shared>> -> memref<128x128xf32, #tpu.memory_space<vmem_shared>>
      tpu.wait_dma2 semaphore(%run_scoped3A : memref<!tpu.dma_semaphore, #tpu.memory_space<semaphore_mem>>) src(%arg8 : memref<128x128xf32, #tpu.memory_space<vmem>>) dst(%dma_wait3A_66 : memref<128x128xf32, #tpu.memory_space<vmem_shared>>)
      tpu.yield
    }) : () -> ()
    %mul3A_26 = arith.constant 640 : i32
    %mul3A_27 = arith.muli %arg1, %mul3A_26 : i32
    %add3A_28 = arith.constant 512 : i32
    %add3A_29 = arith.addi %mul3A_27, %add3A_28 : i32
    "tpu.region"() ({
      %run_scoped3A = tpu.sem_alloc : memref<!tpu.dma_semaphore, #tpu.memory_space<semaphore_mem>>
      %dma_start3A = arith.constant 0 : i32
      %dma_start3A_61 = tpu.memref_slice %arg12[%add3A_29, %dma_start3A] : memref<10240x128xf32, #tpu.memory_space<vmem_shared>> -> memref<128x128xf32, #tpu.memory_space<vmem_shared>>
      %dma_start3A_62 = arith.constant 0 : i32
      %dma_start3A_63 = tpu.memref_slice %arg12[%add3A_29, %dma_start3A_62] : memref<10240x128xf32, #tpu.memory_space<vmem_shared>> -> memref<128x128xf32, #tpu.memory_space<vmem_shared>>
      tpu.enqueue_dma source(%arg8 : memref<128x128xf32, #tpu.memory_space<vmem>>) target(%dma_start3A_63 : memref<128x128xf32, #tpu.memory_space<vmem_shared>>) target_semaphore(%run_scoped3A : memref<!tpu.dma_semaphore, #tpu.memory_space<semaphore_mem>>)
      %dma_wait3A = arith.constant 0 : i32
      %dma_wait3A_64 = tpu.memref_slice %arg12[%add3A_29, %dma_wait3A] : memref<10240x128xf32, #tpu.memory_space<vmem_shared>> -> memref<128x128xf32, #tpu.memory_space<vmem_shared>>
      %dma_wait3A_65 = arith.constant 0 : i32
      %dma_wait3A_66 = tpu.memref_slice %arg12[%add3A_29, %dma_wait3A_65] : memref<10240x128xf32, #tpu.memory_space<vmem_shared>> -> memref<128x128xf32, #tpu.memory_space<vmem_shared>>
      tpu.wait_dma2 semaphore(%run_scoped3A : memref<!tpu.dma_semaphore, #tpu.memory_space<semaphore_mem>>) src(%arg8 : memref<128x128xf32, #tpu.memory_space<vmem>>) dst(%dma_wait3A_66 : memref<128x128xf32, #tpu.memory_space<vmem_shared>>)
      tpu.yield
    }) : () -> ()
    %barrier3A = arith.constant 0 : index
    tpu.barrier barrier_id(%barrier3A)
    %scan3A_30 = arith.constant 0 : i32
    %scan3A_31 = arith.constant 2 : i32
    %scan3A_32 = arith.addi %scan3A_30, %scan3A_31 : i32
    %scan3A_33 = arith.constant 1 : i32
    scf.for %scan3A_61 = %scan3A_30 to %scan3A_32 step %scan3A_33  : i32 {
      %mul3A_62 = arith.constant 1 : i32
      %mul3A_63 = arith.muli %scan3A_61, %mul3A_62 : i32
      %add3A_64 = arith.constant 0 : i32
      %add3A_65 = arith.addi %add3A_64, %mul3A_63 : i32
      %mul3A_66 = arith.constant 40 : i32
      %mul3A_67 = arith.muli %add3A_65, %mul3A_66 : i32
      %add3A_68 = arith.addi %mul3A_4, %mul3A_67 : i32
      "tpu.region"() ({
        %run_scoped3A = tpu.sem_alloc : memref<!tpu.dma_semaphore, #tpu.memory_space<semaphore_mem>>
        %dma_start3A_83 = arith.constant 0 : i32
        %dma_start3A_84 = tpu.memref_slice %arg2[%add3A_68, %dma_start3A_83] : memref<2560x128xi32, #tpu.memory_space<hbm>> -> memref<40x128xi32, #tpu.memory_space<hbm>>
        %dma_start3A_85 = arith.constant 0 : i32
        %dma_start3A_86 = tpu.memref_slice %arg2[%add3A_68, %dma_start3A_85] : memref<2560x128xi32, #tpu.memory_space<hbm>> -> memref<40x128xi32, #tpu.memory_space<hbm>>
        tpu.enqueue_dma source(%dma_start3A_86 : memref<40x128xi32, #tpu.memory_space<hbm>>) target(%arg6 : memref<40x128xi32, #tpu.memory_space<vmem>>) target_semaphore(%run_scoped3A : memref<!tpu.dma_semaphore, #tpu.memory_space<semaphore_mem>>)
        %dma_wait3A = arith.constant 0 : i32
        %dma_wait3A_87 = tpu.memref_slice %arg2[%add3A_68, %dma_wait3A] : memref<2560x128xi32, #tpu.memory_space<hbm>> -> memref<40x128xi32, #tpu.memory_space<hbm>>
        %dma_wait3A_88 = arith.constant 0 : i32
        %dma_wait3A_89 = tpu.memref_slice %arg2[%add3A_68, %dma_wait3A_88] : memref<2560x128xi32, #tpu.memory_space<hbm>> -> memref<40x128xi32, #tpu.memory_space<hbm>>
        tpu.wait_dma2 semaphore(%run_scoped3A : memref<!tpu.dma_semaphore, #tpu.memory_space<semaphore_mem>>) src(%dma_wait3A_89 : memref<40x128xi32, #tpu.memory_space<hbm>>) dst(%arg6 : memref<40x128xi32, #tpu.memory_space<vmem>>)
        tpu.yield
      }) : () -> ()
      %mul3A_69 = arith.constant 40 : i32
      %mul3A_70 = arith.muli %add3A_65, %mul3A_69 : i32
      %add3A_71 = arith.addi %mul3A_4, %mul3A_70 : i32
      "tpu.region"() ({
        %run_scoped3A = tpu.sem_alloc : memref<!tpu.dma_semaphore, #tpu.memory_space<semaphore_mem>>
        %dma_start3A_83 = arith.constant 0 : i32
        %dma_start3A_84 = tpu.memref_slice %arg3[%add3A_71, %dma_start3A_83] : memref<2560x128xi32, #tpu.memory_space<hbm>> -> memref<40x128xi32, #tpu.memory_space<hbm>>
        %dma_start3A_85 = arith.constant 0 : i32
        %dma_start3A_86 = tpu.memref_slice %arg3[%add3A_71, %dma_start3A_85] : memref<2560x128xi32, #tpu.memory_space<hbm>> -> memref<40x128xi32, #tpu.memory_space<hbm>>
        tpu.enqueue_dma source(%dma_start3A_86 : memref<40x128xi32, #tpu.memory_space<hbm>>) target(%arg7 : memref<40x128xi32, #tpu.memory_space<vmem>>) target_semaphore(%run_scoped3A : memref<!tpu.dma_semaphore, #tpu.memory_space<semaphore_mem>>)
        %dma_wait3A = arith.constant 0 : i32
        %dma_wait3A_87 = tpu.memref_slice %arg3[%add3A_71, %dma_wait3A] : memref<2560x128xi32, #tpu.memory_space<hbm>> -> memref<40x128xi32, #tpu.memory_space<hbm>>
        %dma_wait3A_88 = arith.constant 0 : i32
        %dma_wait3A_89 = tpu.memref_slice %arg3[%add3A_71, %dma_wait3A_88] : memref<2560x128xi32, #tpu.memory_space<hbm>> -> memref<40x128xi32, #tpu.memory_space<hbm>>
        tpu.wait_dma2 semaphore(%run_scoped3A : memref<!tpu.dma_semaphore, #tpu.memory_space<semaphore_mem>>) src(%dma_wait3A_89 : memref<40x128xi32, #tpu.memory_space<hbm>>) dst(%arg7 : memref<40x128xi32, #tpu.memory_space<vmem>>)
        tpu.yield
      }) : () -> ()
      %dma_start3A = arith.constant 0 : i32
      %dma_start3A_72 = arith.constant 0 : i32
      %dma_start3A_73 = tpu.memref_slice %arg6[%dma_start3A, %dma_start3A_72] : memref<40x128xi32, #tpu.memory_space<vmem>> -> memref<1x128xi32, #tpu.memory_space<vmem>>
      %dma_start3A_74 = tpu.memref_squeeze %dma_start3A_73 : memref<1x128xi32, #tpu.memory_space<vmem>> -> memref<128xi32, #tpu.memory_space<vmem>>
      %dma_start3A_75 = arith.constant 0 : i32
      %dma_start3A_76 = arith.constant 0 : i32
      %dma_start3A_77 = tpu.memref_slice %arg4[%dma_start3A_75, %dma_start3A_76] : memref<10240x128xf32, #tpu.memory_space<hbm>> -> memref<10240x128xf32, #tpu.memory_space<hbm>>
      tpu.enqueue_indirect_dma source(%dma_start3A_77 : memref<10240x128xf32, #tpu.memory_space<hbm>>) target(%arg8 : memref<128x128xf32, #tpu.memory_space<vmem>>) offsets(%dma_start3A_74 : memref<128xi32, #tpu.memory_space<vmem>>) semaphore(%arg10 : memref<!tpu.dma_semaphore, #tpu.memory_space<semaphore_mem>>)
      %scan3A_78 = arith.constant 0 : i32
      %scan3A_79 = arith.constant 20 : i32
      %scan3A_80 = arith.addi %scan3A_78, %scan3A_79 : i32
      %scan3A_81 = arith.constant 1 : i32
      scf.for %scan3A_83 = %scan3A_78 to %scan3A_80 step %scan3A_81  : i32 {
        %mul3A_84 = arith.constant 1 : i32
        %mul3A_85 = arith.muli %scan3A_83, %mul3A_84 : i32
        %add3A_86 = arith.constant 0 : i32
        %add3A_87 = arith.addi %add3A_86, %mul3A_85 : i32
        %mul3A_88 = arith.constant 2 : i32
        %mul3A_89 = arith.muli %add3A_87, %mul3A_88 : i32
        %add3A_90 = arith.constant 1 : i32
        %add3A_91 = arith.addi %mul3A_89, %add3A_90 : i32
        %dma_start3A_92 = arith.constant 0 : i32
        %dma_start3A_93 = tpu.memref_slice %arg6[%add3A_91, %dma_start3A_92] : memref<40x128xi32, #tpu.memory_space<vmem>> -> memref<1x128xi32, #tpu.memory_space<vmem>>
        %dma_start3A_94 = tpu.memref_squeeze %dma_start3A_93 : memref<1x128xi32, #tpu.memory_space<vmem>> -> memref<128xi32, #tpu.memory_space<vmem>>
        %dma_start3A_95 = arith.constant 0 : i32
        %dma_start3A_96 = arith.constant 0 : i32
        %dma_start3A_97 = tpu.memref_slice %arg4[%dma_start3A_95, %dma_start3A_96] : memref<10240x128xf32, #tpu.memory_space<hbm>> -> memref<10240x128xf32, #tpu.memory_space<hbm>>
        tpu.enqueue_indirect_dma source(%dma_start3A_97 : memref<10240x128xf32, #tpu.memory_space<hbm>>) target(%arg9 : memref<128x128xf32, #tpu.memory_space<vmem>>) offsets(%dma_start3A_94 : memref<128xi32, #tpu.memory_space<vmem>>) semaphore(%arg11 : memref<!tpu.dma_semaphore, #tpu.memory_space<semaphore_mem>>)
        %dma_wait3A = arith.constant 0 : i32
        %dma_wait3A_98 = tpu.memref_slice %arg6[%mul3A_89, %dma_wait3A] : memref<40x128xi32, #tpu.memory_space<vmem>> -> memref<1x128xi32, #tpu.memory_space<vmem>>
        %dma_wait3A_99 = tpu.memref_squeeze %dma_wait3A_98 : memref<1x128xi32, #tpu.memory_space<vmem>> -> memref<128xi32, #tpu.memory_space<vmem>>
        %dma_wait3A_100 = arith.constant 0 : i32
        %dma_wait3A_101 = arith.constant 0 : i32
        %dma_wait3A_102 = tpu.memref_slice %arg4[%dma_wait3A_100, %dma_wait3A_101] : memref<10240x128xf32, #tpu.memory_space<hbm>> -> memref<10240x128xf32, #tpu.memory_space<hbm>>
        tpu.wait_indirect_dma semaphore(%arg10 : memref<!tpu.dma_semaphore, #tpu.memory_space<semaphore_mem>>) src(%dma_wait3A_102 : memref<10240x128xf32, #tpu.memory_space<hbm>>) dst(%arg8 : memref<128x128xf32, #tpu.memory_space<vmem>>)
        "tpu.region"() ({
          %run_scoped3A = tpu.sem_alloc : memref<!tpu.dma_semaphore, #tpu.memory_space<semaphore_mem>>
          %dma_start3A_115 = arith.constant 0 : i32
          %dma_start3A_116 = tpu.memref_slice %arg7[%mul3A_89, %dma_start3A_115] : memref<40x128xi32, #tpu.memory_space<vmem>> -> memref<1x128xi32, #tpu.memory_space<vmem>>
          %dma_start3A_117 = tpu.memref_squeeze %dma_start3A_116 : memref<1x128xi32, #tpu.memory_space<vmem>> -> memref<128xi32, #tpu.memory_space<vmem>>
          %dma_start3A_118 = arith.constant 0 : i32
          %dma_start3A_119 = arith.constant 0 : i32
          %dma_start3A_120 = tpu.memref_slice %arg12[%dma_start3A_118, %dma_start3A_119] : memref<10240x128xf32, #tpu.memory_space<vmem_shared>> -> memref<10240x128xf32, #tpu.memory_space<vmem_shared>>
          tpu.enqueue_indirect_dma source(%arg8 : memref<128x128xf32, #tpu.memory_space<vmem>>) target(%dma_start3A_120 : memref<10240x128xf32, #tpu.memory_space<vmem_shared>>) offsets(%dma_start3A_117 : memref<128xi32, #tpu.memory_space<vmem>>) semaphore(%run_scoped3A : memref<!tpu.dma_semaphore, #tpu.memory_space<semaphore_mem>>) {add = true}
          %dma_wait3A_121 = arith.constant 0 : i32
          %dma_wait3A_122 = tpu.memref_slice %arg7[%mul3A_89, %dma_wait3A_121] : memref<40x128xi32, #tpu.memory_space<vmem>> -> memref<1x128xi32, #tpu.memory_space<vmem>>
          %dma_wait3A_123 = tpu.memref_squeeze %dma_wait3A_122 : memref<1x128xi32, #tpu.memory_space<vmem>> -> memref<128xi32, #tpu.memory_space<vmem>>
          %dma_wait3A_124 = arith.constant 0 : i32
          %dma_wait3A_125 = arith.constant 0 : i32
          %dma_wait3A_126 = tpu.memref_slice %arg12[%dma_wait3A_124, %dma_wait3A_125] : memref<10240x128xf32, #tpu.memory_space<vmem_shared>> -> memref<10240x128xf32, #tpu.memory_space<vmem_shared>>
          tpu.wait_indirect_dma semaphore(%run_scoped3A : memref<!tpu.dma_semaphore, #tpu.memory_space<semaphore_mem>>) src(%arg8 : memref<128x128xf32, #tpu.memory_space<vmem>>) dst(%dma_wait3A_126 : memref<10240x128xf32, #tpu.memory_space<vmem_shared>>)
          tpu.yield
        }) : () -> ()
        %add3A_103 = arith.constant 1 : i32
        %add3A_104 = arith.addi %mul3A_89, %add3A_103 : i32
        %add3A_105 = arith.constant 1 : i32
        %add3A_106 = arith.addi %add3A_104, %add3A_105 : i32
        %lt3A = arith.constant 40 : i32
        %lt3A_107 = arith.cmpi slt, %add3A_106, %lt3A : i32
        %convert_element_type3A = arith.extui %lt3A_107 : i1 to i32
        %cond3A = arith.constant 0 : i32
        %cond3A_108 = arith.cmpi ne, %convert_element_type3A, %cond3A : i32
        scf.if %cond3A_108 {
          %add3A_115 = arith.constant 1 : i32
          %add3A_116 = arith.addi %add3A_104, %add3A_115 : i32
          %dma_start3A_117 = arith.constant 0 : i32
          %dma_start3A_118 = tpu.memref_slice %arg6[%add3A_116, %dma_start3A_117] : memref<40x128xi32, #tpu.memory_space<vmem>> -> memref<1x128xi32, #tpu.memory_space<vmem>>
          %dma_start3A_119 = tpu.memref_squeeze %dma_start3A_118 : memref<1x128xi32, #tpu.memory_space<vmem>> -> memref<128xi32, #tpu.memory_space<vmem>>
          %dma_start3A_120 = arith.constant 0 : i32
          %dma_start3A_121 = arith.constant 0 : i32
          %dma_start3A_122 = tpu.memref_slice %arg4[%dma_start3A_120, %dma_start3A_121] : memref<10240x128xf32, #tpu.memory_space<hbm>> -> memref<10240x128xf32, #tpu.memory_space<hbm>>
          tpu.enqueue_indirect_dma source(%dma_start3A_122 : memref<10240x128xf32, #tpu.memory_space<hbm>>) target(%arg8 : memref<128x128xf32, #tpu.memory_space<vmem>>) offsets(%dma_start3A_119 : memref<128xi32, #tpu.memory_space<vmem>>) semaphore(%arg10 : memref<!tpu.dma_semaphore, #tpu.memory_space<semaphore_mem>>)
        } else {
        }
        %dma_wait3A_109 = arith.constant 0 : i32
        %dma_wait3A_110 = tpu.memref_slice %arg6[%add3A_104, %dma_wait3A_109] : memref<40x128xi32, #tpu.memory_space<vmem>> -> memref<1x128xi32, #tpu.memory_space<vmem>>
        %dma_wait3A_111 = tpu.memref_squeeze %dma_wait3A_110 : memref<1x128xi32, #tpu.memory_space<vmem>> -> memref<128xi32, #tpu.memory_space<vmem>>
        %dma_wait3A_112 = arith.constant 0 : i32
        %dma_wait3A_113 = arith.constant 0 : i32
        %dma_wait3A_114 = tpu.memref_slice %arg4[%dma_wait3A_112, %dma_wait3A_113] : memref<10240x128xf32, #tpu.memory_space<hbm>> -> memref<10240x128xf32, #tpu.memory_space<hbm>>
        tpu.wait_indirect_dma semaphore(%arg11 : memref<!tpu.dma_semaphore, #tpu.memory_space<semaphore_mem>>) src(%dma_wait3A_114 : memref<10240x128xf32, #tpu.memory_space<hbm>>) dst(%arg9 : memref<128x128xf32, #tpu.memory_space<vmem>>)
        "tpu.region"() ({
          %run_scoped3A = tpu.sem_alloc : memref<!tpu.dma_semaphore, #tpu.memory_space<semaphore_mem>>
          %dma_start3A_115 = arith.constant 0 : i32
          %dma_start3A_116 = tpu.memref_slice %arg7[%add3A_104, %dma_start3A_115] : memref<40x128xi32, #tpu.memory_space<vmem>> -> memref<1x128xi32, #tpu.memory_space<vmem>>
          %dma_start3A_117 = tpu.memref_squeeze %dma_start3A_116 : memref<1x128xi32, #tpu.memory_space<vmem>> -> memref<128xi32, #tpu.memory_space<vmem>>
          %dma_start3A_118 = arith.constant 0 : i32
          %dma_start3A_119 = arith.constant 0 : i32
          %dma_start3A_120 = tpu.memref_slice %arg12[%dma_start3A_118, %dma_start3A_119] : memref<10240x128xf32, #tpu.memory_space<vmem_shared>> -> memref<10240x128xf32, #tpu.memory_space<vmem_shared>>
          tpu.enqueue_indirect_dma source(%arg9 : memref<128x128xf32, #tpu.memory_space<vmem>>) target(%dma_start3A_120 : memref<10240x128xf32, #tpu.memory_space<vmem_shared>>) offsets(%dma_start3A_117 : memref<128xi32, #tpu.memory_space<vmem>>) semaphore(%run_scoped3A : memref<!tpu.dma_semaphore, #tpu.memory_space<semaphore_mem>>) {add = true}
          %dma_wait3A_121 = arith.constant 0 : i32
          %dma_wait3A_122 = tpu.memref_slice %arg7[%add3A_104, %dma_wait3A_121] : memref<40x128xi32, #tpu.memory_space<vmem>> -> memref<1x128xi32, #tpu.memory_space<vmem>>
          %dma_wait3A_123 = tpu.memref_squeeze %dma_wait3A_122 : memref<1x128xi32, #tpu.memory_space<vmem>> -> memref<128xi32, #tpu.memory_space<vmem>>
          %dma_wait3A_124 = arith.constant 0 : i32
          %dma_wait3A_125 = arith.constant 0 : i32
          %dma_wait3A_126 = tpu.memref_slice %arg12[%dma_wait3A_124, %dma_wait3A_125] : memref<10240x128xf32, #tpu.memory_space<vmem_shared>> -> memref<10240x128xf32, #tpu.memory_space<vmem_shared>>
          tpu.wait_indirect_dma semaphore(%run_scoped3A : memref<!tpu.dma_semaphore, #tpu.memory_space<semaphore_mem>>) src(%arg9 : memref<128x128xf32, #tpu.memory_space<vmem>>) dst(%dma_wait3A_126 : memref<10240x128xf32, #tpu.memory_space<vmem_shared>>)
          tpu.yield
        }) : () -> ()
      }
      %scan3A_82 = arith.constant 20 : i32
    }
    %scan3A_34 = arith.constant 2 : i32
    %barrier3A_35 = arith.constant 0 : index
    tpu.barrier barrier_id(%barrier3A_35)
    %mul3A_36 = arith.constant 640 : i32
    %mul3A_37 = arith.muli %arg1, %mul3A_36 : i32
    %add3A_38 = arith.constant 0 : i32
    %add3A_39 = arith.addi %mul3A_37, %add3A_38 : i32
    "tpu.region"() ({
      %run_scoped3A = tpu.sem_alloc : memref<!tpu.dma_semaphore, #tpu.memory_space<semaphore_mem>>
      %dma_start3A = arith.constant 0 : i32
      %dma_start3A_61 = tpu.memref_slice %arg12[%add3A_39, %dma_start3A] : memref<10240x128xf32, #tpu.memory_space<vmem_shared>> -> memref<128x128xf32, #tpu.memory_space<vmem_shared>>
      %dma_start3A_62 = arith.constant 0 : i32
      %dma_start3A_63 = tpu.memref_slice %arg12[%add3A_39, %dma_start3A_62] : memref<10240x128xf32, #tpu.memory_space<vmem_shared>> -> memref<128x128xf32, #tpu.memory_space<vmem_shared>>
      tpu.enqueue_dma source(%dma_start3A_63 : memref<128x128xf32, #tpu.memory_space<vmem_shared>>) target(%arg8 : memref<128x128xf32, #tpu.memory_space<vmem>>) target_semaphore(%run_scoped3A : memref<!tpu.dma_semaphore, #tpu.memory_space<semaphore_mem>>)
      %dma_wait3A = arith.constant 0 : i32
      %dma_wait3A_64 = tpu.memref_slice %arg12[%add3A_39, %dma_wait3A] : memref<10240x128xf32, #tpu.memory_space<vmem_shared>> -> memref<128x128xf32, #tpu.memory_space<vmem_shared>>
      %dma_wait3A_65 = arith.constant 0 : i32
      %dma_wait3A_66 = tpu.memref_slice %arg12[%add3A_39, %dma_wait3A_65] : memref<10240x128xf32, #tpu.memory_space<vmem_shared>> -> memref<128x128xf32, #tpu.memory_space<vmem_shared>>
      tpu.wait_dma2 semaphore(%run_scoped3A : memref<!tpu.dma_semaphore, #tpu.memory_space<semaphore_mem>>) src(%dma_wait3A_66 : memref<128x128xf32, #tpu.memory_space<vmem_shared>>) dst(%arg8 : memref<128x128xf32, #tpu.memory_space<vmem>>)
      tpu.yield
    }) : () -> ()
    %add3A_40 = arith.addi %multiple_of3A, %add3A_39 : i32
    "tpu.region"() ({
      %run_scoped3A = tpu.sem_alloc : memref<!tpu.dma_semaphore, #tpu.memory_space<semaphore_mem>>
      %dma_start3A = arith.constant 0 : i32
      %dma_start3A_61 = tpu.memref_slice %arg5[%add3A_40, %dma_start3A] : memref<20480x128xf32, #tpu.memory_space<hbm>> -> memref<128x128xf32, #tpu.memory_space<hbm>>
      %dma_start3A_62 = arith.constant 0 : i32
      %dma_start3A_63 = tpu.memref_slice %arg5[%add3A_40, %dma_start3A_62] : memref<20480x128xf32, #tpu.memory_space<hbm>> -> memref<128x128xf32, #tpu.memory_space<hbm>>
      tpu.enqueue_dma source(%arg8 : memref<128x128xf32, #tpu.memory_space<vmem>>) target(%dma_start3A_63 : memref<128x128xf32, #tpu.memory_space<hbm>>) target_semaphore(%run_scoped3A : memref<!tpu.dma_semaphore, #tpu.memory_space<semaphore_mem>>)
      %dma_wait3A = arith.constant 0 : i32
      %dma_wait3A_64 = tpu.memref_slice %arg5[%add3A_40, %dma_wait3A] : memref<20480x128xf32, #tpu.memory_space<hbm>> -> memref<128x128xf32, #tpu.memory_space<hbm>>
      %dma_wait3A_65 = arith.constant 0 : i32
      %dma_wait3A_66 = tpu.memref_slice %arg5[%add3A_40, %dma_wait3A_65] : memref<20480x128xf32, #tpu.memory_space<hbm>> -> memref<128x128xf32, #tpu.memory_space<hbm>>
      tpu.wait_dma2 semaphore(%run_scoped3A : memref<!tpu.dma_semaphore, #tpu.memory_space<semaphore_mem>>) src(%arg8 : memref<128x128xf32, #tpu.memory_space<vmem>>) dst(%dma_wait3A_66 : memref<128x128xf32, #tpu.memory_space<hbm>>)
      tpu.yield
    }) : () -> ()
    %mul3A_41 = arith.constant 640 : i32
    %mul3A_42 = arith.muli %arg1, %mul3A_41 : i32
    %add3A_43 = arith.constant 128 : i32
    %add3A_44 = arith.addi %mul3A_42, %add3A_43 : i32
    "tpu.region"() ({
      %run_scoped3A = tpu.sem_alloc : memref<!tpu.dma_semaphore, #tpu.memory_space<semaphore_mem>>
      %dma_start3A = arith.constant 0 : i32
      %dma_start3A_61 = tpu.memref_slice %arg12[%add3A_44, %dma_start3A] : memref<10240x128xf32, #tpu.memory_space<vmem_shared>> -> memref<128x128xf32, #tpu.memory_space<vmem_shared>>
      %dma_start3A_62 = arith.constant 0 : i32
      %dma_start3A_63 = tpu.memref_slice %arg12[%add3A_44, %dma_start3A_62] : memref<10240x128xf32, #tpu.memory_space<vmem_shared>> -> memref<128x128xf32, #tpu.memory_space<vmem_shared>>
      tpu.enqueue_dma source(%dma_start3A_63 : memref<128x128xf32, #tpu.memory_space<vmem_shared>>) target(%arg8 : memref<128x128xf32, #tpu.memory_space<vmem>>) target_semaphore(%run_scoped3A : memref<!tpu.dma_semaphore, #tpu.memory_space<semaphore_mem>>)
      %dma_wait3A = arith.constant 0 : i32
      %dma_wait3A_64 = tpu.memref_slice %arg12[%add3A_44, %dma_wait3A] : memref<10240x128xf32, #tpu.memory_space<vmem_shared>> -> memref<128x128xf32, #tpu.memory_space<vmem_shared>>
      %dma_wait3A_65 = arith.constant 0 : i32
      %dma_wait3A_66 = tpu.memref_slice %arg12[%add3A_44, %dma_wait3A_65] : memref<10240x128xf32, #tpu.memory_space<vmem_shared>> -> memref<128x128xf32, #tpu.memory_space<vmem_shared>>
      tpu.wait_dma2 semaphore(%run_scoped3A : memref<!tpu.dma_semaphore, #tpu.memory_space<semaphore_mem>>) src(%dma_wait3A_66 : memref<128x128xf32, #tpu.memory_space<vmem_shared>>) dst(%arg8 : memref<128x128xf32, #tpu.memory_space<vmem>>)
      tpu.yield
    }) : () -> ()
    %add3A_45 = arith.addi %multiple_of3A, %add3A_44 : i32
    "tpu.region"() ({
      %run_scoped3A = tpu.sem_alloc : memref<!tpu.dma_semaphore, #tpu.memory_space<semaphore_mem>>
      %dma_start3A = arith.constant 0 : i32
      %dma_start3A_61 = tpu.memref_slice %arg5[%add3A_45, %dma_start3A] : memref<20480x128xf32, #tpu.memory_space<hbm>> -> memref<128x128xf32, #tpu.memory_space<hbm>>
      %dma_start3A_62 = arith.constant 0 : i32
      %dma_start3A_63 = tpu.memref_slice %arg5[%add3A_45, %dma_start3A_62] : memref<20480x128xf32, #tpu.memory_space<hbm>> -> memref<128x128xf32, #tpu.memory_space<hbm>>
      tpu.enqueue_dma source(%arg8 : memref<128x128xf32, #tpu.memory_space<vmem>>) target(%dma_start3A_63 : memref<128x128xf32, #tpu.memory_space<hbm>>) target_semaphore(%run_scoped3A : memref<!tpu.dma_semaphore, #tpu.memory_space<semaphore_mem>>)
      %dma_wait3A = arith.constant 0 : i32
      %dma_wait3A_64 = tpu.memref_slice %arg5[%add3A_45, %dma_wait3A] : memref<20480x128xf32, #tpu.memory_space<hbm>> -> memref<128x128xf32, #tpu.memory_space<hbm>>
      %dma_wait3A_65 = arith.constant 0 : i32
      %dma_wait3A_66 = tpu.memref_slice %arg5[%add3A_45, %dma_wait3A_65] : memref<20480x128xf32, #tpu.memory_space<hbm>> -> memref<128x128xf32, #tpu.memory_space<hbm>>
      tpu.wait_dma2 semaphore(%run_scoped3A : memref<!tpu.dma_semaphore, #tpu.memory_space<semaphore_mem>>) src(%arg8 : memref<128x128xf32, #tpu.memory_space<vmem>>) dst(%dma_wait3A_66 : memref<128x128xf32, #tpu.memory_space<hbm>>)
      tpu.yield
    }) : () -> ()
    %mul3A_46 = arith.constant 640 : i32
    %mul3A_47 = arith.muli %arg1, %mul3A_46 : i32
    %add3A_48 = arith.constant 256 : i32
    %add3A_49 = arith.addi %mul3A_47, %add3A_48 : i32
    "tpu.region"() ({
      %run_scoped3A = tpu.sem_alloc : memref<!tpu.dma_semaphore, #tpu.memory_space<semaphore_mem>>
      %dma_start3A = arith.constant 0 : i32
      %dma_start3A_61 = tpu.memref_slice %arg12[%add3A_49, %dma_start3A] : memref<10240x128xf32, #tpu.memory_space<vmem_shared>> -> memref<128x128xf32, #tpu.memory_space<vmem_shared>>
      %dma_start3A_62 = arith.constant 0 : i32
      %dma_start3A_63 = tpu.memref_slice %arg12[%add3A_49, %dma_start3A_62] : memref<10240x128xf32, #tpu.memory_space<vmem_shared>> -> memref<128x128xf32, #tpu.memory_space<vmem_shared>>
      tpu.enqueue_dma source(%dma_start3A_63 : memref<128x128xf32, #tpu.memory_space<vmem_shared>>) target(%arg8 : memref<128x128xf32, #tpu.memory_space<vmem>>) target_semaphore(%run_scoped3A : memref<!tpu.dma_semaphore, #tpu.memory_space<semaphore_mem>>)
      %dma_wait3A = arith.constant 0 : i32
      %dma_wait3A_64 = tpu.memref_slice %arg12[%add3A_49, %dma_wait3A] : memref<10240x128xf32, #tpu.memory_space<vmem_shared>> -> memref<128x128xf32, #tpu.memory_space<vmem_shared>>
      %dma_wait3A_65 = arith.constant 0 : i32
      %dma_wait3A_66 = tpu.memref_slice %arg12[%add3A_49, %dma_wait3A_65] : memref<10240x128xf32, #tpu.memory_space<vmem_shared>> -> memref<128x128xf32, #tpu.memory_space<vmem_shared>>
      tpu.wait_dma2 semaphore(%run_scoped3A : memref<!tpu.dma_semaphore, #tpu.memory_space<semaphore_mem>>) src(%dma_wait3A_66 : memref<128x128xf32, #tpu.memory_space<vmem_shared>>) dst(%arg8 : memref<128x128xf32, #tpu.memory_space<vmem>>)
      tpu.yield
    }) : () -> ()
    %add3A_50 = arith.addi %multiple_of3A, %add3A_49 : i32
    "tpu.region"() ({
      %run_scoped3A = tpu.sem_alloc : memref<!tpu.dma_semaphore, #tpu.memory_space<semaphore_mem>>
      %dma_start3A = arith.constant 0 : i32
      %dma_start3A_61 = tpu.memref_slice %arg5[%add3A_50, %dma_start3A] : memref<20480x128xf32, #tpu.memory_space<hbm>> -> memref<128x128xf32, #tpu.memory_space<hbm>>
      %dma_start3A_62 = arith.constant 0 : i32
      %dma_start3A_63 = tpu.memref_slice %arg5[%add3A_50, %dma_start3A_62] : memref<20480x128xf32, #tpu.memory_space<hbm>> -> memref<128x128xf32, #tpu.memory_space<hbm>>
      tpu.enqueue_dma source(%arg8 : memref<128x128xf32, #tpu.memory_space<vmem>>) target(%dma_start3A_63 : memref<128x128xf32, #tpu.memory_space<hbm>>) target_semaphore(%run_scoped3A : memref<!tpu.dma_semaphore, #tpu.memory_space<semaphore_mem>>)
      %dma_wait3A = arith.constant 0 : i32
      %dma_wait3A_64 = tpu.memref_slice %arg5[%add3A_50, %dma_wait3A] : memref<20480x128xf32, #tpu.memory_space<hbm>> -> memref<128x128xf32, #tpu.memory_space<hbm>>
      %dma_wait3A_65 = arith.constant 0 : i32
      %dma_wait3A_66 = tpu.memref_slice %arg5[%add3A_50, %dma_wait3A_65] : memref<20480x128xf32, #tpu.memory_space<hbm>> -> memref<128x128xf32, #tpu.memory_space<hbm>>
      tpu.wait_dma2 semaphore(%run_scoped3A : memref<!tpu.dma_semaphore, #tpu.memory_space<semaphore_mem>>) src(%arg8 : memref<128x128xf32, #tpu.memory_space<vmem>>) dst(%dma_wait3A_66 : memref<128x128xf32, #tpu.memory_space<hbm>>)
      tpu.yield
    }) : () -> ()
    %mul3A_51 = arith.constant 640 : i32
    %mul3A_52 = arith.muli %arg1, %mul3A_51 : i32
    %add3A_53 = arith.constant 384 : i32
    %add3A_54 = arith.addi %mul3A_52, %add3A_53 : i32
    "tpu.region"() ({
      %run_scoped3A = tpu.sem_alloc : memref<!tpu.dma_semaphore, #tpu.memory_space<semaphore_mem>>
      %dma_start3A = arith.constant 0 : i32
      %dma_start3A_61 = tpu.memref_slice %arg12[%add3A_54, %dma_start3A] : memref<10240x128xf32, #tpu.memory_space<vmem_shared>> -> memref<128x128xf32, #tpu.memory_space<vmem_shared>>
      %dma_start3A_62 = arith.constant 0 : i32
      %dma_start3A_63 = tpu.memref_slice %arg12[%add3A_54, %dma_start3A_62] : memref<10240x128xf32, #tpu.memory_space<vmem_shared>> -> memref<128x128xf32, #tpu.memory_space<vmem_shared>>
      tpu.enqueue_dma source(%dma_start3A_63 : memref<128x128xf32, #tpu.memory_space<vmem_shared>>) target(%arg8 : memref<128x128xf32, #tpu.memory_space<vmem>>) target_semaphore(%run_scoped3A : memref<!tpu.dma_semaphore, #tpu.memory_space<semaphore_mem>>)
      %dma_wait3A = arith.constant 0 : i32
      %dma_wait3A_64 = tpu.memref_slice %arg12[%add3A_54, %dma_wait3A] : memref<10240x128xf32, #tpu.memory_space<vmem_shared>> -> memref<128x128xf32, #tpu.memory_space<vmem_shared>>
      %dma_wait3A_65 = arith.constant 0 : i32
      %dma_wait3A_66 = tpu.memref_slice %arg12[%add3A_54, %dma_wait3A_65] : memref<10240x128xf32, #tpu.memory_space<vmem_shared>> -> memref<128x128xf32, #tpu.memory_space<vmem_shared>>
      tpu.wait_dma2 semaphore(%run_scoped3A : memref<!tpu.dma_semaphore, #tpu.memory_space<semaphore_mem>>) src(%dma_wait3A_66 : memref<128x128xf32, #tpu.memory_space<vmem_shared>>) dst(%arg8 : memref<128x128xf32, #tpu.memory_space<vmem>>)
      tpu.yield
    }) : () -> ()
    %add3A_55 = arith.addi %multiple_of3A, %add3A_54 : i32
    "tpu.region"() ({
      %run_scoped3A = tpu.sem_alloc : memref<!tpu.dma_semaphore, #tpu.memory_space<semaphore_mem>>
      %dma_start3A = arith.constant 0 : i32
      %dma_start3A_61 = tpu.memref_slice %arg5[%add3A_55, %dma_start3A] : memref<20480x128xf32, #tpu.memory_space<hbm>> -> memref<128x128xf32, #tpu.memory_space<hbm>>
      %dma_start3A_62 = arith.constant 0 : i32
      %dma_start3A_63 = tpu.memref_slice %arg5[%add3A_55, %dma_start3A_62] : memref<20480x128xf32, #tpu.memory_space<hbm>> -> memref<128x128xf32, #tpu.memory_space<hbm>>
      tpu.enqueue_dma source(%arg8 : memref<128x128xf32, #tpu.memory_space<vmem>>) target(%dma_start3A_63 : memref<128x128xf32, #tpu.memory_space<hbm>>) target_semaphore(%run_scoped3A : memref<!tpu.dma_semaphore, #tpu.memory_space<semaphore_mem>>)
      %dma_wait3A = arith.constant 0 : i32
      %dma_wait3A_64 = tpu.memref_slice %arg5[%add3A_55, %dma_wait3A] : memref<20480x128xf32, #tpu.memory_space<hbm>> -> memref<128x128xf32, #tpu.memory_space<hbm>>
      %dma_wait3A_65 = arith.constant 0 : i32
      %dma_wait3A_66 = tpu.memref_slice %arg5[%add3A_55, %dma_wait3A_65] : memref<20480x128xf32, #tpu.memory_space<hbm>> -> memref<128x128xf32, #tpu.memory_space<hbm>>
      tpu.wait_dma2 semaphore(%run_scoped3A : memref<!tpu.dma_semaphore, #tpu.memory_space<semaphore_mem>>) src(%arg8 : memref<128x128xf32, #tpu.memory_space<vmem>>) dst(%dma_wait3A_66 : memref<128x128xf32, #tpu.memory_space<hbm>>)
      tpu.yield
    }) : () -> ()
    %mul3A_56 = arith.constant 640 : i32
    %mul3A_57 = arith.muli %arg1, %mul3A_56 : i32
    %add3A_58 = arith.constant 512 : i32
    %add3A_59 = arith.addi %mul3A_57, %add3A_58 : i32
    "tpu.region"() ({
      %run_scoped3A = tpu.sem_alloc : memref<!tpu.dma_semaphore, #tpu.memory_space<semaphore_mem>>
      %dma_start3A = arith.constant 0 : i32
      %dma_start3A_61 = tpu.memref_slice %arg12[%add3A_59, %dma_start3A] : memref<10240x128xf32, #tpu.memory_space<vmem_shared>> -> memref<128x128xf32, #tpu.memory_space<vmem_shared>>
      %dma_start3A_62 = arith.constant 0 : i32
      %dma_start3A_63 = tpu.memref_slice %arg12[%add3A_59, %dma_start3A_62] : memref<10240x128xf32, #tpu.memory_space<vmem_shared>> -> memref<128x128xf32, #tpu.memory_space<vmem_shared>>
      tpu.enqueue_dma source(%dma_start3A_63 : memref<128x128xf32, #tpu.memory_space<vmem_shared>>) target(%arg8 : memref<128x128xf32, #tpu.memory_space<vmem>>) target_semaphore(%run_scoped3A : memref<!tpu.dma_semaphore, #tpu.memory_space<semaphore_mem>>)
      %dma_wait3A = arith.constant 0 : i32
      %dma_wait3A_64 = tpu.memref_slice %arg12[%add3A_59, %dma_wait3A] : memref<10240x128xf32, #tpu.memory_space<vmem_shared>> -> memref<128x128xf32, #tpu.memory_space<vmem_shared>>
      %dma_wait3A_65 = arith.constant 0 : i32
      %dma_wait3A_66 = tpu.memref_slice %arg12[%add3A_59, %dma_wait3A_65] : memref<10240x128xf32, #tpu.memory_space<vmem_shared>> -> memref<128x128xf32, #tpu.memory_space<vmem_shared>>
      tpu.wait_dma2 semaphore(%run_scoped3A : memref<!tpu.dma_semaphore, #tpu.memory_space<semaphore_mem>>) src(%dma_wait3A_66 : memref<128x128xf32, #tpu.memory_space<vmem_shared>>) dst(%arg8 : memref<128x128xf32, #tpu.memory_space<vmem>>)
      tpu.yield
    }) : () -> ()
    %add3A_60 = arith.addi %multiple_of3A, %add3A_59 : i32
    "tpu.region"() ({
      %run_scoped3A = tpu.sem_alloc : memref<!tpu.dma_semaphore, #tpu.memory_space<semaphore_mem>>
      %dma_start3A = arith.constant 0 : i32
      %dma_start3A_61 = tpu.memref_slice %arg5[%add3A_60, %dma_start3A] : memref<20480x128xf32, #tpu.memory_space<hbm>> -> memref<128x128xf32, #tpu.memory_space<hbm>>
      %dma_start3A_62 = arith.constant 0 : i32
      %dma_start3A_63 = tpu.memref_slice %arg5[%add3A_60, %dma_start3A_62] : memref<20480x128xf32, #tpu.memory_space<hbm>> -> memref<128x128xf32, #tpu.memory_space<hbm>>
      tpu.enqueue_dma source(%arg8 : memref<128x128xf32, #tpu.memory_space<vmem>>) target(%dma_start3A_63 : memref<128x128xf32, #tpu.memory_space<hbm>>) target_semaphore(%run_scoped3A : memref<!tpu.dma_semaphore, #tpu.memory_space<semaphore_mem>>)
      %dma_wait3A = arith.constant 0 : i32
      %dma_wait3A_64 = tpu.memref_slice %arg5[%add3A_60, %dma_wait3A] : memref<20480x128xf32, #tpu.memory_space<hbm>> -> memref<128x128xf32, #tpu.memory_space<hbm>>
      %dma_wait3A_65 = arith.constant 0 : i32
      %dma_wait3A_66 = tpu.memref_slice %arg5[%add3A_60, %dma_wait3A_65] : memref<20480x128xf32, #tpu.memory_space<hbm>> -> memref<128x128xf32, #tpu.memory_space<hbm>>
      tpu.wait_dma2 semaphore(%run_scoped3A : memref<!tpu.dma_semaphore, #tpu.memory_space<semaphore_mem>>) src(%arg8 : memref<128x128xf32, #tpu.memory_space<vmem>>) dst(%dma_wait3A_66 : memref<128x128xf32, #tpu.memory_space<hbm>>)
      tpu.yield
    }) : () -> ()
    return
  }
}

#map = affine_map<(d0, d1) -> (0, 0)>
module attributes {stable_mosaic.version = 14 : i64} {
  func.func @_edge_body(%arg0: i32, %arg1: i32, %arg2: memref<2560x128xi32, #tpu.memory_space<hbm>>, %arg3: memref<2560x128xi32, #tpu.memory_space<hbm>>, %arg4: memref<10240x64xf32, #tpu.memory_space<hbm>>, %arg5: memref<20480x64xf32, #tpu.memory_space<hbm>>, %arg6: memref<40x128xi32, #tpu.memory_space<vmem>>, %arg7: memref<40x128xi32, #tpu.memory_space<vmem>>, %arg8: memref<128x64xf32, #tpu.memory_space<vmem>>, %arg9: memref<128x64xf32, #tpu.memory_space<vmem>>, %arg10: memref<!tpu.dma_semaphore, #tpu.memory_space<semaphore_mem>>, %arg11: memref<!tpu.dma_semaphore, #tpu.memory_space<semaphore_mem>>, %arg12: memref<10240x64xf32, #tpu.memory_space<vmem_shared>>) attributes {dimension_semantics = [#tpu.dimension_semantics<core_parallel>, #tpu.dimension_semantics<subcore_parallel>], iteration_bounds = array<i64: 2, 16>, scalar_prefetch = 0 : i64, scratch_operands = 7 : i64, tpu.core_type = #tpu.core_type<sc_vector_subcore>, window_params = [{transform_indices = #map}, {transform_indices = #map}, {transform_indices = #map}, {transform_indices = #map}]} {
    %mul3A = arith.constant 10240 : i32
    %mul3A_0 = arith.muli %arg0, %mul3A : i32
    %multiple_of3A = tpu.assume_multiple %mul3A_0, 10240 : i32
    %mul3A_1 = arith.constant 16 : i32
    %mul3A_2 = arith.muli %arg0, %mul3A_1 : i32
    %add3A = arith.addi %mul3A_2, %arg1 : i32
    %mul3A_3 = arith.constant 80 : i32
    %mul3A_4 = arith.muli %add3A, %mul3A_3 : i32
    %broadcast_in_dim3A = arith.constant 0.000000e+00 : f32
    %broadcast_in_dim3A_5 = vector.broadcast %broadcast_in_dim3A : f32 to vector<16xf32>
    %scan3A = arith.constant 0 : i32
    %scan3A_6 = arith.constant 128 : i32
    %scan3A_7 = arith.addi %scan3A, %scan3A_6 : i32
    %scan3A_8 = arith.constant 1 : i32
    scf.for %scan3A_61 = %scan3A to %scan3A_7 step %scan3A_8  : i32 {
      %mul3A_62 = arith.constant 1 : i32
      %mul3A_63 = arith.muli %scan3A_61, %mul3A_62 : i32
      %add3A_64 = arith.constant 0 : i32
      %add3A_65 = arith.addi %add3A_64, %mul3A_63 : i32
      %swap3A = arith.index_cast %add3A_65 : i32 to index
      %swap3A_66 = arith.constant 0 : index
      %swap3A_67 = tpu.vector_load %arg8[%swap3A, %swap3A_66] {strides = array<i32>} : memref<128x64xf32, #tpu.memory_space<vmem>>, vector<1x16xf32>,
      %swap3A_68 = vector.shape_cast %swap3A_67 : vector<1x16xf32> to vector<16xf32>
      %swap3A_69 = vector.shape_cast %broadcast_in_dim3A_5 : vector<16xf32> to vector<1x16xf32>
      tpu.vector_store %arg8[%swap3A, %swap3A_66], %swap3A_69 {strides = array<i32>} : memref<128x64xf32, #tpu.memory_space<vmem>>, vector<1x16xf32>,
      %swap3A_70 = arith.index_cast %add3A_65 : i32 to index
      %swap3A_71 = arith.constant 16 : index
      %swap3A_72 = tpu.vector_load %arg8[%swap3A_70, %swap3A_71] {strides = array<i32>} : memref<128x64xf32, #tpu.memory_space<vmem>>, vector<1x16xf32>,
      %swap3A_73 = vector.shape_cast %swap3A_72 : vector<1x16xf32> to vector<16xf32>
      %swap3A_74 = vector.shape_cast %broadcast_in_dim3A_5 : vector<16xf32> to vector<1x16xf32>
      tpu.vector_store %arg8[%swap3A_70, %swap3A_71], %swap3A_74 {strides = array<i32>} : memref<128x64xf32, #tpu.memory_space<vmem>>, vector<1x16xf32>,
      %swap3A_75 = arith.index_cast %add3A_65 : i32 to index
      %swap3A_76 = arith.constant 32 : index
      %swap3A_77 = tpu.vector_load %arg8[%swap3A_75, %swap3A_76] {strides = array<i32>} : memref<128x64xf32, #tpu.memory_space<vmem>>, vector<1x16xf32>,
      %swap3A_78 = vector.shape_cast %swap3A_77 : vector<1x16xf32> to vector<16xf32>
      %swap3A_79 = vector.shape_cast %broadcast_in_dim3A_5 : vector<16xf32> to vector<1x16xf32>
      tpu.vector_store %arg8[%swap3A_75, %swap3A_76], %swap3A_79 {strides = array<i32>} : memref<128x64xf32, #tpu.memory_space<vmem>>, vector<1x16xf32>,
      %swap3A_80 = arith.index_cast %add3A_65 : i32 to index
      %swap3A_81 = arith.constant 48 : index
      %swap3A_82 = tpu.vector_load %arg8[%swap3A_80, %swap3A_81] {strides = array<i32>} : memref<128x64xf32, #tpu.memory_space<vmem>>, vector<1x16xf32>,
      %swap3A_83 = vector.shape_cast %swap3A_82 : vector<1x16xf32> to vector<16xf32>
      %swap3A_84 = vector.shape_cast %broadcast_in_dim3A_5 : vector<16xf32> to vector<1x16xf32>
      tpu.vector_store %arg8[%swap3A_80, %swap3A_81], %swap3A_84 {strides = array<i32>} : memref<128x64xf32, #tpu.memory_space<vmem>>, vector<1x16xf32>,
    }
    %scan3A_9 = arith.constant 128 : i32
    %mul3A_10 = arith.constant 640 : i32
    %mul3A_11 = arith.muli %arg1, %mul3A_10 : i32
    %add3A_12 = arith.constant 0 : i32
    %add3A_13 = arith.addi %mul3A_11, %add3A_12 : i32
    "tpu.region"() ({
      %run_scoped3A = tpu.sem_alloc : memref<!tpu.dma_semaphore, #tpu.memory_space<semaphore_mem>>
      %dma_start3A = arith.constant 0 : i32
      %dma_start3A_61 = tpu.memref_slice %arg12[%add3A_13, %dma_start3A] : memref<10240x64xf32, #tpu.memory_space<vmem_shared>> -> memref<128x64xf32, #tpu.memory_space<vmem_shared>>
      %dma_start3A_62 = arith.constant 0 : i32
      %dma_start3A_63 = tpu.memref_slice %arg12[%add3A_13, %dma_start3A_62] : memref<10240x64xf32, #tpu.memory_space<vmem_shared>> -> memref<128x64xf32, #tpu.memory_space<vmem_shared>>
      tpu.enqueue_dma source(%arg8 : memref<128x64xf32, #tpu.memory_space<vmem>>) target(%dma_start3A_63 : memref<128x64xf32, #tpu.memory_space<vmem_shared>>) target_semaphore(%run_scoped3A : memref<!tpu.dma_semaphore, #tpu.memory_space<semaphore_mem>>)
      %dma_wait3A = arith.constant 0 : i32
      %dma_wait3A_64 = tpu.memref_slice %arg12[%add3A_13, %dma_wait3A] : memref<10240x64xf32, #tpu.memory_space<vmem_shared>> -> memref<128x64xf32, #tpu.memory_space<vmem_shared>>
      %dma_wait3A_65 = arith.constant 0 : i32
      %dma_wait3A_66 = tpu.memref_slice %arg12[%add3A_13, %dma_wait3A_65] : memref<10240x64xf32, #tpu.memory_space<vmem_shared>> -> memref<128x64xf32, #tpu.memory_space<vmem_shared>>
      tpu.wait_dma2 semaphore(%run_scoped3A : memref<!tpu.dma_semaphore, #tpu.memory_space<semaphore_mem>>) src(%arg8 : memref<128x64xf32, #tpu.memory_space<vmem>>) dst(%dma_wait3A_66 : memref<128x64xf32, #tpu.memory_space<vmem_shared>>)
      tpu.yield
    }) : () -> ()
    %mul3A_14 = arith.constant 640 : i32
    %mul3A_15 = arith.muli %arg1, %mul3A_14 : i32
    %add3A_16 = arith.constant 128 : i32
    %add3A_17 = arith.addi %mul3A_15, %add3A_16 : i32
    "tpu.region"() ({
      %run_scoped3A = tpu.sem_alloc : memref<!tpu.dma_semaphore, #tpu.memory_space<semaphore_mem>>
      %dma_start3A = arith.constant 0 : i32
      %dma_start3A_61 = tpu.memref_slice %arg12[%add3A_17, %dma_start3A] : memref<10240x64xf32, #tpu.memory_space<vmem_shared>> -> memref<128x64xf32, #tpu.memory_space<vmem_shared>>
      %dma_start3A_62 = arith.constant 0 : i32
      %dma_start3A_63 = tpu.memref_slice %arg12[%add3A_17, %dma_start3A_62] : memref<10240x64xf32, #tpu.memory_space<vmem_shared>> -> memref<128x64xf32, #tpu.memory_space<vmem_shared>>
      tpu.enqueue_dma source(%arg8 : memref<128x64xf32, #tpu.memory_space<vmem>>) target(%dma_start3A_63 : memref<128x64xf32, #tpu.memory_space<vmem_shared>>) target_semaphore(%run_scoped3A : memref<!tpu.dma_semaphore, #tpu.memory_space<semaphore_mem>>)
      %dma_wait3A = arith.constant 0 : i32
      %dma_wait3A_64 = tpu.memref_slice %arg12[%add3A_17, %dma_wait3A] : memref<10240x64xf32, #tpu.memory_space<vmem_shared>> -> memref<128x64xf32, #tpu.memory_space<vmem_shared>>
      %dma_wait3A_65 = arith.constant 0 : i32
      %dma_wait3A_66 = tpu.memref_slice %arg12[%add3A_17, %dma_wait3A_65] : memref<10240x64xf32, #tpu.memory_space<vmem_shared>> -> memref<128x64xf32, #tpu.memory_space<vmem_shared>>
      tpu.wait_dma2 semaphore(%run_scoped3A : memref<!tpu.dma_semaphore, #tpu.memory_space<semaphore_mem>>) src(%arg8 : memref<128x64xf32, #tpu.memory_space<vmem>>) dst(%dma_wait3A_66 : memref<128x64xf32, #tpu.memory_space<vmem_shared>>)
      tpu.yield
    }) : () -> ()
    %mul3A_18 = arith.constant 640 : i32
    %mul3A_19 = arith.muli %arg1, %mul3A_18 : i32
    %add3A_20 = arith.constant 256 : i32
    %add3A_21 = arith.addi %mul3A_19, %add3A_20 : i32
    "tpu.region"() ({
      %run_scoped3A = tpu.sem_alloc : memref<!tpu.dma_semaphore, #tpu.memory_space<semaphore_mem>>
      %dma_start3A = arith.constant 0 : i32
      %dma_start3A_61 = tpu.memref_slice %arg12[%add3A_21, %dma_start3A] : memref<10240x64xf32, #tpu.memory_space<vmem_shared>> -> memref<128x64xf32, #tpu.memory_space<vmem_shared>>
      %dma_start3A_62 = arith.constant 0 : i32
      %dma_start3A_63 = tpu.memref_slice %arg12[%add3A_21, %dma_start3A_62] : memref<10240x64xf32, #tpu.memory_space<vmem_shared>> -> memref<128x64xf32, #tpu.memory_space<vmem_shared>>
      tpu.enqueue_dma source(%arg8 : memref<128x64xf32, #tpu.memory_space<vmem>>) target(%dma_start3A_63 : memref<128x64xf32, #tpu.memory_space<vmem_shared>>) target_semaphore(%run_scoped3A : memref<!tpu.dma_semaphore, #tpu.memory_space<semaphore_mem>>)
      %dma_wait3A = arith.constant 0 : i32
      %dma_wait3A_64 = tpu.memref_slice %arg12[%add3A_21, %dma_wait3A] : memref<10240x64xf32, #tpu.memory_space<vmem_shared>> -> memref<128x64xf32, #tpu.memory_space<vmem_shared>>
      %dma_wait3A_65 = arith.constant 0 : i32
      %dma_wait3A_66 = tpu.memref_slice %arg12[%add3A_21, %dma_wait3A_65] : memref<10240x64xf32, #tpu.memory_space<vmem_shared>> -> memref<128x64xf32, #tpu.memory_space<vmem_shared>>
      tpu.wait_dma2 semaphore(%run_scoped3A : memref<!tpu.dma_semaphore, #tpu.memory_space<semaphore_mem>>) src(%arg8 : memref<128x64xf32, #tpu.memory_space<vmem>>) dst(%dma_wait3A_66 : memref<128x64xf32, #tpu.memory_space<vmem_shared>>)
      tpu.yield
    }) : () -> ()
    %mul3A_22 = arith.constant 640 : i32
    %mul3A_23 = arith.muli %arg1, %mul3A_22 : i32
    %add3A_24 = arith.constant 384 : i32
    %add3A_25 = arith.addi %mul3A_23, %add3A_24 : i32
    "tpu.region"() ({
      %run_scoped3A = tpu.sem_alloc : memref<!tpu.dma_semaphore, #tpu.memory_space<semaphore_mem>>
      %dma_start3A = arith.constant 0 : i32
      %dma_start3A_61 = tpu.memref_slice %arg12[%add3A_25, %dma_start3A] : memref<10240x64xf32, #tpu.memory_space<vmem_shared>> -> memref<128x64xf32, #tpu.memory_space<vmem_shared>>
      %dma_start3A_62 = arith.constant 0 : i32
      %dma_start3A_63 = tpu.memref_slice %arg12[%add3A_25, %dma_start3A_62] : memref<10240x64xf32, #tpu.memory_space<vmem_shared>> -> memref<128x64xf32, #tpu.memory_space<vmem_shared>>
      tpu.enqueue_dma source(%arg8 : memref<128x64xf32, #tpu.memory_space<vmem>>) target(%dma_start3A_63 : memref<128x64xf32, #tpu.memory_space<vmem_shared>>) target_semaphore(%run_scoped3A : memref<!tpu.dma_semaphore, #tpu.memory_space<semaphore_mem>>)
      %dma_wait3A = arith.constant 0 : i32
      %dma_wait3A_64 = tpu.memref_slice %arg12[%add3A_25, %dma_wait3A] : memref<10240x64xf32, #tpu.memory_space<vmem_shared>> -> memref<128x64xf32, #tpu.memory_space<vmem_shared>>
      %dma_wait3A_65 = arith.constant 0 : i32
      %dma_wait3A_66 = tpu.memref_slice %arg12[%add3A_25, %dma_wait3A_65] : memref<10240x64xf32, #tpu.memory_space<vmem_shared>> -> memref<128x64xf32, #tpu.memory_space<vmem_shared>>
      tpu.wait_dma2 semaphore(%run_scoped3A : memref<!tpu.dma_semaphore, #tpu.memory_space<semaphore_mem>>) src(%arg8 : memref<128x64xf32, #tpu.memory_space<vmem>>) dst(%dma_wait3A_66 : memref<128x64xf32, #tpu.memory_space<vmem_shared>>)
      tpu.yield
    }) : () -> ()
    %mul3A_26 = arith.constant 640 : i32
    %mul3A_27 = arith.muli %arg1, %mul3A_26 : i32
    %add3A_28 = arith.constant 512 : i32
    %add3A_29 = arith.addi %mul3A_27, %add3A_28 : i32
    "tpu.region"() ({
      %run_scoped3A = tpu.sem_alloc : memref<!tpu.dma_semaphore, #tpu.memory_space<semaphore_mem>>
      %dma_start3A = arith.constant 0 : i32
      %dma_start3A_61 = tpu.memref_slice %arg12[%add3A_29, %dma_start3A] : memref<10240x64xf32, #tpu.memory_space<vmem_shared>> -> memref<128x64xf32, #tpu.memory_space<vmem_shared>>
      %dma_start3A_62 = arith.constant 0 : i32
      %dma_start3A_63 = tpu.memref_slice %arg12[%add3A_29, %dma_start3A_62] : memref<10240x64xf32, #tpu.memory_space<vmem_shared>> -> memref<128x64xf32, #tpu.memory_space<vmem_shared>>
      tpu.enqueue_dma source(%arg8 : memref<128x64xf32, #tpu.memory_space<vmem>>) target(%dma_start3A_63 : memref<128x64xf32, #tpu.memory_space<vmem_shared>>) target_semaphore(%run_scoped3A : memref<!tpu.dma_semaphore, #tpu.memory_space<semaphore_mem>>)
      %dma_wait3A = arith.constant 0 : i32
      %dma_wait3A_64 = tpu.memref_slice %arg12[%add3A_29, %dma_wait3A] : memref<10240x64xf32, #tpu.memory_space<vmem_shared>> -> memref<128x64xf32, #tpu.memory_space<vmem_shared>>
      %dma_wait3A_65 = arith.constant 0 : i32
      %dma_wait3A_66 = tpu.memref_slice %arg12[%add3A_29, %dma_wait3A_65] : memref<10240x64xf32, #tpu.memory_space<vmem_shared>> -> memref<128x64xf32, #tpu.memory_space<vmem_shared>>
      tpu.wait_dma2 semaphore(%run_scoped3A : memref<!tpu.dma_semaphore, #tpu.memory_space<semaphore_mem>>) src(%arg8 : memref<128x64xf32, #tpu.memory_space<vmem>>) dst(%dma_wait3A_66 : memref<128x64xf32, #tpu.memory_space<vmem_shared>>)
      tpu.yield
    }) : () -> ()
    %barrier3A = arith.constant 0 : index
    tpu.barrier barrier_id(%barrier3A)
    %scan3A_30 = arith.constant 0 : i32
    %scan3A_31 = arith.constant 2 : i32
    %scan3A_32 = arith.addi %scan3A_30, %scan3A_31 : i32
    %scan3A_33 = arith.constant 1 : i32
    scf.for %scan3A_61 = %scan3A_30 to %scan3A_32 step %scan3A_33  : i32 {
      %mul3A_62 = arith.constant 1 : i32
      %mul3A_63 = arith.muli %scan3A_61, %mul3A_62 : i32
      %add3A_64 = arith.constant 0 : i32
      %add3A_65 = arith.addi %add3A_64, %mul3A_63 : i32
      %mul3A_66 = arith.constant 40 : i32
      %mul3A_67 = arith.muli %add3A_65, %mul3A_66 : i32
      %add3A_68 = arith.addi %mul3A_4, %mul3A_67 : i32
      "tpu.region"() ({
        %run_scoped3A = tpu.sem_alloc : memref<!tpu.dma_semaphore, #tpu.memory_space<semaphore_mem>>
        %dma_start3A_83 = arith.constant 0 : i32
        %dma_start3A_84 = tpu.memref_slice %arg2[%add3A_68, %dma_start3A_83] : memref<2560x128xi32, #tpu.memory_space<hbm>> -> memref<40x128xi32, #tpu.memory_space<hbm>>
        %dma_start3A_85 = arith.constant 0 : i32
        %dma_start3A_86 = tpu.memref_slice %arg2[%add3A_68, %dma_start3A_85] : memref<2560x128xi32, #tpu.memory_space<hbm>> -> memref<40x128xi32, #tpu.memory_space<hbm>>
        tpu.enqueue_dma source(%dma_start3A_86 : memref<40x128xi32, #tpu.memory_space<hbm>>) target(%arg6 : memref<40x128xi32, #tpu.memory_space<vmem>>) target_semaphore(%run_scoped3A : memref<!tpu.dma_semaphore, #tpu.memory_space<semaphore_mem>>)
        %dma_wait3A = arith.constant 0 : i32
        %dma_wait3A_87 = tpu.memref_slice %arg2[%add3A_68, %dma_wait3A] : memref<2560x128xi32, #tpu.memory_space<hbm>> -> memref<40x128xi32, #tpu.memory_space<hbm>>
        %dma_wait3A_88 = arith.constant 0 : i32
        %dma_wait3A_89 = tpu.memref_slice %arg2[%add3A_68, %dma_wait3A_88] : memref<2560x128xi32, #tpu.memory_space<hbm>> -> memref<40x128xi32, #tpu.memory_space<hbm>>
        tpu.wait_dma2 semaphore(%run_scoped3A : memref<!tpu.dma_semaphore, #tpu.memory_space<semaphore_mem>>) src(%dma_wait3A_89 : memref<40x128xi32, #tpu.memory_space<hbm>>) dst(%arg6 : memref<40x128xi32, #tpu.memory_space<vmem>>)
        tpu.yield
      }) : () -> ()
      %mul3A_69 = arith.constant 40 : i32
      %mul3A_70 = arith.muli %add3A_65, %mul3A_69 : i32
      %add3A_71 = arith.addi %mul3A_4, %mul3A_70 : i32
      "tpu.region"() ({
        %run_scoped3A = tpu.sem_alloc : memref<!tpu.dma_semaphore, #tpu.memory_space<semaphore_mem>>
        %dma_start3A_83 = arith.constant 0 : i32
        %dma_start3A_84 = tpu.memref_slice %arg3[%add3A_71, %dma_start3A_83] : memref<2560x128xi32, #tpu.memory_space<hbm>> -> memref<40x128xi32, #tpu.memory_space<hbm>>
        %dma_start3A_85 = arith.constant 0 : i32
        %dma_start3A_86 = tpu.memref_slice %arg3[%add3A_71, %dma_start3A_85] : memref<2560x128xi32, #tpu.memory_space<hbm>> -> memref<40x128xi32, #tpu.memory_space<hbm>>
        tpu.enqueue_dma source(%dma_start3A_86 : memref<40x128xi32, #tpu.memory_space<hbm>>) target(%arg7 : memref<40x128xi32, #tpu.memory_space<vmem>>) target_semaphore(%run_scoped3A : memref<!tpu.dma_semaphore, #tpu.memory_space<semaphore_mem>>)
        %dma_wait3A = arith.constant 0 : i32
        %dma_wait3A_87 = tpu.memref_slice %arg3[%add3A_71, %dma_wait3A] : memref<2560x128xi32, #tpu.memory_space<hbm>> -> memref<40x128xi32, #tpu.memory_space<hbm>>
        %dma_wait3A_88 = arith.constant 0 : i32
        %dma_wait3A_89 = tpu.memref_slice %arg3[%add3A_71, %dma_wait3A_88] : memref<2560x128xi32, #tpu.memory_space<hbm>> -> memref<40x128xi32, #tpu.memory_space<hbm>>
        tpu.wait_dma2 semaphore(%run_scoped3A : memref<!tpu.dma_semaphore, #tpu.memory_space<semaphore_mem>>) src(%dma_wait3A_89 : memref<40x128xi32, #tpu.memory_space<hbm>>) dst(%arg7 : memref<40x128xi32, #tpu.memory_space<vmem>>)
        tpu.yield
      }) : () -> ()
      %dma_start3A = arith.constant 0 : i32
      %dma_start3A_72 = arith.constant 0 : i32
      %dma_start3A_73 = tpu.memref_slice %arg6[%dma_start3A, %dma_start3A_72] : memref<40x128xi32, #tpu.memory_space<vmem>> -> memref<1x128xi32, #tpu.memory_space<vmem>>
      %dma_start3A_74 = tpu.memref_squeeze %dma_start3A_73 : memref<1x128xi32, #tpu.memory_space<vmem>> -> memref<128xi32, #tpu.memory_space<vmem>>
      %dma_start3A_75 = arith.constant 0 : i32
      %dma_start3A_76 = arith.constant 0 : i32
      %dma_start3A_77 = tpu.memref_slice %arg4[%dma_start3A_75, %dma_start3A_76] : memref<10240x64xf32, #tpu.memory_space<hbm>> -> memref<10240x64xf32, #tpu.memory_space<hbm>>
      tpu.enqueue_indirect_dma source(%dma_start3A_77 : memref<10240x64xf32, #tpu.memory_space<hbm>>) target(%arg8 : memref<128x64xf32, #tpu.memory_space<vmem>>) offsets(%dma_start3A_74 : memref<128xi32, #tpu.memory_space<vmem>>) semaphore(%arg10 : memref<!tpu.dma_semaphore, #tpu.memory_space<semaphore_mem>>)
      %scan3A_78 = arith.constant 0 : i32
      %scan3A_79 = arith.constant 20 : i32
      %scan3A_80 = arith.addi %scan3A_78, %scan3A_79 : i32
      %scan3A_81 = arith.constant 1 : i32
      scf.for %scan3A_83 = %scan3A_78 to %scan3A_80 step %scan3A_81  : i32 {
        %mul3A_84 = arith.constant 1 : i32
        %mul3A_85 = arith.muli %scan3A_83, %mul3A_84 : i32
        %add3A_86 = arith.constant 0 : i32
        %add3A_87 = arith.addi %add3A_86, %mul3A_85 : i32
        %mul3A_88 = arith.constant 2 : i32
        %mul3A_89 = arith.muli %add3A_87, %mul3A_88 : i32
        %add3A_90 = arith.constant 1 : i32
        %add3A_91 = arith.addi %mul3A_89, %add3A_90 : i32
        %dma_start3A_92 = arith.constant 0 : i32
        %dma_start3A_93 = tpu.memref_slice %arg6[%add3A_91, %dma_start3A_92] : memref<40x128xi32, #tpu.memory_space<vmem>> -> memref<1x128xi32, #tpu.memory_space<vmem>>
        %dma_start3A_94 = tpu.memref_squeeze %dma_start3A_93 : memref<1x128xi32, #tpu.memory_space<vmem>> -> memref<128xi32, #tpu.memory_space<vmem>>
        %dma_start3A_95 = arith.constant 0 : i32
        %dma_start3A_96 = arith.constant 0 : i32
        %dma_start3A_97 = tpu.memref_slice %arg4[%dma_start3A_95, %dma_start3A_96] : memref<10240x64xf32, #tpu.memory_space<hbm>> -> memref<10240x64xf32, #tpu.memory_space<hbm>>
        tpu.enqueue_indirect_dma source(%dma_start3A_97 : memref<10240x64xf32, #tpu.memory_space<hbm>>) target(%arg9 : memref<128x64xf32, #tpu.memory_space<vmem>>) offsets(%dma_start3A_94 : memref<128xi32, #tpu.memory_space<vmem>>) semaphore(%arg11 : memref<!tpu.dma_semaphore, #tpu.memory_space<semaphore_mem>>)
        %dma_wait3A = arith.constant 0 : i32
        %dma_wait3A_98 = tpu.memref_slice %arg6[%mul3A_89, %dma_wait3A] : memref<40x128xi32, #tpu.memory_space<vmem>> -> memref<1x128xi32, #tpu.memory_space<vmem>>
        %dma_wait3A_99 = tpu.memref_squeeze %dma_wait3A_98 : memref<1x128xi32, #tpu.memory_space<vmem>> -> memref<128xi32, #tpu.memory_space<vmem>>
        %dma_wait3A_100 = arith.constant 0 : i32
        %dma_wait3A_101 = arith.constant 0 : i32
        %dma_wait3A_102 = tpu.memref_slice %arg4[%dma_wait3A_100, %dma_wait3A_101] : memref<10240x64xf32, #tpu.memory_space<hbm>> -> memref<10240x64xf32, #tpu.memory_space<hbm>>
        tpu.wait_indirect_dma semaphore(%arg10 : memref<!tpu.dma_semaphore, #tpu.memory_space<semaphore_mem>>) src(%dma_wait3A_102 : memref<10240x64xf32, #tpu.memory_space<hbm>>) dst(%arg8 : memref<128x64xf32, #tpu.memory_space<vmem>>)
        "tpu.region"() ({
          %run_scoped3A = tpu.sem_alloc : memref<!tpu.dma_semaphore, #tpu.memory_space<semaphore_mem>>
          %dma_start3A_115 = arith.constant 0 : i32
          %dma_start3A_116 = tpu.memref_slice %arg7[%mul3A_89, %dma_start3A_115] : memref<40x128xi32, #tpu.memory_space<vmem>> -> memref<1x128xi32, #tpu.memory_space<vmem>>
          %dma_start3A_117 = tpu.memref_squeeze %dma_start3A_116 : memref<1x128xi32, #tpu.memory_space<vmem>> -> memref<128xi32, #tpu.memory_space<vmem>>
          %dma_start3A_118 = arith.constant 0 : i32
          %dma_start3A_119 = arith.constant 0 : i32
          %dma_start3A_120 = tpu.memref_slice %arg12[%dma_start3A_118, %dma_start3A_119] : memref<10240x64xf32, #tpu.memory_space<vmem_shared>> -> memref<10240x64xf32, #tpu.memory_space<vmem_shared>>
          tpu.enqueue_indirect_dma source(%arg8 : memref<128x64xf32, #tpu.memory_space<vmem>>) target(%dma_start3A_120 : memref<10240x64xf32, #tpu.memory_space<vmem_shared>>) offsets(%dma_start3A_117 : memref<128xi32, #tpu.memory_space<vmem>>) semaphore(%run_scoped3A : memref<!tpu.dma_semaphore, #tpu.memory_space<semaphore_mem>>) {add = true}
          %dma_wait3A_121 = arith.constant 0 : i32
          %dma_wait3A_122 = tpu.memref_slice %arg7[%mul3A_89, %dma_wait3A_121] : memref<40x128xi32, #tpu.memory_space<vmem>> -> memref<1x128xi32, #tpu.memory_space<vmem>>
          %dma_wait3A_123 = tpu.memref_squeeze %dma_wait3A_122 : memref<1x128xi32, #tpu.memory_space<vmem>> -> memref<128xi32, #tpu.memory_space<vmem>>
          %dma_wait3A_124 = arith.constant 0 : i32
          %dma_wait3A_125 = arith.constant 0 : i32
          %dma_wait3A_126 = tpu.memref_slice %arg12[%dma_wait3A_124, %dma_wait3A_125] : memref<10240x64xf32, #tpu.memory_space<vmem_shared>> -> memref<10240x64xf32, #tpu.memory_space<vmem_shared>>
          tpu.wait_indirect_dma semaphore(%run_scoped3A : memref<!tpu.dma_semaphore, #tpu.memory_space<semaphore_mem>>) src(%arg8 : memref<128x64xf32, #tpu.memory_space<vmem>>) dst(%dma_wait3A_126 : memref<10240x64xf32, #tpu.memory_space<vmem_shared>>)
          tpu.yield
        }) : () -> ()
        %add3A_103 = arith.constant 1 : i32
        %add3A_104 = arith.addi %mul3A_89, %add3A_103 : i32
        %add3A_105 = arith.constant 1 : i32
        %add3A_106 = arith.addi %add3A_104, %add3A_105 : i32
        %lt3A = arith.constant 40 : i32
        %lt3A_107 = arith.cmpi slt, %add3A_106, %lt3A : i32
        %convert_element_type3A = arith.extui %lt3A_107 : i1 to i32
        %cond3A = arith.constant 0 : i32
        %cond3A_108 = arith.cmpi ne, %convert_element_type3A, %cond3A : i32
        scf.if %cond3A_108 {
          %add3A_115 = arith.constant 1 : i32
          %add3A_116 = arith.addi %add3A_104, %add3A_115 : i32
          %dma_start3A_117 = arith.constant 0 : i32
          %dma_start3A_118 = tpu.memref_slice %arg6[%add3A_116, %dma_start3A_117] : memref<40x128xi32, #tpu.memory_space<vmem>> -> memref<1x128xi32, #tpu.memory_space<vmem>>
          %dma_start3A_119 = tpu.memref_squeeze %dma_start3A_118 : memref<1x128xi32, #tpu.memory_space<vmem>> -> memref<128xi32, #tpu.memory_space<vmem>>
          %dma_start3A_120 = arith.constant 0 : i32
          %dma_start3A_121 = arith.constant 0 : i32
          %dma_start3A_122 = tpu.memref_slice %arg4[%dma_start3A_120, %dma_start3A_121] : memref<10240x64xf32, #tpu.memory_space<hbm>> -> memref<10240x64xf32, #tpu.memory_space<hbm>>
          tpu.enqueue_indirect_dma source(%dma_start3A_122 : memref<10240x64xf32, #tpu.memory_space<hbm>>) target(%arg8 : memref<128x64xf32, #tpu.memory_space<vmem>>) offsets(%dma_start3A_119 : memref<128xi32, #tpu.memory_space<vmem>>) semaphore(%arg10 : memref<!tpu.dma_semaphore, #tpu.memory_space<semaphore_mem>>)
        } else {
        }
        %dma_wait3A_109 = arith.constant 0 : i32
        %dma_wait3A_110 = tpu.memref_slice %arg6[%add3A_104, %dma_wait3A_109] : memref<40x128xi32, #tpu.memory_space<vmem>> -> memref<1x128xi32, #tpu.memory_space<vmem>>
        %dma_wait3A_111 = tpu.memref_squeeze %dma_wait3A_110 : memref<1x128xi32, #tpu.memory_space<vmem>> -> memref<128xi32, #tpu.memory_space<vmem>>
        %dma_wait3A_112 = arith.constant 0 : i32
        %dma_wait3A_113 = arith.constant 0 : i32
        %dma_wait3A_114 = tpu.memref_slice %arg4[%dma_wait3A_112, %dma_wait3A_113] : memref<10240x64xf32, #tpu.memory_space<hbm>> -> memref<10240x64xf32, #tpu.memory_space<hbm>>
        tpu.wait_indirect_dma semaphore(%arg11 : memref<!tpu.dma_semaphore, #tpu.memory_space<semaphore_mem>>) src(%dma_wait3A_114 : memref<10240x64xf32, #tpu.memory_space<hbm>>) dst(%arg9 : memref<128x64xf32, #tpu.memory_space<vmem>>)
        "tpu.region"() ({
          %run_scoped3A = tpu.sem_alloc : memref<!tpu.dma_semaphore, #tpu.memory_space<semaphore_mem>>
          %dma_start3A_115 = arith.constant 0 : i32
          %dma_start3A_116 = tpu.memref_slice %arg7[%add3A_104, %dma_start3A_115] : memref<40x128xi32, #tpu.memory_space<vmem>> -> memref<1x128xi32, #tpu.memory_space<vmem>>
          %dma_start3A_117 = tpu.memref_squeeze %dma_start3A_116 : memref<1x128xi32, #tpu.memory_space<vmem>> -> memref<128xi32, #tpu.memory_space<vmem>>
          %dma_start3A_118 = arith.constant 0 : i32
          %dma_start3A_119 = arith.constant 0 : i32
          %dma_start3A_120 = tpu.memref_slice %arg12[%dma_start3A_118, %dma_start3A_119] : memref<10240x64xf32, #tpu.memory_space<vmem_shared>> -> memref<10240x64xf32, #tpu.memory_space<vmem_shared>>
          tpu.enqueue_indirect_dma source(%arg9 : memref<128x64xf32, #tpu.memory_space<vmem>>) target(%dma_start3A_120 : memref<10240x64xf32, #tpu.memory_space<vmem_shared>>) offsets(%dma_start3A_117 : memref<128xi32, #tpu.memory_space<vmem>>) semaphore(%run_scoped3A : memref<!tpu.dma_semaphore, #tpu.memory_space<semaphore_mem>>) {add = true}
          %dma_wait3A_121 = arith.constant 0 : i32
          %dma_wait3A_122 = tpu.memref_slice %arg7[%add3A_104, %dma_wait3A_121] : memref<40x128xi32, #tpu.memory_space<vmem>> -> memref<1x128xi32, #tpu.memory_space<vmem>>
          %dma_wait3A_123 = tpu.memref_squeeze %dma_wait3A_122 : memref<1x128xi32, #tpu.memory_space<vmem>> -> memref<128xi32, #tpu.memory_space<vmem>>
          %dma_wait3A_124 = arith.constant 0 : i32
          %dma_wait3A_125 = arith.constant 0 : i32
          %dma_wait3A_126 = tpu.memref_slice %arg12[%dma_wait3A_124, %dma_wait3A_125] : memref<10240x64xf32, #tpu.memory_space<vmem_shared>> -> memref<10240x64xf32, #tpu.memory_space<vmem_shared>>
          tpu.wait_indirect_dma semaphore(%run_scoped3A : memref<!tpu.dma_semaphore, #tpu.memory_space<semaphore_mem>>) src(%arg9 : memref<128x64xf32, #tpu.memory_space<vmem>>) dst(%dma_wait3A_126 : memref<10240x64xf32, #tpu.memory_space<vmem_shared>>)
          tpu.yield
        }) : () -> ()
      }
      %scan3A_82 = arith.constant 20 : i32
    }
    %scan3A_34 = arith.constant 2 : i32
    %barrier3A_35 = arith.constant 0 : index
    tpu.barrier barrier_id(%barrier3A_35)
    %mul3A_36 = arith.constant 640 : i32
    %mul3A_37 = arith.muli %arg1, %mul3A_36 : i32
    %add3A_38 = arith.constant 0 : i32
    %add3A_39 = arith.addi %mul3A_37, %add3A_38 : i32
    "tpu.region"() ({
      %run_scoped3A = tpu.sem_alloc : memref<!tpu.dma_semaphore, #tpu.memory_space<semaphore_mem>>
      %dma_start3A = arith.constant 0 : i32
      %dma_start3A_61 = tpu.memref_slice %arg12[%add3A_39, %dma_start3A] : memref<10240x64xf32, #tpu.memory_space<vmem_shared>> -> memref<128x64xf32, #tpu.memory_space<vmem_shared>>
      %dma_start3A_62 = arith.constant 0 : i32
      %dma_start3A_63 = tpu.memref_slice %arg12[%add3A_39, %dma_start3A_62] : memref<10240x64xf32, #tpu.memory_space<vmem_shared>> -> memref<128x64xf32, #tpu.memory_space<vmem_shared>>
      tpu.enqueue_dma source(%dma_start3A_63 : memref<128x64xf32, #tpu.memory_space<vmem_shared>>) target(%arg8 : memref<128x64xf32, #tpu.memory_space<vmem>>) target_semaphore(%run_scoped3A : memref<!tpu.dma_semaphore, #tpu.memory_space<semaphore_mem>>)
      %dma_wait3A = arith.constant 0 : i32
      %dma_wait3A_64 = tpu.memref_slice %arg12[%add3A_39, %dma_wait3A] : memref<10240x64xf32, #tpu.memory_space<vmem_shared>> -> memref<128x64xf32, #tpu.memory_space<vmem_shared>>
      %dma_wait3A_65 = arith.constant 0 : i32
      %dma_wait3A_66 = tpu.memref_slice %arg12[%add3A_39, %dma_wait3A_65] : memref<10240x64xf32, #tpu.memory_space<vmem_shared>> -> memref<128x64xf32, #tpu.memory_space<vmem_shared>>
      tpu.wait_dma2 semaphore(%run_scoped3A : memref<!tpu.dma_semaphore, #tpu.memory_space<semaphore_mem>>) src(%dma_wait3A_66 : memref<128x64xf32, #tpu.memory_space<vmem_shared>>) dst(%arg8 : memref<128x64xf32, #tpu.memory_space<vmem>>)
      tpu.yield
    }) : () -> ()
    %add3A_40 = arith.addi %multiple_of3A, %add3A_39 : i32
    "tpu.region"() ({
      %run_scoped3A = tpu.sem_alloc : memref<!tpu.dma_semaphore, #tpu.memory_space<semaphore_mem>>
      %dma_start3A = arith.constant 0 : i32
      %dma_start3A_61 = tpu.memref_slice %arg5[%add3A_40, %dma_start3A] : memref<20480x64xf32, #tpu.memory_space<hbm>> -> memref<128x64xf32, #tpu.memory_space<hbm>>
      %dma_start3A_62 = arith.constant 0 : i32
      %dma_start3A_63 = tpu.memref_slice %arg5[%add3A_40, %dma_start3A_62] : memref<20480x64xf32, #tpu.memory_space<hbm>> -> memref<128x64xf32, #tpu.memory_space<hbm>>
      tpu.enqueue_dma source(%arg8 : memref<128x64xf32, #tpu.memory_space<vmem>>) target(%dma_start3A_63 : memref<128x64xf32, #tpu.memory_space<hbm>>) target_semaphore(%run_scoped3A : memref<!tpu.dma_semaphore, #tpu.memory_space<semaphore_mem>>)
      %dma_wait3A = arith.constant 0 : i32
      %dma_wait3A_64 = tpu.memref_slice %arg5[%add3A_40, %dma_wait3A] : memref<20480x64xf32, #tpu.memory_space<hbm>> -> memref<128x64xf32, #tpu.memory_space<hbm>>
      %dma_wait3A_65 = arith.constant 0 : i32
      %dma_wait3A_66 = tpu.memref_slice %arg5[%add3A_40, %dma_wait3A_65] : memref<20480x64xf32, #tpu.memory_space<hbm>> -> memref<128x64xf32, #tpu.memory_space<hbm>>
      tpu.wait_dma2 semaphore(%run_scoped3A : memref<!tpu.dma_semaphore, #tpu.memory_space<semaphore_mem>>) src(%arg8 : memref<128x64xf32, #tpu.memory_space<vmem>>) dst(%dma_wait3A_66 : memref<128x64xf32, #tpu.memory_space<hbm>>)
      tpu.yield
    }) : () -> ()
    %mul3A_41 = arith.constant 640 : i32
    %mul3A_42 = arith.muli %arg1, %mul3A_41 : i32
    %add3A_43 = arith.constant 128 : i32
    %add3A_44 = arith.addi %mul3A_42, %add3A_43 : i32
    "tpu.region"() ({
      %run_scoped3A = tpu.sem_alloc : memref<!tpu.dma_semaphore, #tpu.memory_space<semaphore_mem>>
      %dma_start3A = arith.constant 0 : i32
      %dma_start3A_61 = tpu.memref_slice %arg12[%add3A_44, %dma_start3A] : memref<10240x64xf32, #tpu.memory_space<vmem_shared>> -> memref<128x64xf32, #tpu.memory_space<vmem_shared>>
      %dma_start3A_62 = arith.constant 0 : i32
      %dma_start3A_63 = tpu.memref_slice %arg12[%add3A_44, %dma_start3A_62] : memref<10240x64xf32, #tpu.memory_space<vmem_shared>> -> memref<128x64xf32, #tpu.memory_space<vmem_shared>>
      tpu.enqueue_dma source(%dma_start3A_63 : memref<128x64xf32, #tpu.memory_space<vmem_shared>>) target(%arg8 : memref<128x64xf32, #tpu.memory_space<vmem>>) target_semaphore(%run_scoped3A : memref<!tpu.dma_semaphore, #tpu.memory_space<semaphore_mem>>)
      %dma_wait3A = arith.constant 0 : i32
      %dma_wait3A_64 = tpu.memref_slice %arg12[%add3A_44, %dma_wait3A] : memref<10240x64xf32, #tpu.memory_space<vmem_shared>> -> memref<128x64xf32, #tpu.memory_space<vmem_shared>>
      %dma_wait3A_65 = arith.constant 0 : i32
      %dma_wait3A_66 = tpu.memref_slice %arg12[%add3A_44, %dma_wait3A_65] : memref<10240x64xf32, #tpu.memory_space<vmem_shared>> -> memref<128x64xf32, #tpu.memory_space<vmem_shared>>
      tpu.wait_dma2 semaphore(%run_scoped3A : memref<!tpu.dma_semaphore, #tpu.memory_space<semaphore_mem>>) src(%dma_wait3A_66 : memref<128x64xf32, #tpu.memory_space<vmem_shared>>) dst(%arg8 : memref<128x64xf32, #tpu.memory_space<vmem>>)
      tpu.yield
    }) : () -> ()
    %add3A_45 = arith.addi %multiple_of3A, %add3A_44 : i32
    "tpu.region"() ({
      %run_scoped3A = tpu.sem_alloc : memref<!tpu.dma_semaphore, #tpu.memory_space<semaphore_mem>>
      %dma_start3A = arith.constant 0 : i32
      %dma_start3A_61 = tpu.memref_slice %arg5[%add3A_45, %dma_start3A] : memref<20480x64xf32, #tpu.memory_space<hbm>> -> memref<128x64xf32, #tpu.memory_space<hbm>>
      %dma_start3A_62 = arith.constant 0 : i32
      %dma_start3A_63 = tpu.memref_slice %arg5[%add3A_45, %dma_start3A_62] : memref<20480x64xf32, #tpu.memory_space<hbm>> -> memref<128x64xf32, #tpu.memory_space<hbm>>
      tpu.enqueue_dma source(%arg8 : memref<128x64xf32, #tpu.memory_space<vmem>>) target(%dma_start3A_63 : memref<128x64xf32, #tpu.memory_space<hbm>>) target_semaphore(%run_scoped3A : memref<!tpu.dma_semaphore, #tpu.memory_space<semaphore_mem>>)
      %dma_wait3A = arith.constant 0 : i32
      %dma_wait3A_64 = tpu.memref_slice %arg5[%add3A_45, %dma_wait3A] : memref<20480x64xf32, #tpu.memory_space<hbm>> -> memref<128x64xf32, #tpu.memory_space<hbm>>
      %dma_wait3A_65 = arith.constant 0 : i32
      %dma_wait3A_66 = tpu.memref_slice %arg5[%add3A_45, %dma_wait3A_65] : memref<20480x64xf32, #tpu.memory_space<hbm>> -> memref<128x64xf32, #tpu.memory_space<hbm>>
      tpu.wait_dma2 semaphore(%run_scoped3A : memref<!tpu.dma_semaphore, #tpu.memory_space<semaphore_mem>>) src(%arg8 : memref<128x64xf32, #tpu.memory_space<vmem>>) dst(%dma_wait3A_66 : memref<128x64xf32, #tpu.memory_space<hbm>>)
      tpu.yield
    }) : () -> ()
    %mul3A_46 = arith.constant 640 : i32
    %mul3A_47 = arith.muli %arg1, %mul3A_46 : i32
    %add3A_48 = arith.constant 256 : i32
    %add3A_49 = arith.addi %mul3A_47, %add3A_48 : i32
    "tpu.region"() ({
      %run_scoped3A = tpu.sem_alloc : memref<!tpu.dma_semaphore, #tpu.memory_space<semaphore_mem>>
      %dma_start3A = arith.constant 0 : i32
      %dma_start3A_61 = tpu.memref_slice %arg12[%add3A_49, %dma_start3A] : memref<10240x64xf32, #tpu.memory_space<vmem_shared>> -> memref<128x64xf32, #tpu.memory_space<vmem_shared>>
      %dma_start3A_62 = arith.constant 0 : i32
      %dma_start3A_63 = tpu.memref_slice %arg12[%add3A_49, %dma_start3A_62] : memref<10240x64xf32, #tpu.memory_space<vmem_shared>> -> memref<128x64xf32, #tpu.memory_space<vmem_shared>>
      tpu.enqueue_dma source(%dma_start3A_63 : memref<128x64xf32, #tpu.memory_space<vmem_shared>>) target(%arg8 : memref<128x64xf32, #tpu.memory_space<vmem>>) target_semaphore(%run_scoped3A : memref<!tpu.dma_semaphore, #tpu.memory_space<semaphore_mem>>)
      %dma_wait3A = arith.constant 0 : i32
      %dma_wait3A_64 = tpu.memref_slice %arg12[%add3A_49, %dma_wait3A] : memref<10240x64xf32, #tpu.memory_space<vmem_shared>> -> memref<128x64xf32, #tpu.memory_space<vmem_shared>>
      %dma_wait3A_65 = arith.constant 0 : i32
      %dma_wait3A_66 = tpu.memref_slice %arg12[%add3A_49, %dma_wait3A_65] : memref<10240x64xf32, #tpu.memory_space<vmem_shared>> -> memref<128x64xf32, #tpu.memory_space<vmem_shared>>
      tpu.wait_dma2 semaphore(%run_scoped3A : memref<!tpu.dma_semaphore, #tpu.memory_space<semaphore_mem>>) src(%dma_wait3A_66 : memref<128x64xf32, #tpu.memory_space<vmem_shared>>) dst(%arg8 : memref<128x64xf32, #tpu.memory_space<vmem>>)
      tpu.yield
    }) : () -> ()
    %add3A_50 = arith.addi %multiple_of3A, %add3A_49 : i32
    "tpu.region"() ({
      %run_scoped3A = tpu.sem_alloc : memref<!tpu.dma_semaphore, #tpu.memory_space<semaphore_mem>>
      %dma_start3A = arith.constant 0 : i32
      %dma_start3A_61 = tpu.memref_slice %arg5[%add3A_50, %dma_start3A] : memref<20480x64xf32, #tpu.memory_space<hbm>> -> memref<128x64xf32, #tpu.memory_space<hbm>>
      %dma_start3A_62 = arith.constant 0 : i32
      %dma_start3A_63 = tpu.memref_slice %arg5[%add3A_50, %dma_start3A_62] : memref<20480x64xf32, #tpu.memory_space<hbm>> -> memref<128x64xf32, #tpu.memory_space<hbm>>
      tpu.enqueue_dma source(%arg8 : memref<128x64xf32, #tpu.memory_space<vmem>>) target(%dma_start3A_63 : memref<128x64xf32, #tpu.memory_space<hbm>>) target_semaphore(%run_scoped3A : memref<!tpu.dma_semaphore, #tpu.memory_space<semaphore_mem>>)
      %dma_wait3A = arith.constant 0 : i32
      %dma_wait3A_64 = tpu.memref_slice %arg5[%add3A_50, %dma_wait3A] : memref<20480x64xf32, #tpu.memory_space<hbm>> -> memref<128x64xf32, #tpu.memory_space<hbm>>
      %dma_wait3A_65 = arith.constant 0 : i32
      %dma_wait3A_66 = tpu.memref_slice %arg5[%add3A_50, %dma_wait3A_65] : memref<20480x64xf32, #tpu.memory_space<hbm>> -> memref<128x64xf32, #tpu.memory_space<hbm>>
      tpu.wait_dma2 semaphore(%run_scoped3A : memref<!tpu.dma_semaphore, #tpu.memory_space<semaphore_mem>>) src(%arg8 : memref<128x64xf32, #tpu.memory_space<vmem>>) dst(%dma_wait3A_66 : memref<128x64xf32, #tpu.memory_space<hbm>>)
      tpu.yield
    }) : () -> ()
    %mul3A_51 = arith.constant 640 : i32
    %mul3A_52 = arith.muli %arg1, %mul3A_51 : i32
    %add3A_53 = arith.constant 384 : i32
    %add3A_54 = arith.addi %mul3A_52, %add3A_53 : i32
    "tpu.region"() ({
      %run_scoped3A = tpu.sem_alloc : memref<!tpu.dma_semaphore, #tpu.memory_space<semaphore_mem>>
      %dma_start3A = arith.constant 0 : i32
      %dma_start3A_61 = tpu.memref_slice %arg12[%add3A_54, %dma_start3A] : memref<10240x64xf32, #tpu.memory_space<vmem_shared>> -> memref<128x64xf32, #tpu.memory_space<vmem_shared>>
      %dma_start3A_62 = arith.constant 0 : i32
      %dma_start3A_63 = tpu.memref_slice %arg12[%add3A_54, %dma_start3A_62] : memref<10240x64xf32, #tpu.memory_space<vmem_shared>> -> memref<128x64xf32, #tpu.memory_space<vmem_shared>>
      tpu.enqueue_dma source(%dma_start3A_63 : memref<128x64xf32, #tpu.memory_space<vmem_shared>>) target(%arg8 : memref<128x64xf32, #tpu.memory_space<vmem>>) target_semaphore(%run_scoped3A : memref<!tpu.dma_semaphore, #tpu.memory_space<semaphore_mem>>)
      %dma_wait3A = arith.constant 0 : i32
      %dma_wait3A_64 = tpu.memref_slice %arg12[%add3A_54, %dma_wait3A] : memref<10240x64xf32, #tpu.memory_space<vmem_shared>> -> memref<128x64xf32, #tpu.memory_space<vmem_shared>>
      %dma_wait3A_65 = arith.constant 0 : i32
      %dma_wait3A_66 = tpu.memref_slice %arg12[%add3A_54, %dma_wait3A_65] : memref<10240x64xf32, #tpu.memory_space<vmem_shared>> -> memref<128x64xf32, #tpu.memory_space<vmem_shared>>
      tpu.wait_dma2 semaphore(%run_scoped3A : memref<!tpu.dma_semaphore, #tpu.memory_space<semaphore_mem>>) src(%dma_wait3A_66 : memref<128x64xf32, #tpu.memory_space<vmem_shared>>) dst(%arg8 : memref<128x64xf32, #tpu.memory_space<vmem>>)
      tpu.yield
    }) : () -> ()
    %add3A_55 = arith.addi %multiple_of3A, %add3A_54 : i32
    "tpu.region"() ({
      %run_scoped3A = tpu.sem_alloc : memref<!tpu.dma_semaphore, #tpu.memory_space<semaphore_mem>>
      %dma_start3A = arith.constant 0 : i32
      %dma_start3A_61 = tpu.memref_slice %arg5[%add3A_55, %dma_start3A] : memref<20480x64xf32, #tpu.memory_space<hbm>> -> memref<128x64xf32, #tpu.memory_space<hbm>>
      %dma_start3A_62 = arith.constant 0 : i32
      %dma_start3A_63 = tpu.memref_slice %arg5[%add3A_55, %dma_start3A_62] : memref<20480x64xf32, #tpu.memory_space<hbm>> -> memref<128x64xf32, #tpu.memory_space<hbm>>
      tpu.enqueue_dma source(%arg8 : memref<128x64xf32, #tpu.memory_space<vmem>>) target(%dma_start3A_63 : memref<128x64xf32, #tpu.memory_space<hbm>>) target_semaphore(%run_scoped3A : memref<!tpu.dma_semaphore, #tpu.memory_space<semaphore_mem>>)
      %dma_wait3A = arith.constant 0 : i32
      %dma_wait3A_64 = tpu.memref_slice %arg5[%add3A_55, %dma_wait3A] : memref<20480x64xf32, #tpu.memory_space<hbm>> -> memref<128x64xf32, #tpu.memory_space<hbm>>
      %dma_wait3A_65 = arith.constant 0 : i32
      %dma_wait3A_66 = tpu.memref_slice %arg5[%add3A_55, %dma_wait3A_65] : memref<20480x64xf32, #tpu.memory_space<hbm>> -> memref<128x64xf32, #tpu.memory_space<hbm>>
      tpu.wait_dma2 semaphore(%run_scoped3A : memref<!tpu.dma_semaphore, #tpu.memory_space<semaphore_mem>>) src(%arg8 : memref<128x64xf32, #tpu.memory_space<vmem>>) dst(%dma_wait3A_66 : memref<128x64xf32, #tpu.memory_space<hbm>>)
      tpu.yield
    }) : () -> ()
    %mul3A_56 = arith.constant 640 : i32
    %mul3A_57 = arith.muli %arg1, %mul3A_56 : i32
    %add3A_58 = arith.constant 512 : i32
    %add3A_59 = arith.addi %mul3A_57, %add3A_58 : i32
    "tpu.region"() ({
      %run_scoped3A = tpu.sem_alloc : memref<!tpu.dma_semaphore, #tpu.memory_space<semaphore_mem>>
      %dma_start3A = arith.constant 0 : i32
      %dma_start3A_61 = tpu.memref_slice %arg12[%add3A_59, %dma_start3A] : memref<10240x64xf32, #tpu.memory_space<vmem_shared>> -> memref<128x64xf32, #tpu.memory_space<vmem_shared>>
      %dma_start3A_62 = arith.constant 0 : i32
      %dma_start3A_63 = tpu.memref_slice %arg12[%add3A_59, %dma_start3A_62] : memref<10240x64xf32, #tpu.memory_space<vmem_shared>> -> memref<128x64xf32, #tpu.memory_space<vmem_shared>>
      tpu.enqueue_dma source(%dma_start3A_63 : memref<128x64xf32, #tpu.memory_space<vmem_shared>>) target(%arg8 : memref<128x64xf32, #tpu.memory_space<vmem>>) target_semaphore(%run_scoped3A : memref<!tpu.dma_semaphore, #tpu.memory_space<semaphore_mem>>)
      %dma_wait3A = arith.constant 0 : i32
      %dma_wait3A_64 = tpu.memref_slice %arg12[%add3A_59, %dma_wait3A] : memref<10240x64xf32, #tpu.memory_space<vmem_shared>> -> memref<128x64xf32, #tpu.memory_space<vmem_shared>>
      %dma_wait3A_65 = arith.constant 0 : i32
      %dma_wait3A_66 = tpu.memref_slice %arg12[%add3A_59, %dma_wait3A_65] : memref<10240x64xf32, #tpu.memory_space<vmem_shared>> -> memref<128x64xf32, #tpu.memory_space<vmem_shared>>
      tpu.wait_dma2 semaphore(%run_scoped3A : memref<!tpu.dma_semaphore, #tpu.memory_space<semaphore_mem>>) src(%dma_wait3A_66 : memref<128x64xf32, #tpu.memory_space<vmem_shared>>) dst(%arg8 : memref<128x64xf32, #tpu.memory_space<vmem>>)
      tpu.yield
    }) : () -> ()
    %add3A_60 = arith.addi %multiple_of3A, %add3A_59 : i32
    "tpu.region"() ({
      %run_scoped3A = tpu.sem_alloc : memref<!tpu.dma_semaphore, #tpu.memory_space<semaphore_mem>>
      %dma_start3A = arith.constant 0 : i32
      %dma_start3A_61 = tpu.memref_slice %arg5[%add3A_60, %dma_start3A] : memref<20480x64xf32, #tpu.memory_space<hbm>> -> memref<128x64xf32, #tpu.memory_space<hbm>>
      %dma_start3A_62 = arith.constant 0 : i32
      %dma_start3A_63 = tpu.memref_slice %arg5[%add3A_60, %dma_start3A_62] : memref<20480x64xf32, #tpu.memory_space<hbm>> -> memref<128x64xf32, #tpu.memory_space<hbm>>
      tpu.enqueue_dma source(%arg8 : memref<128x64xf32, #tpu.memory_space<vmem>>) target(%dma_start3A_63 : memref<128x64xf32, #tpu.memory_space<hbm>>) target_semaphore(%run_scoped3A : memref<!tpu.dma_semaphore, #tpu.memory_space<semaphore_mem>>)
      %dma_wait3A = arith.constant 0 : i32
      %dma_wait3A_64 = tpu.memref_slice %arg5[%add3A_60, %dma_wait3A] : memref<20480x64xf32, #tpu.memory_space<hbm>> -> memref<128x64xf32, #tpu.memory_space<hbm>>
      %dma_wait3A_65 = arith.constant 0 : i32
      %dma_wait3A_66 = tpu.memref_slice %arg5[%add3A_60, %dma_wait3A_65] : memref<20480x64xf32, #tpu.memory_space<hbm>> -> memref<128x64xf32, #tpu.memory_space<hbm>>
      tpu.wait_dma2 semaphore(%run_scoped3A : memref<!tpu.dma_semaphore, #tpu.memory_space<semaphore_mem>>) src(%arg8 : memref<128x64xf32, #tpu.memory_space<vmem>>) dst(%dma_wait3A_66 : memref<128x64xf32, #tpu.memory_space<hbm>>)
      tpu.yield
    }) : () -> ()
    return
  }
}

module attributes {stable_mosaic.version = 14 : i64} {
  func.func @_mm1_body(%arg0: i32, %arg1: memref<256x128xf32, #tpu.memory_space<vmem>>, %arg2: memref<256x1xf32, #tpu.memory_space<vmem>>, %arg3: memref<128x128xf32, #tpu.memory_space<vmem>>, %arg4: memref<256x128xf32, #tpu.memory_space<vmem>>) attributes {dimension_semantics = [#tpu.dimension_semantics<arbitrary>], iteration_bounds = array<i64: 40>, scalar_prefetch = 0 : i64, scratch_operands = 0 : i64, tpu.core_type = #tpu.core_type<tc>, window_params = [{transform_indices = @transform_0, window_bounds = array<i64: 256, 128>}, {transform_indices = @transform_1, window_bounds = array<i64: 256, 1>}, {pipeline_mode = #tpu.pipeline_mode<synchronous>, transform_indices = @transform_2, window_bounds = array<i64: 128, 128>}, {transform_indices = @transform_3, window_bounds = array<i64: 256, 128>}]} {
    %get3A = arith.constant 0 : index
    %get3A_0 = arith.constant 0 : index
    %get3A_1 = vector.load %arg2[%get3A, %get3A_0] : memref<256x1xf32, #tpu.memory_space<vmem>>, vector<256x1xf32>
    %max3A = arith.constant 1.000000e+00 : f32
    %max3A_2 = vector.broadcast %max3A : f32 to vector<256x1xf32>
    %max3A_3 = arith.maximumf %get3A_1, %max3A_2 : vector<256x1xf32>
    %rsqrt3A = math.rsqrt %max3A_3 : vector<256x1xf32>
    %get3A_4 = arith.constant 0 : index
    %get3A_5 = arith.constant 0 : index
    %get3A_6 = vector.load %arg1[%get3A_4, %get3A_5] : memref<256x128xf32, #tpu.memory_space<vmem>>, vector<256x128xf32>
    %mul3A = vector.broadcast %rsqrt3A : vector<256x1xf32> to vector<256x128xf32>
    %mul3A_7 = arith.mulf %get3A_6, %mul3A : vector<256x128xf32>
    %get3A_8 = arith.constant 0 : index
    %get3A_9 = arith.constant 0 : index
    %get3A_10 = vector.load %arg3[%get3A_8, %get3A_9] : memref<128x128xf32, #tpu.memory_space<vmem>>, vector<128x128xf32>
    %dot_general3A = arith.constant dense<0.000000e+00> : vector<256x128xf32>
    %dot_general3A_11 = tpu.matmul %mul3A_7, %get3A_10, %dot_general3A {dimension_numbers = #tpu.dot_dimension_numbers<[1], [0], [0], [1], [0, 0, 1, 1], [], []>, transpose_lhs_hint = false} : vector<256x128xf32>, vector<128x128xf32>, vector<256x128xf32> -> vector<256x128xf32>
    %swap3A = arith.constant 0 : index
    %swap3A_12 = arith.constant 0 : index
    %swap3A_13 = vector.load %arg4[%swap3A, %swap3A_12] : memref<256x128xf32, #tpu.memory_space<vmem>>, vector<256x128xf32>
    tpu.vector_store %arg4[%swap3A, %swap3A_12], %dot_general3A_11 {strides = array<i32>} : memref<256x128xf32, #tpu.memory_space<vmem>>, vector<256x128xf32>,
    return
  }
  func.func @transform_0(%arg0: i32) -> (i32, i32) {
    %c0_i32 = arith.constant 0 : i32
    %c0_i32_0 = arith.constant 0 : i32
    return %arg0, %c0_i32 : i32, i32
  }
  func.func @transform_1(%arg0: i32) -> (i32, i32) {
    %c0_i32 = arith.constant 0 : i32
    %c0_i32_0 = arith.constant 0 : i32
    return %arg0, %c0_i32 : i32, i32
  }
  func.func @transform_2(%arg0: i32) -> (i32, i32) {
    %c0_i32 = arith.constant 0 : i32
    %c0_i32_0 = arith.constant 0 : i32
    %c0_i32_1 = arith.constant 0 : i32
    return %c0_i32, %c0_i32_0 : i32, i32
  }
  func.func @transform_3(%arg0: i32) -> (i32, i32) {
    %c0_i32 = arith.constant 0 : i32
    %c0_i32_0 = arith.constant 0 : i32
    return %arg0, %c0_i32 : i32, i32
  }
}

module attributes {stable_mosaic.version = 14 : i64} {
  func.func @_mid_body(%arg0: i32, %arg1: memref<2x256x128xf32, #tpu.memory_space<vmem>>, %arg2: memref<256x1xf32, #tpu.memory_space<vmem>>, %arg3: memref<256x1xf32, #tpu.memory_space<vmem>>, %arg4: memref<1x128xf32, #tpu.memory_space<vmem>>, %arg5: memref<128x64xf32, #tpu.memory_space<vmem>>, %arg6: memref<256x64xf32, #tpu.memory_space<vmem>>) attributes {dimension_semantics = [#tpu.dimension_semantics<arbitrary>], iteration_bounds = array<i64: 40>, scalar_prefetch = 0 : i64, scratch_operands = 0 : i64, tpu.core_type = #tpu.core_type<tc>, window_params = [{transform_indices = @transform_0, window_bounds = array<i64: 2, 256, 128>}, {transform_indices = @transform_1, window_bounds = array<i64: 256, 1>}, {transform_indices = @transform_2, window_bounds = array<i64: 256, 1>}, {pipeline_mode = #tpu.pipeline_mode<synchronous>, transform_indices = @transform_3, window_bounds = array<i64: 1, 128>}, {pipeline_mode = #tpu.pipeline_mode<synchronous>, transform_indices = @transform_4, window_bounds = array<i64: 128, 64>}, {transform_indices = @transform_5, window_bounds = array<i64: 256, 64>}]} {
    %get3A = arith.constant 0 : index
    %get3A_0 = arith.constant 0 : index
    %get3A_1 = arith.constant 0 : index
    %get3A_2 = vector.load %arg1[%get3A, %get3A_0, %get3A_1] : memref<2x256x128xf32, #tpu.memory_space<vmem>>, vector<1x256x128xf32>
    %get3A_3 = vector.shape_cast %get3A_2 : vector<1x256x128xf32> to vector<256x128xf32>
    %get3A_4 = arith.constant 1 : index
    %get3A_5 = arith.constant 0 : index
    %get3A_6 = arith.constant 0 : index
    %get3A_7 = vector.load %arg1[%get3A_4, %get3A_5, %get3A_6] : memref<2x256x128xf32, #tpu.memory_space<vmem>>, vector<1x256x128xf32>
    %get3A_8 = vector.shape_cast %get3A_7 : vector<1x256x128xf32> to vector<256x128xf32>
    %add3A = arith.addf %get3A_3, %get3A_8 : vector<256x128xf32>
    %get3A_9 = arith.constant 0 : index
    %get3A_10 = arith.constant 0 : index
    %get3A_11 = vector.load %arg2[%get3A_9, %get3A_10] : memref<256x1xf32, #tpu.memory_space<vmem>>, vector<256x1xf32>
    %max3A = arith.constant 1.000000e+00 : f32
    %max3A_12 = vector.broadcast %max3A : f32 to vector<256x1xf32>
    %max3A_13 = arith.maximumf %get3A_11, %max3A_12 : vector<256x1xf32>
    %rsqrt3A = math.rsqrt %max3A_13 : vector<256x1xf32>
    %mul3A = vector.broadcast %rsqrt3A : vector<256x1xf32> to vector<256x128xf32>
    %mul3A_14 = arith.mulf %add3A, %mul3A : vector<256x128xf32>
    %get3A_15 = arith.constant 0 : index
    %get3A_16 = arith.constant 0 : index
    %get3A_17 = vector.load %arg4[%get3A_15, %get3A_16] : memref<1x128xf32, #tpu.memory_space<vmem>>, vector<1x128xf32>
    %add3A_18 = vector.broadcast %get3A_17 : vector<1x128xf32> to vector<256x128xf32>
    %add3A_19 = arith.addf %mul3A_14, %add3A_18 : vector<256x128xf32>
    %max3A_20 = arith.constant 0.000000e+00 : f32
    %max3A_21 = vector.broadcast %max3A_20 : f32 to vector<256x128xf32>
    %max3A_22 = arith.maximumf %add3A_19, %max3A_21 : vector<256x128xf32>
    %mul3A_23 = arith.constant 256 : i32
    %mul3A_24 = arith.muli %arg0, %mul3A_23 : i32
    %iota3A = tpu.iota {dimensions = array<i32: 0>} : vector<256x1xi32>
    %add3A_25 = vector.broadcast %mul3A_24 : i32 to vector<256x1xi32>
    %add3A_26 = arith.addi %add3A_25, %iota3A : vector<256x1xi32>
    %lt3A = arith.constant 10000 : i32
    %lt3A_27 = vector.broadcast %lt3A : i32 to vector<256x1xi32>
    %lt3A_28 = arith.cmpi slt, %add3A_26, %lt3A_27 : vector<256x1xi32>
    %jit3A = arith.constant 0.000000e+00 : f32
    %broadcast_in_dim3A = vector.shape_cast %lt3A_28 : vector<256x1xi1> to vector<256x1xi1>
    %broadcast_in_dim3A_29 = vector.broadcast %broadcast_in_dim3A : vector<256x1xi1> to vector<256x128xi1>
    %broadcast_in_dim3A_30 = vector.broadcast %jit3A : f32 to vector<256x128xf32>
    %select_n3A = arith.select %broadcast_in_dim3A_29, %max3A_22, %broadcast_in_dim3A_30 : vector<256x128xi1>, vector<256x128xf32>
    %get3A_31 = arith.constant 0 : index
    %get3A_32 = arith.constant 0 : index
    %get3A_33 = vector.load %arg3[%get3A_31, %get3A_32] : memref<256x1xf32, #tpu.memory_space<vmem>>, vector<256x1xf32>
    %max3A_34 = arith.constant 1.000000e+00 : f32
    %max3A_35 = vector.broadcast %max3A_34 : f32 to vector<256x1xf32>
    %max3A_36 = arith.maximumf %get3A_33, %max3A_35 : vector<256x1xf32>
    %rsqrt3A_37 = math.rsqrt %max3A_36 : vector<256x1xf32>
    %mul3A_38 = vector.broadcast %rsqrt3A_37 : vector<256x1xf32> to vector<256x128xf32>
    %mul3A_39 = arith.mulf %select_n3A, %mul3A_38 : vector<256x128xf32>
    %get3A_40 = arith.constant 0 : index
    %get3A_41 = arith.constant 0 : index
    %get3A_42 = vector.load %arg5[%get3A_40, %get3A_41] : memref<128x64xf32, #tpu.memory_space<vmem>>, vector<128x64xf32>
    %dot_general3A = arith.constant dense<0.000000e+00> : vector<256x64xf32>
    %dot_general3A_43 = tpu.matmul %mul3A_39, %get3A_42, %dot_general3A {dimension_numbers = #tpu.dot_dimension_numbers<[1], [0], [0], [1], [0, 0, 1, 1], [], []>, transpose_lhs_hint = false} : vector<256x128xf32>, vector<128x64xf32>, vector<256x64xf32> -> vector<256x64xf32>
    %swap3A = arith.constant 0 : index
    %swap3A_44 = arith.constant 0 : index
    %swap3A_45 = vector.load %arg6[%swap3A, %swap3A_44] : memref<256x64xf32, #tpu.memory_space<vmem>>, vector<256x64xf32>
    tpu.vector_store %arg6[%swap3A, %swap3A_44], %dot_general3A_43 {strides = array<i32>} : memref<256x64xf32, #tpu.memory_space<vmem>>, vector<256x64xf32>,
    return
  }
  func.func @transform_0(%arg0: i32) -> (i32, i32, i32) {
    %c0_i32 = arith.constant 0 : i32
    %c0_i32_0 = arith.constant 0 : i32
    %c0_i32_1 = arith.constant 0 : i32
    return %c0_i32, %arg0, %c0_i32_0 : i32, i32, i32
  }
  func.func @transform_1(%arg0: i32) -> (i32, i32) {
    %c0_i32 = arith.constant 0 : i32
    %c0_i32_0 = arith.constant 0 : i32
    return %arg0, %c0_i32 : i32, i32
  }
  func.func @transform_2(%arg0: i32) -> (i32, i32) {
    %c0_i32 = arith.constant 0 : i32
    %c0_i32_0 = arith.constant 0 : i32
    return %arg0, %c0_i32 : i32, i32
  }
  func.func @transform_3(%arg0: i32) -> (i32, i32) {
    %c0_i32 = arith.constant 0 : i32
    %c0_i32_0 = arith.constant 0 : i32
    %c0_i32_1 = arith.constant 0 : i32
    return %c0_i32, %c0_i32_0 : i32, i32
  }
  func.func @transform_4(%arg0: i32) -> (i32, i32) {
    %c0_i32 = arith.constant 0 : i32
    %c0_i32_0 = arith.constant 0 : i32
    %c0_i32_1 = arith.constant 0 : i32
    return %c0_i32, %c0_i32_0 : i32, i32
  }
  func.func @transform_5(%arg0: i32) -> (i32, i32) {
    %c0_i32 = arith.constant 0 : i32
    %c0_i32_0 = arith.constant 0 : i32
    return %arg0, %c0_i32 : i32, i32
  }
}

module attributes {stable_mosaic.version = 14 : i64} {
  func.func @_fin_body(%arg0: i32, %arg1: memref<2x256x64xf32, #tpu.memory_space<vmem>>, %arg2: memref<256x1xf32, #tpu.memory_space<vmem>>, %arg3: memref<1x64xf32, #tpu.memory_space<vmem>>, %arg4: memref<256x64xf32, #tpu.memory_space<vmem>>) attributes {dimension_semantics = [#tpu.dimension_semantics<arbitrary>], iteration_bounds = array<i64: 40>, scalar_prefetch = 0 : i64, scratch_operands = 0 : i64, tpu.core_type = #tpu.core_type<tc>, window_params = [{transform_indices = @transform_0, window_bounds = array<i64: 2, 256, 64>}, {transform_indices = @transform_1, window_bounds = array<i64: 256, 1>}, {pipeline_mode = #tpu.pipeline_mode<synchronous>, transform_indices = @transform_2, window_bounds = array<i64: 1, 64>}, {transform_indices = @transform_3, window_bounds = array<i64: 256, 64>}]} {
    %get3A = arith.constant 0 : index
    %get3A_0 = arith.constant 0 : index
    %get3A_1 = arith.constant 0 : index
    %get3A_2 = vector.load %arg1[%get3A, %get3A_0, %get3A_1] : memref<2x256x64xf32, #tpu.memory_space<vmem>>, vector<1x256x64xf32>
    %get3A_3 = vector.shape_cast %get3A_2 : vector<1x256x64xf32> to vector<256x64xf32>
    %get3A_4 = arith.constant 1 : index
    %get3A_5 = arith.constant 0 : index
    %get3A_6 = arith.constant 0 : index
    %get3A_7 = vector.load %arg1[%get3A_4, %get3A_5, %get3A_6] : memref<2x256x64xf32, #tpu.memory_space<vmem>>, vector<1x256x64xf32>
    %get3A_8 = vector.shape_cast %get3A_7 : vector<1x256x64xf32> to vector<256x64xf32>
    %add3A = arith.addf %get3A_3, %get3A_8 : vector<256x64xf32>
    %get3A_9 = arith.constant 0 : index
    %get3A_10 = arith.constant 0 : index
    %get3A_11 = vector.load %arg2[%get3A_9, %get3A_10] : memref<256x1xf32, #tpu.memory_space<vmem>>, vector<256x1xf32>
    %max3A = arith.constant 1.000000e+00 : f32
    %max3A_12 = vector.broadcast %max3A : f32 to vector<256x1xf32>
    %max3A_13 = arith.maximumf %get3A_11, %max3A_12 : vector<256x1xf32>
    %rsqrt3A = math.rsqrt %max3A_13 : vector<256x1xf32>
    %mul3A = vector.broadcast %rsqrt3A : vector<256x1xf32> to vector<256x64xf32>
    %mul3A_14 = arith.mulf %add3A, %mul3A : vector<256x64xf32>
    %get3A_15 = arith.constant 0 : index
    %get3A_16 = arith.constant 0 : index
    %get3A_17 = vector.load %arg3[%get3A_15, %get3A_16] : memref<1x64xf32, #tpu.memory_space<vmem>>, vector<1x64xf32>
    %add3A_18 = vector.broadcast %get3A_17 : vector<1x64xf32> to vector<256x64xf32>
    %add3A_19 = arith.addf %mul3A_14, %add3A_18 : vector<256x64xf32>
    %swap3A = arith.constant 0 : index
    %swap3A_20 = arith.constant 0 : index
    %swap3A_21 = vector.load %arg4[%swap3A, %swap3A_20] : memref<256x64xf32, #tpu.memory_space<vmem>>, vector<256x64xf32>
    tpu.vector_store %arg4[%swap3A, %swap3A_20], %add3A_19 {strides = array<i32>} : memref<256x64xf32, #tpu.memory_space<vmem>>, vector<256x64xf32>,
    return
  }
  func.func @transform_0(%arg0: i32) -> (i32, i32, i32) {
    %c0_i32 = arith.constant 0 : i32
    %c0_i32_0 = arith.constant 0 : i32
    %c0_i32_1 = arith.constant 0 : i32
    return %c0_i32, %arg0, %c0_i32_0 : i32, i32, i32
  }
  func.func @transform_1(%arg0: i32) -> (i32, i32) {
    %c0_i32 = arith.constant 0 : i32
    %c0_i32_0 = arith.constant 0 : i32
    return %arg0, %c0_i32 : i32, i32
  }
  func.func @transform_2(%arg0: i32) -> (i32, i32) {
    %c0_i32 = arith.constant 0 : i32
    %c0_i32_0 = arith.constant 0 : i32
    %c0_i32_1 = arith.constant 0 : i32
    return %c0_i32, %c0_i32_0 : i32, i32
  }
  func.func @transform_3(%arg0: i32) -> (i32, i32) {
    %c0_i32 = arith.constant 0 : i32
    %c0_i32_0 = arith.constant 0 : i32
    return %arg0, %c0_i32 : i32, i32
  }
}

</mosaic_0001>

<sc_bundles>
// kernel: kernel.11.cloned.1.call-start
scs
__scs_entry_jumppad:
0x0: {  	(pc) =	sbr.rel $0x88, $3  }
0x1: {  	(tag) =	ssettag $0x0;
	lr =	simm.s32 $0x1  }
0x2: {  	[smem:$0x3F9B] =	sst lr;
	_ =	strace $0xD0000000  }
0x3: {  	_ = 	snop  }
0x4: {  	_ = 	snop  }
0x5: {  	_ = 	snop  }
0x6: {  	_ = 	snop  }
0x7: {  	_ = 	snop  }
__scs_overlays_trampoline_lowered:
0x8: {  	[smem:$0x3FAA] =	sst s0  }
0x9: {  	[smem:$0x3FAB] =	sst s1  }
0xa: {  	[smem:$0x3FAC] =	sst s2  }
0xb: {  	[smem:$0x3FAD] =	sst s3  }
0xc: {  	[smem:$0x3FAE] =	sst s4  }
0xd: {  	[smem:$0x3FAF] =	sst s5  }
0xe: {  	[smem:$0x3FB0] =	sst s6  }
0xf: {  	[smem:$0x3FB1] =	sst s7  }
0x10: {  	[smem:$0x3FB2] =	sst s8  }
0x11: {  	[smem:$0x3FB3] =	sst s9;
	s0 =	simm.s32 @!p0 $0x0  }
0x12: {  	s1 =	sld [smem:$0x3F99];
	s0 =	simm.s32 @p0 $0x1  }
0x13: {  	[smem:$0x3FB4] =	sst s0;
	s0 =	simm.s32 @!p1 $0x0  }
0x14: {  	s2 =	sld [smem:$0x3F98];
	s0 =	simm.s32 @p1 $0x1  }
0x15: {  	[smem:$0x3FB5] =	sst s0;
	s0 =	simm.s32 @!p2 $0x0  }
0x16: {  	s3 =	sld [smem:$0x3FDB];
	s0 =	simm.s32 @p2 $0x1  }
0x17: {  	s4 =	simm.s32 $0x1BF5;
	[smem:$0x3FB7] =	sst s0  }
0x18: {  	s0 =	sld [smem:$0x3F9A];
	_ =	swait.ge [sflag:s4], $0x0  }
0x19: {  	s7 =	sld [smem:$0x3F9B]  }
0x1a: {  	s8 =	sadd.s32 $0xFFFFE003, lr  }
0x1b: {  	s9 =	sadd.s32 $0xFFFFFEF7, lr;
	s5 =	simm.s32 $0xFFFFFFFF;
	p2 =	slt.u32 s8, $0xFFFFF086  }
0x1c: {  	p1 =	slt.u32 s9, $0xF7A;
	s5 =	simm.s32 @!p2 $0x0  }
0x1d: {  	s5 =	simm.s32 @p1 $0x1;
	p0 =	seq.s32 s7, s2  }
0x1e: {  	s7 =	smul.u32 @!p0 $0xF7A, s2;
	p2 =	seq.s32 @!p0 s5, $0x0  }
0x1f: {  	s9 =	smul.u32 $0xF7A, s1;
	s8 =	simm.s32 @!p0 $0x1BF5;
	p2 =	por !p2, p0  }
0x20: {  	[sflag:s8] =	ssyncset.s32 @!p0 $0xFFFFF086;
	s6 =	sadd.s32 @!p0 s3, s7;
	s7 =	simm.s32 @!p0 $0x108  }
0x21: {  	s3 =	sadd.s32 s3, s9;
	s6 =	sadd.s32 @!p0 $0x88, s6;
	s7 =	simm.s32 @p2 $0x1082  }
0x22: {  	[simem:s7], [sflag:s8] =	dma.local @!p0 [hbm:s6], $0xF7A  }
0x23: {  	s9 =	sor.u32 $0xD0000000, s2;
	s6 =	simm.s32 $0x108;
	_ =	swait.ge @!p0 [sflag:s8], $0x0  }
0x24: {  	s3 =	sadd.s32 $0x88, s3;
	s6 =	simm.s32 @!p1 $0x1082;
	[sflag:s4] =	ssyncset.s32 $0xFFFFF086  }
0x25: {  	[simem:s6], [sflag:s4] =	dma.local [hbm:s3], $0xF7A  }
0x26: {  	[smem:$0x3F9B] =	sst s1;
	(tag) =	ssettag s2;
	_ =	strace s9  }
0x27: {  	s1 =	sld [smem:$0x3FAB]  }
0x28: {  	s2 =	sld [smem:$0x3FAC]  }
0x29: {  	s4 =	sld [smem:$0x3FAE]  }
0x2a: {  	p0 =	seq.s32 s5, $0x0;
	s5 =	sld [smem:$0x3FAF]  }
0x2b: {  	s6 =	sld [smem:$0x3FB0]  }
0x2c: {  	s7 =	sld [smem:$0x3FB1]  }
0x2d: {  	s3 =	simm.s32 $0x108;
	s8 =	sld [smem:$0x3FB2]  }
0x2e: {  	s3 =	simm.s32 @!p0 $0x1082;
	s9 =	sld [smem:$0x3FB3]  }
0x2f: {  	lr =	sadd.s32 s0, s3;
	s0 =	sld [smem:$0x3FAA]  }
0x30: {  	s3 =	sld [smem:$0x3FAD]  }
0x31: {  	[smem:$0x3FB6] =	sst s10  }
0x32: {  	s10 =	sld [smem:$0x3FB4];
	_ =	sdelay $0x3  }
0x33: {  	p0 =	seq.s32 s10, $0x1;
	s10 =	sld [smem:$0x3FB6];
	_ =	sdelay $0x3  }
0x34: {  	[smem:$0x3FB6] =	sst s10  }
0x35: {  	s10 =	sld [smem:$0x3FB5];
	_ =	sdelay $0x3  }
0x36: {  	p1 =	seq.s32 s10, $0x1;
	s10 =	sld [smem:$0x3FB6];
	_ =	sdelay $0x3  }
0x37: {  	[smem:$0x3FB6] =	sst s10  }
0x38: {  	s10 =	sld [smem:$0x3FB7]  }
0x39: {  	_ = 	snop;
	(pc) =	sbr.ind lr, $3  }
0x3a: {  	_ = 	snop  }
0x3b: {  	_ = 	snop  }
0x3c: {  	p2 =	seq.s32 s10, $0x1;
	s10 =	sld [smem:$0x3FB6]  }
0x3d: {  	_ =	shalt  }
0x3e: {  	_ =	shalt  }
0x3f: {  	_ =	shalt  }
0x40: {  	_ =	shalt  }
0x41: {  	_ =	shalt  }
0x42: {  	_ =	shalt  }
0x43: {  	_ =	shalt  }
0x44: {  	_ =	shalt  }
0x45: {  	_ =	shalt  }
0x46: {  	_ =	shalt  }
0x47: {  	_ =	shalt  }
0x48: {  	_ =	shalt  }
0x49: {  	_ =	shalt  }
0x4a: {  	_ =	shalt  }
0x4b: {  	_ =	shalt  }
0x4c: {  	_ =	shalt  }
0x4d: {  	_ =	shalt  }
0x4e: {  	_ =	shalt  }
0x4f: {  	_ =	shalt  }
0x50: {  	_ =	shalt  }
0x51: {  	_ =	shalt  }
0x52: {  	_ =	shalt  }
0x53: {  	_ =	shalt  }
0x54: {  	_ =	shalt  }
0x55: {  	_ =	shalt  }
0x56: {  	_ =	shalt  }
0x57: {  	_ =	shalt  }
0x58: {  	_ =	shalt  }
0x59: {  	_ =	shalt  }
0x5a: {  	_ =	shalt  }
0x5b: {  	_ =	shalt  }
0x5c: {  	_ =	shalt  }
0x5d: {  	_ =	shalt  }
0x5e: {  	_ =	shalt  }
0x5f: {  	_ =	shalt  }
0x60: {  	_ =	shalt  }
0x61: {  	_ =	shalt  }
0x62: {  	_ =	shalt  }
0x63: {  	_ =	shalt  }
0x64: {  	_ =	shalt  }
0x65: {  	_ =	shalt  }
0x66: {  	_ =	shalt  }
0x67: {  	_ =	shalt  }
0x68: {  	_ =	shalt  }
0x69: {  	_ =	shalt  }
0x6a: {  	_ =	shalt  }
0x6b: {  	_ =	shalt  }
0x6c: {  	_ =	shalt  }
0x6d: {  	_ =	shalt  }
0x6e: {  	_ =	shalt  }
0x6f: {  	_ =	shalt  }
0x70: {  	_ =	shalt  }
0x71: {  	_ =	shalt  }
0x72: {  	_ =	shalt  }
0x73: {  	_ =	shalt  }
0x74: {  	_ =	shalt  }
0x75: {  	_ =	shalt  }
0x76: {  	_ =	shalt  }
0x77: {  	_ =	shalt  }
0x78: {  	_ =	shalt  }
0x79: {  	_ =	shalt  }
0x7a: {  	_ =	shalt  }
0x7b: {  	_ =	shalt  }
0x7c: {  	_ =	shalt  }
0x7d: {  	_ =	shalt  }
0x7e: {  	_ =	shalt  }
0x7f: {  	_ =	shalt  }
0x80: {  	_ =	shalt  }
0x81: {  	_ =	shalt  }
0x82: {  	_ =	shalt  }
0x83: {  	_ =	shalt  }
0x84: {  	_ =	shalt  }
0x85: {  	_ =	shalt  }
0x86: {  	_ =	shalt  }
0x87: {  	_ =	shalt  }
.Lfunc_end0:
.L_simem_size_0:
called_computation.1_lowered:
.L_overlay_start_0:
0x88: {  	s2 =	sld [smem:$0x3FD9]  }
0x89: {  	s3 =	sld [smem:$0x3FFE];
	_ =	sdelay $0x1  }
0x8a: {  	s1 =	srdreg.scid  }
0x8b: {  	s0 =	sand.u32 $0x1, s1  }
0x8c: {  	s17 =	sshll.u32 s0, $0xA;
	s2 =	sadd.s32 s3, s2  }
0x8d: {  	s2 =	sadd.s32 s2, s17  }
0x8e: {  	[smem:$0x3FC2] =	sst s2  }
0x8f: {  	_ = 	snop  }
0x90: {  	s2 =	sld [smem:$0x3FD0];
	(tm) =	ssettm $0x1  }
0x91: {  	s18 =	sld [smem:$0x3FFB];
	_ =	sdelay $0x3  }
0x92: {  	_ =	strace s18  }
0x93: {  	s3 =	sld [smem:$0x3FFC];
	_ =	sdelay $0x3  }
0x94: {  	_ =	strace s3  }
0x95: {  	s3 =	sld [smem:$0x3FFD];
	_ =	sdelay $0x3  }
0x96: {  	_ =	strace s3  }
0x97: {  	_ =	strace $0x8FFFFFFF  }
0x98: {  	s19 =	sld [smem:$0x3FDB];
	_ =	sdelay $0x1  }
0x99: {  	s4 =	simm.s32 $_scs_section_size  }
0x9a: {  	s5 =	simm.s32 $_size__tile_overlayer_lowered;
	s6 =	simm.s32 $_tile_overlayer_lowered  }
0x9b: {  	s22 =	simm.s32 $0x1BFF;
	s21 =	sshll.u32 s6, $0x1;
	s3 =	sadd.s32 s4, s19  }
0x9c: {  	s7 =	simm.s32 $0x0;
	s20 =	sshll.u32 s5, $0x1;
	s5 =	sadd.s32 s21, s3  }
0x9d: {  	[timem:s7], [sflag:s22] =	dma.local [hbm:s5], s20  }
0x9e: {  	_ =	swait.ge [sflag:s22], s20  }
0x9f: {  	s4 =	ssub.s32 $0x0, s20;
	[sflag:s22] =	ssyncset.done $0x0  }
0xa0: {  	[sflag:s22] =	ssyncadd.s32 s4;
	_ =	sdelay $0x1  }
0xa1: {  	s23 =	simm.s32 $0x1B8B  }
0xa2: {  	_ =	swait.ge [sflag:s23], $0x1  }
0xa3: {  	[sflag:s23] =	ssyncset.done $0x0  }
0xa4: {  	s25 =	simm.s32 $0x1B8E;
	s24 =	sld [smem:$0x3FFE];
	[sflag:s23] =	ssyncadd.s32 $0xFFFFFFFF  }
0xa5: {  	s26 =	simm.s32 $execute0_lowered;
	[smem:$0x3FD2] =	sst s25  }
0xa6: {  	s5 =	sshll.u32 s26, $0x1;
	_ =	strace $0x80000049;
	[dreg:$0x1] =	wrdreg $0xFFFFFFFF  }
0xa7: {  	s28 =	simm.s32 $_size_execute0_lowered;
	s3 =	sadd.s32 s3, s5;
	[dreg:$0x0] =	wrdreg $0x0  }
0xa8: {  	s5 =	sshll.u32 s28, $0x1;
	[dreg:$0x2] =	wrdreg s3  }
0xa9: {  	[dreg:$0x3] =	wrdreg s5  }
0xaa: {  	[dreg:$0x4] =	wrdreg $0xC0  }
0xab: {  	_ =	task [dreg:s7], $0x5FFFF  }
0xac: {  	[dreg:$0x1] =	wrdreg $0xFFFFFFFF  }
0xad: {  	[dreg:$0x0] =	wrdreg $0x60  }
0xae: {  	[dreg:$0x2] =	wrdreg s24  }
0xaf: {  	[dreg:$0x3] =	wrdreg s2  }
0xb0: {  	[dreg:$0x4] =	wrdreg $0xA8000  }
0xb1: {  	[dreg:$0x5] =	wrdreg $0x9  }
0xb2: {  	_ =	task.clear_ibuf [dreg:s7], $0x6FFFF;
	_ =	strace $0x90000049  }
0xb3: {  	s29 =	simm.s32 $0x9;
	_ =	strace $0x8000004B  }
0xb4: {  	_ =	swait.ge [sflag:s29], $0x1  }
0xb5: {  	[sflag:s29] =	ssyncadd.s32 $0xFFFFFFFF  }
0xb6: {  	_ =	strace $0x9000004B  }
0xb7: {  	_ =	sfence  }
0xb8: {  	s30 =	sld [smem:$0x0];
	_ =	sdelay $0x2  }
0xb9: {  	s31 =	sshll.u32 s1, $0xD;
	s1 =	sshrl.u32 s1, $0x2  }
0xba: {  	s3 =	sand.u32 $0x4000, s31;
	s1 =	sadd.s32 s1, s30  }
0xbb: {  	s0 =	sor.u32 s3, s0;
	s1 =	sshll.u32 s1, $0x11  }
0xbc: {  	s0 =	sor.u32 s1, s0  }
0xbd: {  	s0 =	sadd.s32 $0x8F2B, s0  }
0xbe: {  	[sflag:s0] =	ssyncadd.remote.s32 $0x1  }
0xbf: {  	_ =	sfence.sel $0xFFFF  }
0xc0: {  	[dreg:$0x0] =	wrdreg $0xFFFFFFFF;
	(pc) =	sbr.abs _section_cstart, $3  }
0xc1: {  	[dreg:$0x1] =	wrdreg $0xFFFFFFFF  }
0xc2: {  	_ =	task.clear_ibuf [dreg:s7], $0x2FFFF;
	_ =	strace $0x9FFFFFFF  }
0xc3: {  	(tm) =	ssettm $0x7FFFFFFF  }
tec
execute0_lowered:
.L_overlay_start_1:
0x0: {  	(tag) =	ssettag $0x1  }
0x1: {  	s0 =	rddreg [dreg:$0x0]  }
0x2: {  	s3 =	rddreg [dreg:$0x1]  }
0x3: {  	s1 =	rddreg [dreg:$0x2];
	s2 =	simm.s32 $0x0  }
0x4: {  	s4 =	srdreg.scid;
	s10 =	stileid.u32;
	s28 =	simm.s32 $0x1380  }
0x5: {  	s29 =	simm.s32 $0x2700;
	s30 =	simm.s32 $0x2780;
	s31 =	simm.s32 $0x0  }
0x6: {  	[smem:$0x7FF] =	sst s2;
	s18 =	sadd.s32 $0x1E00, s0;
	s5 =	sand.u32 $0x1, s4  }
0x7: {  	s4 =	sadd.s32 $0xCA00, s0;
	s9 =	smul.u32 $0x280, s10;
	s0 =	sadd.s32 $0x34A00, s0  }
0x8: {  	s8 =	smul.u32 $0x50000, s10;
	_ =	strace $0x8000004A;
	s6 =	ssub.s32 $0x2, s5  }
0x9: {  	s12 =	smul.u32 $0x2800, s5;
	s5 =	sshll.u32 s5, $0x4;
	s7 =	sshrl.u32 s6, $0x1  }
0xa: {  	s13 =	sor.u32 s10, s5;
	s20 =	sshrl.u32 s8, $0x2;
	s21 =	sadd.s32 $0x80, s9  }
0xb: {  	s11 =	sadd.s32 $0x100, s9;
	s14 =	sadd.s32 $0x180, s9;
	s16 =	sadd.s32 $0x200, s9  }
0xc: {  	s15 =	ssub.s32 s6, s7;
	s5 =	sadd.s32 s20, s1;
	s22 =	sshll.u32 s21, $0x7  }
0xd: {  	s23 =	sshll.u32 s11, $0x7;
	s24 =	sshll.u32 s14, $0x7;
	s17 =	sshll.u32 s16, $0x7  }
0xe: {  	s19 =	sadd.s32 s9, s12;
	s26 =	sadd.s32 s12, s21;
	s20 =	sadd.s32 s12, s11  }
0xf: {  	s14 =	sadd.s32 s12, s14;
	s16 =	sadd.s32 s12, s16;
	s6 =	sadd.s32 s22, s1  }
0x10: {  	s7 =	sadd.s32 s23, s1;
	s8 =	sadd.s32 s24, s1;
	s9 =	sadd.s32 s17, s1  }
0x11: {  	s25 =	sshll.u32 s19, $0x4;
	s19 =	sshll.u32 s26, $0x4;
	s22 =	sshll.u32 s20, $0x4  }
0x12: {  	s14 =	sshll.u32 s14, $0x4;
	s23 =	smul.u32 $0x500, s13;
	s15 =	smax.u32 s15, $0x1  }
0x13: {  	s20 =	simm.s32 $0x2800;
	s17 =	sadd.s32 s0, s25;
	s21 =	sadd.s32 s0, s19  }
0x14: {  	s24 =	sadd.s32 s0, s22;
	s13 =	sadd.s32 s0, s14;
	[dreg:$0x4] =	wrdreg s17  }
0x15: {  	s25 =	sshll.u32 s16, $0x4;
	s22 =	simm.s32 $0x1400;
	[dreg:$0x5] =	wrdreg s21  }
0x16: {  	[dreg:$0x6] =	wrdreg s24;
	s14 =	sadd.s32 s0, s25;
	s26 =	sadd.s32 $0x280, s23  }
0x17: {  	s16 =	sadd.s32 s18, s23;
	s17 =	sadd.s32 s3, s23;
	s21 =	simm.s32 $0x3  }
0x18: {  	s23 =	simm.s32 $0x80;
	s24 =	simm.s32 $0x6800;
	s25 =	simm.s32 $0x1  }
0x19: {  	v0 =	vimm.f32 $0.0e+00;
	s18 =	sadd.s32 s18, s26;
	s19 =	sadd.s32 s3, s26;
	s26 =	simm.s32 $0x2  }
.LBB2_1:
0x1a: {  	s0 =	simm.s32 $0x0;
	s3 =	simm.s32 $0x200  }
.LBB2_2:
0x1b: {  	p0 =	sne.s32 s3, $0xFE00;
	[tilespmem:s0+$0x2870] =	vst v0  }
0x1c: {  	[tilespmem:s0+$0x2800] =	vst v0  }
0x1d: {  	[tilespmem:s0+$0x2810] =	vst v0  }
.Ltmp0:
0x1e: {  	[tilespmem:s0+$0x2820] =	vst v0;
	(pc) =	sbr.rel @p0 .LBB2_2-.Ltmp0, $4  }
0x1f: {  	[tilespmem:s0+$0x2830] =	vst v0  }
0x20: {  	[tilespmem:s0+$0x2840] =	vst v0  }
0x21: {  	[tilespmem:s0+$0x2850] =	vst v0  }
0x22: {  	[tilespmem:s0+$0x2860] =	vst v0;
	s0 =	sshra.s32 s3, $0x2;
	s3 =	sadd.s32 $0x200, s3  }
0x23: {  	[tilespmem:s0+$0x2870] =	vst v0  }
0x24: {  	[tilespmem:s0+$0x2800] =	vst v0  }
0x25: {  	[tilespmem:s0+$0x2810] =	vst v0  }
0x26: {  	[tilespmem:s0+$0x2820] =	vst v0  }
0x27: {  	[tilespmem:s0+$0x2830] =	vst v0  }
0x28: {  	[tilespmem:s0+$0x2840] =	vst v0  }
0x29: {  	[tilespmem:s0+$0x2850] =	vst v0  }
0x2a: {  	[tilespmem:s0+$0x2860] =	vst v0  }
0x2b: {  	[spmem:s5] =	stream.linear.scatter [tilespmem:s20], [sflag:$0x3], $0x4000, $0x38;
	[tilespmem:$0x1E800] =	vst v63  }
0x2c: {  	_ =	swait.ge [sflag:s21], $0x4000  }
0x2d: {  	[sflag:s21] =	ssyncset.done $0x0  }
0x2e: {  	[sflag:s21] =	ssyncadd.s32 $0xFFFFC000  }
0x2f: {  	[spmem:s6] =	stream.linear.scatter [tilespmem:s20], [sflag:$0x3], $0x4000, $0x38;
	[tilespmem:$0x1E800] =	vst v63  }
0x30: {  	_ =	swait.ge [sflag:s21], $0x4000  }
0x31: {  	[sflag:s21] =	ssyncset.done $0x0  }
0x32: {  	[sflag:s21] =	ssyncadd.s32 $0xFFFFC000  }
0x33: {  	[spmem:s7] =	stream.linear.scatter [tilespmem:s20], [sflag:$0x3], $0x4000, $0x38;
	[tilespmem:$0x1E800] =	vst v63  }
0x34: {  	_ =	swait.ge [sflag:s21], $0x4000  }
0x35: {  	[sflag:s21] =	ssyncset.done $0x0  }
0x36: {  	[sflag:s21] =	ssyncadd.s32 $0xFFFFC000  }
0x37: {  	[spmem:s8] =	stream.linear.scatter [tilespmem:s20], [sflag:$0x3], $0x4000, $0x38;
	[tilespmem:$0x1E800] =	vst v63  }
0x38: {  	_ =	swait.ge [sflag:s21], $0x4000  }
0x39: {  	[sflag:s21] =	ssyncset.done $0x0  }
0x3a: {  	[sflag:s21] =	ssyncadd.s32 $0xFFFFC000  }
0x3b: {  	[spmem:s9] =	stream.linear.scatter [tilespmem:s20], [sflag:$0x3], $0x4000, $0x38;
	[tilespmem:$0x1E800] =	vst v63  }
0x3c: {  	_ =	swait.ge [sflag:s21], $0x4000  }
0x3d: {  	[sflag:s21] =	ssyncset.done $0x0  }
0x3e: {  	[sflag:s21] =	ssyncadd.s32 $0xFFFFC000  }
0x3f: {  	s12 =	simm.s32 $0x0;
	[bflag:$0x0] =	sbarrier.arrive $0xFFFF  }
0x40: {  	[tilespmem:s12], [sflag:$0x3] =	stream.linear.gather [hbm4b:s16+s12], $0x1400, $0x38;
	[tilespmem:$0x1E800] =	vst v63  }
0x41: {  	_ =	swait.ge [sflag:s21], $0x1400  }
0x42: {  	[sflag:s21] =	ssyncset.done $0x0  }
0x43: {  	[sflag:s21] =	ssyncadd.s32 $0xFFFFEC00  }
0x44: {  	[tilespmem:s22], [sflag:$0x3] =	stream.linear.gather [hbm4b:s17+s12], $0x1400, $0x38;
	[tilespmem:$0x1E800] =	vst v63  }
0x45: {  	_ =	swait.ge [sflag:s21], $0x1400  }
0x46: {  	[sflag:s21] =	ssyncset.done $0x0  }
0x47: {  	[sflag:s21] =	ssyncadd.s32 $0xFFFFEC00  }
0x48: {  	[tilespmem:s20], [sflag:$0x1] =	stream.indirect.gather [hbm4b:s4+s23], $0x80, s12, s23, $0xb8;
	[tilespmem:$0x1E800] =	vst v63  }
0x49: {  	s3 =	simm.s32 $0x80  }
0x4a: {  	[tilespmem:s24], [sflag:$0x2] =	stream.indirect.gather [hbm4b:s4+s23], $0x80, s3, s23, $0xb8;
	[tilespmem:$0x1E800] =	vst v63  }
0x4b: {  	_ =	swait.ge [sflag:s25], $0x4000  }
0x4c: {  	[sflag:s25] =	ssyncset.done $0x0  }
0x4d: {  	s10 =	simm.s32 $0x1400;
	[sflag:s25] =	ssyncadd.s32 $0xFFFFC000  }
0x4e: {  	[spmem:s1] =	stream.indirect.scatter.add.f32 [tilespmem:s20], [sflag:$0x3], $0x80, s10, s23, $0xb8;
	[tilespmem:$0x1E800] =	vst v63  }
0x4f: {  	_ =	swait.ge [sflag:s21], $0x4000  }
0x50: {  	[sflag:s21] =	ssyncset.done $0x0  }
0x51: {  	s11 =	simm.s32 $0x100;
	[sflag:s21] =	ssyncadd.s32 $0xFFFFC000  }
0x52: {  	[tilespmem:s20], [sflag:$0x1] =	stream.indirect.gather [hbm4b:s4+s23], $0x80, s11, s23, $0xb8;
	[tilespmem:$0x1E800] =	vst v63  }
0x53: {  	_ =	swait.ge [sflag:s26], $0x4000  }
0x54: {  	[sflag:s26] =	ssyncset.done $0x0  }
0x55: {  	s12 =	simm.s32 $0x1480;
	[sflag:s26] =	ssyncadd.s32 $0xFFFFC000  }
0x56: {  	[spmem:s1] =	stream.indirect.scatter.add.f32 [tilespmem:s24], [sflag:$0x3], $0x80, s12, s23, $0xb8;
	[tilespmem:$0x1E800] =	vst v63  }
0x57: {  	_ =	swait.ge [sflag:s21], $0x4000  }
0x58: {  	s0 =	simm.s32 $0x100;
	s3 =	simm.s32 $0x800;
	[sflag:s21] =	ssyncset.done $0x0  }
.LBB2_4:
0x59: {  	s10 =	sadd.s32 $0x80, s0  }
0x5a: {  	[sflag:s21] =	ssyncadd.s32 $0xFFFFC000;
	s11 =	smov.u32 s3;
	s12 =	sadd.s32 $0x400, s3  }
0x5b: {  	[tilespmem:s24], [sflag:$0x2] =	stream.indirect.gather [hbm4b:s4+s23], $0x80, s10, s23, $0xb8;
	[tilespmem:$0x1E800] =	vst v63  }
0x5c: {  	p0 =	sne.s32 s3, $0x4800;
	_ =	swait.ge [sflag:s25], $0x4000  }
0x5d: {  	[sflag:s25] =	ssyncset.done $0x0  }
0x5e: {  	s3 =	sadd.s32 $0x1400, s0;
	[sflag:s25] =	ssyncadd.s32 $0xFFFFC000  }
0x5f: {  	[spmem:s1] =	stream.indirect.scatter.add.f32 [tilespmem:s20], [sflag:$0x3], $0x80, s3, s23, $0xb8;
	[tilespmem:$0x1E800] =	vst v63  }
0x60: {  	_ =	swait.ge [sflag:s21], $0x4000  }
0x61: {  	[sflag:s21] =	ssyncset.done $0x0  }
0x62: {  	s3 =	sadd.s32 $0x100, s0;
	[sflag:s21] =	ssyncadd.s32 $0xFFFFC000  }
0x63: {  	[tilespmem:s20], [sflag:$0x1] =	stream.indirect.gather [hbm4b:s4+s23], $0x80, s3, s23, $0xb8;
	[tilespmem:$0x1E800] =	vst v63  }
0x64: {  	_ =	swait.ge [sflag:s26], $0x4000  }
.Ltmp1:
0x65: {  	[sflag:s26] =	ssyncset.done $0x0;
	(pc) =	sbr.rel @p0 .LBB2_4-.Ltmp1, $4  }
0x66: {  	s0 =	sadd.s32 $0x1480, s0;
	[sflag:s26] =	ssyncadd.s32 $0xFFFFC000  }
0x67: {  	[spmem:s1] =	stream.indirect.scatter.add.f32 [tilespmem:s24], [sflag:$0x3], $0x80, s0, s23, $0xb8;
	[tilespmem:$0x1E800] =	vst v63  }
0x68: {  	_ =	swait.ge [sflag:s21], $0x4000  }
0x69: {  	s3 =	smov.u32 s12;
	s0 =	sshra.s32 s11, $0x2;
	[sflag:s21] =	ssyncset.done $0x0  }
0x6a: {  	s3 =	sadd.s32 $0x80, s0;
	[sflag:s21] =	ssyncadd.s32 $0xFFFFC000  }
0x6b: {  	[tilespmem:s24], [sflag:$0x2] =	stream.indirect.gather [hbm4b:s4+s23], $0x80, s3, s23, $0xb8;
	[tilespmem:$0x1E800] =	vst v63  }
0x6c: {  	_ =	swait.ge [sflag:s25], $0x4000  }
0x6d: {  	[sflag:s25] =	ssyncset.done $0x0  }
0x6e: {  	s12 =	sadd.s32 $0x1400, s0;
	[sflag:s25] =	ssyncadd.s32 $0xFFFFC000  }
0x6f: {  	[spmem:s1] =	stream.indirect.scatter.add.f32 [tilespmem:s20], [sflag:$0x3], $0x80, s12, s23, $0xb8;
	[tilespmem:$0x1E800] =	vst v63  }
0x70: {  	_ =	swait.ge [sflag:s21], $0x4000  }
0x71: {  	[sflag:s21] =	ssyncset.done $0x0  }
0x72: {  	s10 =	sadd.s32 $0x100, s0;
	[sflag:s21] =	ssyncadd.s32 $0xFFFFC000  }
0x73: {  	[tilespmem:s20], [sflag:$0x1] =	stream.indirect.gather [hbm4b:s4+s23], $0x80, s10, s23, $0xb8;
	[tilespmem:$0x1E800] =	vst v63  }
0x74: {  	_ =	swait.ge [sflag:s26], $0x4000  }
0x75: {  	[sflag:s26] =	ssyncset.done $0x0  }
0x76: {  	s11 =	sadd.s32 $0x1480, s0;
	[sflag:s26] =	ssyncadd.s32 $0xFFFFC000  }
0x77: {  	[spmem:s1] =	stream.indirect.scatter.add.f32 [tilespmem:s24], [sflag:$0x3], $0x80, s11, s23, $0xb8;
	[tilespmem:$0x1E800] =	vst v63  }
0x78: {  	_ =	swait.ge [sflag:s21], $0x4000  }
0x79: {  	[sflag:s21] =	ssyncset.done $0x0  }
0x7a: {  	[sflag:s21] =	ssyncadd.s32 $0xFFFFC000  }
0x7b: {  	[tilespmem:s24], [sflag:$0x2] =	stream.indirect.gather [hbm4b:s4+s23], $0x80, s28, s23, $0xb8;
	[tilespmem:$0x1E800] =	vst v63  }
0x7c: {  	_ =	swait.ge [sflag:s25], $0x4000  }
0x7d: {  	[sflag:s25] =	ssyncset.done $0x0  }
0x7e: {  	[sflag:s25] =	ssyncadd.s32 $0xFFFFC000  }
0x7f: {  	[spmem:s1] =	stream.indirect.scatter.add.f32 [tilespmem:s20], [sflag:$0x3], $0x80, s29, s23, $0xb8;
	[tilespmem:$0x1E800] =	vst v63  }
0x80: {  	_ =	swait.ge [sflag:s21], $0x4000  }
0x81: {  	[sflag:s21] =	ssyncset.done $0x0  }
0x82: {  	[sflag:s21] =	ssyncadd.s32 $0xFFFFC000  }
0x83: {  	_ =	swait.ge [sflag:s26], $0x4000  }
0x84: {  	[sflag:s26] =	ssyncset.done $0x0  }
0x85: {  	[sflag:s26] =	ssyncadd.s32 $0xFFFFC000  }
0x86: {  	[spmem:s1] =	stream.indirect.scatter.add.f32 [tilespmem:s24], [sflag:$0x3], $0x80, s30, s23, $0xb8;
	[tilespmem:$0x1E800] =	vst v63  }
0x87: {  	_ =	swait.ge [sflag:s21], $0x4000  }
0x88: {  	[sflag:s21] =	ssyncset.done $0x0  }
0x89: {  	s12 =	simm.s32 $0x0;
	[sflag:s21] =	ssyncadd.s32 $0xFFFFC000  }
0x8a: {  	[tilespmem:s12], [sflag:$0x3] =	stream.linear.gather [hbm4b:s18+s12], $0x1400, $0x38;
	[tilespmem:$0x1E800] =	vst v63  }
0x8b: {  	_ =	swait.ge [sflag:s21], $0x1400  }
0x8c: {  	[sflag:s21] =	ssyncset.done $0x0  }
0x8d: {  	[sflag:s21] =	ssyncadd.s32 $0xFFFFEC00  }
0x8e: {  	[tilespmem:s22], [sflag:$0x3] =	stream.linear.gather [hbm4b:s19+s12], $0x1400, $0x38;
	[tilespmem:$0x1E800] =	vst v63  }
0x8f: {  	_ =	swait.ge [sflag:s21], $0x1400  }
0x90: {  	[sflag:s21] =	ssyncset.done $0x0  }
0x91: {  	[sflag:s21] =	ssyncadd.s32 $0xFFFFEC00  }
0x92: {  	[tilespmem:s20], [sflag:$0x1] =	stream.indirect.gather [hbm4b:s4+s23], $0x80, s12, s23, $0xb8;
	[tilespmem:$0x1E800] =	vst v63  }
0x93: {  	s3 =	simm.s32 $0x80  }
0x94: {  	[tilespmem:s24], [sflag:$0x2] =	stream.indirect.gather [hbm4b:s4+s23], $0x80, s3, s23, $0xb8;
	[tilespmem:$0x1E800] =	vst v63  }
0x95: {  	_ =	swait.ge [sflag:s25], $0x4000  }
0x96: {  	[sflag:s25] =	ssyncset.done $0x0  }
0x97: {  	s10 =	simm.s32 $0x1400;
	[sflag:s25] =	ssyncadd.s32 $0xFFFFC000  }
0x98: {  	[spmem:s1] =	stream.indirect.scatter.add.f32 [tilespmem:s20], [sflag:$0x3], $0x80, s10, s23, $0xb8;
	[tilespmem:$0x1E800] =	vst v63  }
0x99: {  	_ =	swait.ge [sflag:s21], $0x4000  }
0x9a: {  	[sflag:s21] =	ssyncset.done $0x0  }
0x9b: {  	s11 =	simm.s32 $0x100;
	[sflag:s21] =	ssyncadd.s32 $0xFFFFC000  }
0x9c: {  	[tilespmem:s20], [sflag:$0x1] =	stream.indirect.gather [hbm4b:s4+s23], $0x80, s11, s23, $0xb8;
	[tilespmem:$0x1E800] =	vst v63  }
0x9d: {  	_ =	swait.ge [sflag:s26], $0x4000  }
0x9e: {  	[sflag:s26] =	ssyncset.done $0x0  }
0x9f: {  	s12 =	simm.s32 $0x1480;
	[sflag:s26] =	ssyncadd.s32 $0xFFFFC000  }
0xa0: {  	[spmem:s1] =	stream.indirect.scatter.add.f32 [tilespmem:s24], [sflag:$0x3], $0x80, s12, s23, $0xb8;
	[tilespmem:$0x1E800] =	vst v63  }
0xa1: {  	_ =	swait.ge [sflag:s21], $0x4000  }
0xa2: {  	s0 =	simm.s32 $0x100;
	s3 =	simm.s32 $0x800;
	[sflag:s21] =	ssyncset.done $0x0  }
.LBB2_6:
0xa3: {  	s10 =	sadd.s32 $0x80, s0  }
0xa4: {  	[sflag:s21] =	ssyncadd.s32 $0xFFFFC000;
	s11 =	smov.u32 s3;
	s12 =	sadd.s32 $0x400, s3  }
0xa5: {  	[tilespmem:s24], [sflag:$0x2] =	stream.indirect.gather [hbm4b:s4+s23], $0x80, s10, s23, $0xb8;
	[tilespmem:$0x1E800] =	vst v63  }
0xa6: {  	p0 =	sne.s32 s3, $0x4800;
	_ =	swait.ge [sflag:s25], $0x4000  }
0xa7: {  	[sflag:s25] =	ssyncset.done $0x0  }
0xa8: {  	s3 =	sadd.s32 $0x1400, s0;
	[sflag:s25] =	ssyncadd.s32 $0xFFFFC000  }
0xa9: {  	[spmem:s1] =	stream.indirect.scatter.add.f32 [tilespmem:s20], [sflag:$0x3], $0x80, s3, s23, $0xb8;
	[tilespmem:$0x1E800] =	vst v63  }
0xaa: {  	_ =	swait.ge [sflag:s21], $0x4000  }
0xab: {  	[sflag:s21] =	ssyncset.done $0x0  }
0xac: {  	s3 =	sadd.s32 $0x100, s0;
	[sflag:s21] =	ssyncadd.s32 $0xFFFFC000  }
0xad: {  	[tilespmem:s20], [sflag:$0x1] =	stream.indirect.gather [hbm4b:s4+s23], $0x80, s3, s23, $0xb8;
	[tilespmem:$0x1E800] =	vst v63  }
0xae: {  	_ =	swait.ge [sflag:s26], $0x4000  }
.Ltmp2:
0xaf: {  	[sflag:s26] =	ssyncset.done $0x0;
	(pc) =	sbr.rel @p0 .LBB2_6-.Ltmp2, $4  }
0xb0: {  	s0 =	sadd.s32 $0x1480, s0;
	[sflag:s26] =	ssyncadd.s32 $0xFFFFC000  }
0xb1: {  	[spmem:s1] =	stream.indirect.scatter.add.f32 [tilespmem:s24], [sflag:$0x3], $0x80, s0, s23, $0xb8;
	[tilespmem:$0x1E800] =	vst v63  }
0xb2: {  	_ =	swait.ge [sflag:s21], $0x4000  }
0xb3: {  	s3 =	smov.u32 s12;
	s0 =	sshra.s32 s11, $0x2;
	[sflag:s21] =	ssyncset.done $0x0  }
0xb4: {  	s3 =	sadd.s32 $0x80, s0;
	[sflag:s21] =	ssyncadd.s32 $0xFFFFC000  }
0xb5: {  	[tilespmem:s24], [sflag:$0x2] =	stream.indirect.gather [hbm4b:s4+s23], $0x80, s3, s23, $0xb8;
	[tilespmem:$0x1E800] =	vst v63  }
0xb6: {  	_ =	swait.ge [sflag:s25], $0x4000  }
0xb7: {  	[sflag:s25] =	ssyncset.done $0x0  }
0xb8: {  	s11 =	sadd.s32 $0x1400, s0;
	[sflag:s25] =	ssyncadd.s32 $0xFFFFC000  }
0xb9: {  	[spmem:s1] =	stream.indirect.scatter.add.f32 [tilespmem:s20], [sflag:$0x3], $0x80, s11, s23, $0xb8;
	[tilespmem:$0x1E800] =	vst v63  }
0xba: {  	_ =	swait.ge [sflag:s21], $0x4000  }
0xbb: {  	[sflag:s21] =	ssyncset.done $0x0  }
0xbc: {  	s12 =	sadd.s32 $0x100, s0;
	[sflag:s21] =	ssyncadd.s32 $0xFFFFC000  }
0xbd: {  	[tilespmem:s20], [sflag:$0x1] =	stream.indirect.gather [hbm4b:s4+s23], $0x80, s12, s23, $0xb8;
	[tilespmem:$0x1E800] =	vst v63  }
0xbe: {  	_ =	swait.ge [sflag:s26], $0x4000  }
0xbf: {  	[sflag:s26] =	ssyncset.done $0x0  }
0xc0: {  	s3 =	sadd.s32 $0x1480, s0;
	[sflag:s26] =	ssyncadd.s32 $0xFFFFC000  }
0xc1: {  	[spmem:s1] =	stream.indirect.scatter.add.f32 [tilespmem:s24], [sflag:$0x3], $0x80, s3, s23, $0xb8;
	[tilespmem:$0x1E800] =	vst v63  }
0xc2: {  	_ =	swait.ge [sflag:s21], $0x4000  }
0xc3: {  	[sflag:s21] =	ssyncset.done $0x0  }
0xc4: {  	[sflag:s21] =	ssyncadd.s32 $0xFFFFC000  }
0xc5: {  	[tilespmem:s24], [sflag:$0x2] =	stream.indirect.gather [hbm4b:s4+s23], $0x80, s28, s23, $0xb8;
	[tilespmem:$0x1E800] =	vst v63  }
0xc6: {  	_ =	swait.ge [sflag:s25], $0x4000  }
0xc7: {  	[sflag:s25] =	ssyncset.done $0x0  }
0xc8: {  	[sflag:s25] =	ssyncadd.s32 $0xFFFFC000  }
0xc9: {  	[spmem:s1] =	stream.indirect.scatter.add.f32 [tilespmem:s20], [sflag:$0x3], $0x80, s29, s23, $0xb8;
	[tilespmem:$0x1E800] =	vst v63  }
0xca: {  	_ =	swait.ge [sflag:s21], $0x4000  }
0xcb: {  	[sflag:s21] =	ssyncset.done $0x0  }
0xcc: {  	[sflag:s21] =	ssyncadd.s32 $0xFFFFC000  }
0xcd: {  	_ =	swait.ge [sflag:s26], $0x4000  }
0xce: {  	[sflag:s26] =	ssyncset.done $0x0  }
0xcf: {  	[sflag:s26] =	ssyncadd.s32 $0xFFFFC000  }
0xd0: {  	[spmem:s1] =	stream.indirect.scatter.add.f32 [tilespmem:s24], [sflag:$0x3], $0x80, s30, s23, $0xb8;
	[tilespmem:$0x1E800] =	vst v63  }
0xd1: {  	_ =	swait.ge [sflag:s21], $0x4000  }
0xd2: {  	[sflag:s21] =	ssyncset.done $0x0  }
0xd3: {  	[sflag:s21] =	ssyncadd.s32 $0xFFFFC000  }
0xd4: {  	[bflag:$0x0] =	sbarrier.arrive $0xFFFF  }
0xd5: {  	[tilespmem:s20], [sflag:$0x3] =	stream.linear.gather [spmem:s5], $0x4000, $0x38;
	[tilespmem:$0x1E800] =	vst v63  }
0xd6: {  	_ =	swait.ge [sflag:s21], $0x4000  }
0xd7: {  	[sflag:s21] =	ssyncset.done $0x0  }
0xd8: {  	s10 =	rddreg [dreg:$0x4];
	[sflag:s21] =	ssyncadd.s32 $0xFFFFC000  }
0xd9: {  	[hbm4b:s10+s2] =	stream.linear.scatter [tilespmem:s20], [sflag:$0x3], $0x4000, $0x38;
	[tilespmem:$0x1E800] =	vst v63  }
0xda: {  	_ =	swait.ge [sflag:s21], $0x4000  }
0xdb: {  	[sflag:s21] =	ssyncset.done $0x0  }
0xdc: {  	[sflag:s21] =	ssyncadd.s32 $0xFFFFC000  }
0xdd: {  	[tilespmem:s20], [sflag:$0x3] =	stream.linear.gather [spmem:s6], $0x4000, $0x38;
	[tilespmem:$0x1E800] =	vst v63  }
0xde: {  	_ =	swait.ge [sflag:s21], $0x4000  }
0xdf: {  	[sflag:s21] =	ssyncset.done $0x0  }
0xe0: {  	s11 =	rddreg [dreg:$0x5];
	[sflag:s21] =	ssyncadd.s32 $0xFFFFC000  }
0xe1: {  	[hbm4b:s11+s2] =	stream.linear.scatter [tilespmem:s20], [sflag:$0x3], $0x4000, $0x38;
	[tilespmem:$0x1E800] =	vst v63  }
0xe2: {  	_ =	swait.ge [sflag:s21], $0x4000  }
0xe3: {  	[sflag:s21] =	ssyncset.done $0x0  }
0xe4: {  	[sflag:s21] =	ssyncadd.s32 $0xFFFFC000  }
0xe5: {  	[tilespmem:s20], [sflag:$0x3] =	stream.linear.gather [spmem:s7], $0x4000, $0x38;
	[tilespmem:$0x1E800] =	vst v63  }
0xe6: {  	_ =	swait.ge [sflag:s21], $0x4000  }
0xe7: {  	[sflag:s21] =	ssyncset.done $0x0  }
0xe8: {  	s12 =	rddreg [dreg:$0x6];
	[sflag:s21] =	ssyncadd.s32 $0xFFFFC000  }
0xe9: {  	[hbm4b:s12+s2] =	stream.linear.scatter [tilespmem:s20], [sflag:$0x3], $0x4000, $0x38;
	[tilespmem:$0x1E800] =	vst v63  }
0xea: {  	_ =	swait.ge [sflag:s21], $0x4000  }
0xeb: {  	[sflag:s21] =	ssyncset.done $0x0  }
0xec: {  	[sflag:s21] =	ssyncadd.s32 $0xFFFFC000  }
0xed: {  	[tilespmem:s20], [sflag:$0x3] =	stream.linear.gather [spmem:s8], $0x4000, $0x38;
	[tilespmem:$0x1E800] =	vst v63  }
0xee: {  	_ =	swait.ge [sflag:s21], $0x4000  }
0xef: {  	[sflag:s21] =	ssyncset.done $0x0  }
0xf0: {  	[sflag:s21] =	ssyncadd.s32 $0xFFFFC000  }
0xf1: {  	[hbm4b:s13+s2] =	stream.linear.scatter [tilespmem:s20], [sflag:$0x3], $0x4000, $0x38;
	[tilespmem:$0x1E800] =	vst v63  }
0xf2: {  	_ =	swait.ge [sflag:s21], $0x4000  }
0xf3: {  	[sflag:s21] =	ssyncset.done $0x0  }
0xf4: {  	[sflag:s21] =	ssyncadd.s32 $0xFFFFC000  }
0xf5: {  	[tilespmem:s20], [sflag:$0x3] =	stream.linear.gather [spmem:s9], $0x4000, $0x38;
	[tilespmem:$0x1E800] =	vst v63  }
0xf6: {  	s31 =	sadd.s32 $0x1, s31;
	_ =	swait.ge [sflag:s21], $0x4000  }
0xf7: {  	p0 =	sne.s32 s31, s15;
	[sflag:s21] =	ssyncset.done $0x0  }
.Ltmp3:
0xf8: {  	[sflag:s21] =	ssyncadd.s32 $0xFFFFC000;
	(pc) =	sbr.rel @p0 .LBB2_1-.Ltmp3, $4  }
0xf9: {  	[hbm4b:s14+s2] =	stream.linear.scatter [tilespmem:s20], [sflag:$0x3], $0x4000, $0x38;
	[tilespmem:$0x1E800] =	vst v63  }
0xfa: {  	_ =	swait.ge [sflag:s21], $0x4000  }
0xfb: {  	[sflag:s21] =	ssyncset.done $0x0  }
0xfc: {  	[sflag:s21] =	ssyncadd.s32 $0xFFFFC000  }
0xfd: {  	_ =	sfence.sel $0x180000  }
0xfe: {  	[bflag:$0x0] =	sbarrier.arrive $0xFFFF  }
0xff: {  	_ =	strace $0x9000004A  }
0x100: {  	s0 =	stileid.u32;
	[bflag:$0x2] =	sbarrier.arrive $0xFFFF  }
0x101: {  	p0 =	sne.s32 s0, $0x0;
	s0 =	rddreg [dreg:$0x3]  }
0x102: {  	s0 =	sadd.s32 @!p0 $0x100000, s0  }
0x103: {  	[sflag:s0] =	ssyncadd.tile.s32 @!p0 $0x1;
	_ =	shalt  }
.Lfunc_end2:
_tile_overlayer_lowered:
.L_overlay_start_2:
0x104: {  	(tag) =	ssettag $0x2  }
0x105: {  	s0 =	rddreg [dreg:$0x0];
	s2 =	stileid.u32  }
0x106: {  	s1 =	rddreg [dreg:$0x1];
	p0 =	sne.s32 s2, $0x0  }
0x107: {  	s3 =	rddreg [dreg:$0x2];
	[bflag:$0x3] =	sbarrier.arrive $0xFFFF;
	s2 =	simm.s32 @!p0 $0x1C03  }
0x108: {  	[timem:s3], [sflag:s2] =	dma.local @!p0 [hbm:s0], s1  }
0x109: {  	s0 =	simm.s32 @!p0 $0x3  }
0x10a: {  	_ =	swait.ge @!p0 [sflag:s0], s1  }
0x10b: {  	s1 =	ssub.s32 @!p0 $0x0, s1;
	[sflag:s0] =	ssyncset.done @!p0 $0x0  }
0x10c: {  	[sflag:s0] =	ssyncadd.s32 @!p0 s1  }
0x10d: {  	[bflag:$0x3] =	sbarrier.arrive $0xFFFF  }
0x10e: {  	_ =	shalt  }

// kernel: kernel.14.cloned.1.call-start
scs
__scs_entry_jumppad:
0x0: {  	(pc) =	sbr.rel $0x88, $3  }
0x1: {  	(tag) =	ssettag $0x0;
	lr =	simm.s32 $0x1  }
0x2: {  	[smem:$0x3F9B] =	sst lr;
	_ =	strace $0xD0000000  }
0x3: {  	_ = 	snop  }
0x4: {  	_ = 	snop  }
0x5: {  	_ = 	snop  }
0x6: {  	_ = 	snop  }
0x7: {  	_ = 	snop  }
__scs_overlays_trampoline_lowered:
0x8: {  	[smem:$0x3FAA] =	sst s0  }
0x9: {  	[smem:$0x3FAB] =	sst s1  }
0xa: {  	[smem:$0x3FAC] =	sst s2  }
0xb: {  	[smem:$0x3FAD] =	sst s3  }
0xc: {  	[smem:$0x3FAE] =	sst s4  }
0xd: {  	[smem:$0x3FAF] =	sst s5  }
0xe: {  	[smem:$0x3FB0] =	sst s6  }
0xf: {  	[smem:$0x3FB1] =	sst s7  }
0x10: {  	[smem:$0x3FB2] =	sst s8  }
0x11: {  	[smem:$0x3FB3] =	sst s9;
	s0 =	simm.s32 @!p0 $0x0  }
0x12: {  	s1 =	sld [smem:$0x3F99];
	s0 =	simm.s32 @p0 $0x1  }
0x13: {  	[smem:$0x3FB4] =	sst s0;
	s0 =	simm.s32 @!p1 $0x0  }
0x14: {  	s2 =	sld [smem:$0x3F98];
	s0 =	simm.s32 @p1 $0x1  }
0x15: {  	[smem:$0x3FB5] =	sst s0;
	s0 =	simm.s32 @!p2 $0x0  }
0x16: {  	s3 =	sld [smem:$0x3FDB];
	s0 =	simm.s32 @p2 $0x1  }
0x17: {  	s4 =	simm.s32 $0x1BF5;
	[smem:$0x3FB7] =	sst s0  }
0x18: {  	s0 =	sld [smem:$0x3F9A];
	_ =	swait.ge [sflag:s4], $0x0  }
0x19: {  	s7 =	sld [smem:$0x3F9B]  }
0x1a: {  	s8 =	sadd.s32 $0xFFFFE003, lr  }
0x1b: {  	s9 =	sadd.s32 $0xFFFFFEF7, lr;
	s5 =	simm.s32 $0xFFFFFFFF;
	p2 =	slt.u32 s8, $0xFFFFF086  }
0x1c: {  	p1 =	slt.u32 s9, $0xF7A;
	s5 =	simm.s32 @!p2 $0x0  }
0x1d: {  	s5 =	simm.s32 @p1 $0x1;
	p0 =	seq.s32 s7, s2  }
0x1e: {  	s7 =	smul.u32 @!p0 $0xF7A, s2;
	p2 =	seq.s32 @!p0 s5, $0x0  }
0x1f: {  	s9 =	smul.u32 $0xF7A, s1;
	s8 =	simm.s32 @!p0 $0x1BF5;
	p2 =	por !p2, p0  }
0x20: {  	[sflag:s8] =	ssyncset.s32 @!p0 $0xFFFFF086;
	s6 =	sadd.s32 @!p0 s3, s7;
	s7 =	simm.s32 @!p0 $0x108  }
0x21: {  	s3 =	sadd.s32 s3, s9;
	s6 =	sadd.s32 @!p0 $0x88, s6;
	s7 =	simm.s32 @p2 $0x1082  }
0x22: {  	[simem:s7], [sflag:s8] =	dma.local @!p0 [hbm:s6], $0xF7A  }
0x23: {  	s9 =	sor.u32 $0xD0000000, s2;
	s6 =	simm.s32 $0x108;
	_ =	swait.ge @!p0 [sflag:s8], $0x0  }
0x24: {  	s3 =	sadd.s32 $0x88, s3;
	s6 =	simm.s32 @!p1 $0x1082;
	[sflag:s4] =	ssyncset.s32 $0xFFFFF086  }
0x25: {  	[simem:s6], [sflag:s4] =	dma.local [hbm:s3], $0xF7A  }
0x26: {  	[smem:$0x3F9B] =	sst s1;
	(tag) =	ssettag s2;
	_ =	strace s9  }
0x27: {  	s1 =	sld [smem:$0x3FAB]  }
0x28: {  	s2 =	sld [smem:$0x3FAC]  }
0x29: {  	s4 =	sld [smem:$0x3FAE]  }
0x2a: {  	p0 =	seq.s32 s5, $0x0;
	s5 =	sld [smem:$0x3FAF]  }
0x2b: {  	s6 =	sld [smem:$0x3FB0]  }
0x2c: {  	s7 =	sld [smem:$0x3FB1]  }
0x2d: {  	s3 =	simm.s32 $0x108;
	s8 =	sld [smem:$0x3FB2]  }
0x2e: {  	s3 =	simm.s32 @!p0 $0x1082;
	s9 =	sld [smem:$0x3FB3]  }
0x2f: {  	lr =	sadd.s32 s0, s3;
	s0 =	sld [smem:$0x3FAA]  }
0x30: {  	s3 =	sld [smem:$0x3FAD]  }
0x31: {  	[smem:$0x3FB6] =	sst s10  }
0x32: {  	s10 =	sld [smem:$0x3FB4];
	_ =	sdelay $0x3  }
0x33: {  	p0 =	seq.s32 s10, $0x1;
	s10 =	sld [smem:$0x3FB6];
	_ =	sdelay $0x3  }
0x34: {  	[smem:$0x3FB6] =	sst s10  }
0x35: {  	s10 =	sld [smem:$0x3FB5];
	_ =	sdelay $0x3  }
0x36: {  	p1 =	seq.s32 s10, $0x1;
	s10 =	sld [smem:$0x3FB6];
	_ =	sdelay $0x3  }
0x37: {  	[smem:$0x3FB6] =	sst s10  }
0x38: {  	s10 =	sld [smem:$0x3FB7]  }
0x39: {  	_ = 	snop;
	(pc) =	sbr.ind lr, $3  }
0x3a: {  	_ = 	snop  }
0x3b: {  	_ = 	snop  }
0x3c: {  	p2 =	seq.s32 s10, $0x1;
	s10 =	sld [smem:$0x3FB6]  }
0x3d: {  	_ =	shalt  }
0x3e: {  	_ =	shalt  }
0x3f: {  	_ =	shalt  }
0x40: {  	_ =	shalt  }
0x41: {  	_ =	shalt  }
0x42: {  	_ =	shalt  }
0x43: {  	_ =	shalt  }
0x44: {  	_ =	shalt  }
0x45: {  	_ =	shalt  }
0x46: {  	_ =	shalt  }
0x47: {  	_ =	shalt  }
0x48: {  	_ =	shalt  }
0x49: {  	_ =	shalt  }
0x4a: {  	_ =	shalt  }
0x4b: {  	_ =	shalt  }
0x4c: {  	_ =	shalt  }
0x4d: {  	_ =	shalt  }
0x4e: {  	_ =	shalt  }
0x4f: {  	_ =	shalt  }
0x50: {  	_ =	shalt  }
0x51: {  	_ =	shalt  }
0x52: {  	_ =	shalt  }
0x53: {  	_ =	shalt  }
0x54: {  	_ =	shalt  }
0x55: {  	_ =	shalt  }
0x56: {  	_ =	shalt  }
0x57: {  	_ =	shalt  }
0x58: {  	_ =	shalt  }
0x59: {  	_ =	shalt  }
0x5a: {  	_ =	shalt  }
0x5b: {  	_ =	shalt  }
0x5c: {  	_ =	shalt  }
0x5d: {  	_ =	shalt  }
0x5e: {  	_ =	shalt  }
0x5f: {  	_ =	shalt  }
0x60: {  	_ =	shalt  }
0x61: {  	_ =	shalt  }
0x62: {  	_ =	shalt  }
0x63: {  	_ =	shalt  }
0x64: {  	_ =	shalt  }
0x65: {  	_ =	shalt  }
0x66: {  	_ =	shalt  }
0x67: {  	_ =	shalt  }
0x68: {  	_ =	shalt  }
0x69: {  	_ =	shalt  }
0x6a: {  	_ =	shalt  }
0x6b: {  	_ =	shalt  }
0x6c: {  	_ =	shalt  }
0x6d: {  	_ =	shalt  }
0x6e: {  	_ =	shalt  }
0x6f: {  	_ =	shalt  }
0x70: {  	_ =	shalt  }
0x71: {  	_ =	shalt  }
0x72: {  	_ =	shalt  }
0x73: {  	_ =	shalt  }
0x74: {  	_ =	shalt  }
0x75: {  	_ =	shalt  }
0x76: {  	_ =	shalt  }
0x77: {  	_ =	shalt  }
0x78: {  	_ =	shalt  }
0x79: {  	_ =	shalt  }
0x7a: {  	_ =	shalt  }
0x7b: {  	_ =	shalt  }
0x7c: {  	_ =	shalt  }
0x7d: {  	_ =	shalt  }
0x7e: {  	_ =	shalt  }
0x7f: {  	_ =	shalt  }
0x80: {  	_ =	shalt  }
0x81: {  	_ =	shalt  }
0x82: {  	_ =	shalt  }
0x83: {  	_ =	shalt  }
0x84: {  	_ =	shalt  }
0x85: {  	_ =	shalt  }
0x86: {  	_ =	shalt  }
0x87: {  	_ =	shalt  }
.Lfunc_end0:
.L_simem_size_0:
called_computation.2_lowered:
.L_overlay_start_0:
0x88: {  	s2 =	sld [smem:$0x3FD9]  }
0x89: {  	s3 =	sld [smem:$0x3FFE];
	_ =	sdelay $0x1  }
0x8a: {  	s1 =	srdreg.scid  }
0x8b: {  	s0 =	sand.u32 $0x1, s1  }
0x8c: {  	s17 =	sshll.u32 s0, $0xA;
	s2 =	sadd.s32 s3, s2  }
0x8d: {  	s2 =	sadd.s32 s2, s17  }
0x8e: {  	[smem:$0x3FC2] =	sst s2  }
0x8f: {  	_ = 	snop  }
0x90: {  	s2 =	sld [smem:$0x3FD0];
	(tm) =	ssettm $0x1  }
0x91: {  	s18 =	sld [smem:$0x3FFB];
	_ =	sdelay $0x3  }
0x92: {  	_ =	strace s18  }
0x93: {  	s3 =	sld [smem:$0x3FFC];
	_ =	sdelay $0x3  }
0x94: {  	_ =	strace s3  }
0x95: {  	s3 =	sld [smem:$0x3FFD];
	_ =	sdelay $0x3  }
0x96: {  	_ =	strace s3  }
0x97: {  	_ =	strace $0x8FFFFFFF  }
0x98: {  	s19 =	sld [smem:$0x3FDB];
	_ =	sdelay $0x1  }
0x99: {  	s4 =	simm.s32 $_scs_section_size  }
0x9a: {  	s5 =	simm.s32 $_size__tile_overlayer_lowered;
	s6 =	simm.s32 $_tile_overlayer_lowered  }
0x9b: {  	s22 =	simm.s32 $0x1BFF;
	s21 =	sshll.u32 s6, $0x1;
	s3 =	sadd.s32 s4, s19  }
0x9c: {  	s7 =	simm.s32 $0x0;
	s20 =	sshll.u32 s5, $0x1;
	s5 =	sadd.s32 s21, s3  }
0x9d: {  	[timem:s7], [sflag:s22] =	dma.local [hbm:s5], s20  }
0x9e: {  	_ =	swait.ge [sflag:s22], s20  }
0x9f: {  	s4 =	ssub.s32 $0x0, s20;
	[sflag:s22] =	ssyncset.done $0x0  }
0xa0: {  	[sflag:s22] =	ssyncadd.s32 s4;
	_ =	sdelay $0x1  }
0xa1: {  	s23 =	simm.s32 $0x1B8B  }
0xa2: {  	_ =	swait.ge [sflag:s23], $0x1  }
0xa3: {  	[sflag:s23] =	ssyncset.done $0x0  }
0xa4: {  	s25 =	simm.s32 $0x1B8E;
	s24 =	sld [smem:$0x3FFE];
	[sflag:s23] =	ssyncadd.s32 $0xFFFFFFFF  }
0xa5: {  	s26 =	simm.s32 $execute0_lowered;
	[smem:$0x3FD2] =	sst s25  }
0xa6: {  	s5 =	sshll.u32 s26, $0x1;
	_ =	strace $0x8000004C;
	[dreg:$0x1] =	wrdreg $0xFFFFFFFF  }
0xa7: {  	s28 =	simm.s32 $_size_execute0_lowered;
	s3 =	sadd.s32 s3, s5;
	[dreg:$0x0] =	wrdreg $0x0  }
0xa8: {  	s5 =	sshll.u32 s28, $0x1;
	[dreg:$0x2] =	wrdreg s3  }
0xa9: {  	[dreg:$0x3] =	wrdreg s5  }
0xaa: {  	[dreg:$0x4] =	wrdreg $0xC0  }
0xab: {  	_ =	task [dreg:s7], $0x5FFFF  }
0xac: {  	[dreg:$0x1] =	wrdreg $0xFFFFFFFF  }
0xad: {  	[dreg:$0x0] =	wrdreg $0x60  }
0xae: {  	[dreg:$0x2] =	wrdreg s24  }
0xaf: {  	[dreg:$0x3] =	wrdreg s2  }
0xb0: {  	[dreg:$0x4] =	wrdreg $0x68000  }
0xb1: {  	[dreg:$0x5] =	wrdreg $0x9  }
0xb2: {  	_ =	task.clear_ibuf [dreg:s7], $0x6FFFF;
	_ =	strace $0x9000004C  }
0xb3: {  	s29 =	simm.s32 $0x9;
	_ =	strace $0x8000004E  }
0xb4: {  	_ =	swait.ge [sflag:s29], $0x1  }
0xb5: {  	[sflag:s29] =	ssyncadd.s32 $0xFFFFFFFF  }
0xb6: {  	_ =	strace $0x9000004E  }
0xb7: {  	_ =	sfence  }
0xb8: {  	s30 =	sld [smem:$0x0];
	_ =	sdelay $0x2  }
0xb9: {  	s31 =	sshll.u32 s1, $0xD;
	s1 =	sshrl.u32 s1, $0x2  }
0xba: {  	s3 =	sand.u32 $0x4000, s31;
	s1 =	sadd.s32 s1, s30  }
0xbb: {  	s0 =	sor.u32 s3, s0;
	s1 =	sshll.u32 s1, $0x11  }
0xbc: {  	s0 =	sor.u32 s1, s0  }
0xbd: {  	s0 =	sadd.s32 $0x8F2B, s0  }
0xbe: {  	[sflag:s0] =	ssyncadd.remote.s32 $0x1  }
0xbf: {  	_ =	sfence.sel $0xFFFF  }
0xc0: {  	[dreg:$0x0] =	wrdreg $0xFFFFFFFF;
	(pc) =	sbr.abs _section_cstart, $3  }
0xc1: {  	[dreg:$0x1] =	wrdreg $0xFFFFFFFF  }
0xc2: {  	_ =	task.clear_ibuf [dreg:s7], $0x2FFFF;
	_ =	strace $0x9FFFFFFF  }
0xc3: {  	(tm) =	ssettm $0x7FFFFFFF  }
tec
execute0_lowered:
.L_overlay_start_1:
0x0: {  	(tag) =	ssettag $0x1  }
0x1: {  	s0 =	rddreg [dreg:$0x0]  }
0x2: {  	s3 =	rddreg [dreg:$0x1]  }
0x3: {  	s1 =	rddreg [dreg:$0x2];
	s2 =	simm.s32 $0x0  }
0x4: {  	s4 =	srdreg.scid;
	s10 =	stileid.u32;
	s28 =	simm.s32 $0x1380  }
0x5: {  	s29 =	simm.s32 $0x2700;
	s30 =	simm.s32 $0x2780;
	s31 =	simm.s32 $0x0  }
0x6: {  	[smem:$0x7FF] =	sst s2;
	s18 =	sadd.s32 $0x1E00, s0;
	s5 =	sand.u32 $0x1, s4  }
0x7: {  	s4 =	sadd.s32 $0xBE00, s0;
	s9 =	smul.u32 $0x280, s10;
	s0 =	sadd.s32 $0x1FE00, s0  }
0x8: {  	s8 =	smul.u32 $0x28000, s10;
	_ =	strace $0x8000004D;
	s6 =	ssub.s32 $0x2, s5  }
0x9: {  	s12 =	smul.u32 $0x2800, s5;
	s5 =	sshll.u32 s5, $0x4;
	s7 =	sshrl.u32 s6, $0x1  }
0xa: {  	s13 =	sor.u32 s10, s5;
	s20 =	sshrl.u32 s8, $0x2;
	s21 =	sadd.s32 $0x80, s9  }
0xb: {  	s11 =	sadd.s32 $0x100, s9;
	s14 =	sadd.s32 $0x180, s9;
	s16 =	sadd.s32 $0x200, s9  }
0xc: {  	s15 =	ssub.s32 s6, s7;
	s5 =	sadd.s32 s20, s1;
	s22 =	sshll.u32 s21, $0x6  }
0xd: {  	s23 =	sshll.u32 s11, $0x6;
	s24 =	sshll.u32 s14, $0x6;
	s17 =	sshll.u32 s16, $0x6  }
0xe: {  	s19 =	sadd.s32 s9, s12;
	s26 =	sadd.s32 s12, s21;
	s20 =	sadd.s32 s12, s11  }
0xf: {  	s14 =	sadd.s32 s12, s14;
	s16 =	sadd.s32 s12, s16;
	s6 =	sadd.s32 s22, s1  }
0x10: {  	s7 =	sadd.s32 s23, s1;
	s8 =	sadd.s32 s24, s1;
	s9 =	sadd.s32 s17, s1  }
0x11: {  	s25 =	sshll.u32 s19, $0x3;
	s19 =	sshll.u32 s26, $0x3;
	s22 =	sshll.u32 s20, $0x3  }
0x12: {  	s14 =	sshll.u32 s14, $0x3;
	s23 =	smul.u32 $0x500, s13;
	s15 =	smax.u32 s15, $0x1  }
0x13: {  	s20 =	simm.s32 $0x2800;
	s17 =	sadd.s32 s0, s25;
	s21 =	sadd.s32 s0, s19  }
0x14: {  	s24 =	sadd.s32 s0, s22;
	s13 =	sadd.s32 s0, s14;
	[dreg:$0x4] =	wrdreg s17  }
0x15: {  	s25 =	sshll.u32 s16, $0x3;
	s22 =	simm.s32 $0x1400;
	[dreg:$0x5] =	wrdreg s21  }
0x16: {  	[dreg:$0x6] =	wrdreg s24;
	s14 =	sadd.s32 s0, s25;
	s26 =	sadd.s32 $0x280, s23  }
0x17: {  	s16 =	sadd.s32 s18, s23;
	s17 =	sadd.s32 s3, s23;
	s21 =	simm.s32 $0x3  }
0x18: {  	s23 =	simm.s32 $0x80;
	s24 =	simm.s32 $0x4800;
	s25 =	simm.s32 $0x1  }
0x19: {  	v0 =	vimm.f32 $0.0e+00;
	s18 =	sadd.s32 s18, s26;
	s19 =	sadd.s32 s3, s26;
	s26 =	simm.s32 $0x2  }
.LBB2_1:
0x1a: {  	s3 =	simm.s32 $0x100;
	s0 =	simm.s32 $0x0  }
.LBB2_2:
0x1b: {  	p0 =	sne.s32 s3, $0x7F00;
	[tilespmem:s0+$0x2830] =	vst v0;
	s10 =	smov.u32 s3;
	s3 =	sadd.s32 $0x100, s3  }
.Ltmp0:
0x1c: {  	[tilespmem:s0+$0x2820] =	vst v0;
	(pc) =	sbr.rel @p0 .LBB2_2-.Ltmp0, $3  }
0x1d: {  	[tilespmem:s0+$0x2800] =	vst v0  }
0x1e: {  	[tilespmem:s0+$0x2810] =	vst v0;
	_ =	sdelay $0x1  }
0x1f: {  	s0 =	sshra.s32 s10, $0x2  }
0x20: {  	[tilespmem:s0+$0x2830] =	vst v0  }
0x21: {  	[tilespmem:s0+$0x2820] =	vst v0  }
0x22: {  	[tilespmem:s0+$0x2800] =	vst v0  }
0x23: {  	[tilespmem:s0+$0x2810] =	vst v0  }
0x24: {  	[spmem:s5] =	stream.linear.scatter [tilespmem:s20], [sflag:$0x3], $0x2000, $0x38;
	[tilespmem:$0x10800] =	vst v63  }
0x25: {  	_ =	swait.ge [sflag:s21], $0x2000  }
0x26: {  	[sflag:s21] =	ssyncset.done $0x0  }
0x27: {  	[sflag:s21] =	ssyncadd.s32 $0xFFFFE000  }
0x28: {  	[spmem:s6] =	stream.linear.scatter [tilespmem:s20], [sflag:$0x3], $0x2000, $0x38;
	[tilespmem:$0x10800] =	vst v63  }
0x29: {  	_ =	swait.ge [sflag:s21], $0x2000  }
0x2a: {  	[sflag:s21] =	ssyncset.done $0x0  }
0x2b: {  	[sflag:s21] =	ssyncadd.s32 $0xFFFFE000  }
0x2c: {  	[spmem:s7] =	stream.linear.scatter [tilespmem:s20], [sflag:$0x3], $0x2000, $0x38;
	[tilespmem:$0x10800] =	vst v63  }
0x2d: {  	_ =	swait.ge [sflag:s21], $0x2000  }
0x2e: {  	[sflag:s21] =	ssyncset.done $0x0  }
0x2f: {  	[sflag:s21] =	ssyncadd.s32 $0xFFFFE000  }
0x30: {  	[spmem:s8] =	stream.linear.scatter [tilespmem:s20], [sflag:$0x3], $0x2000, $0x38;
	[tilespmem:$0x10800] =	vst v63  }
0x31: {  	_ =	swait.ge [sflag:s21], $0x2000  }
0x32: {  	[sflag:s21] =	ssyncset.done $0x0  }
0x33: {  	[sflag:s21] =	ssyncadd.s32 $0xFFFFE000  }
0x34: {  	[spmem:s9] =	stream.linear.scatter [tilespmem:s20], [sflag:$0x3], $0x2000, $0x38;
	[tilespmem:$0x10800] =	vst v63  }
0x35: {  	_ =	swait.ge [sflag:s21], $0x2000  }
0x36: {  	[sflag:s21] =	ssyncset.done $0x0  }
0x37: {  	[sflag:s21] =	ssyncadd.s32 $0xFFFFE000  }
0x38: {  	s12 =	simm.s32 $0x0;
	[bflag:$0x0] =	sbarrier.arrive $0xFFFF  }
0x39: {  	[tilespmem:s12], [sflag:$0x3] =	stream.linear.gather [hbm4b:s16+s12], $0x1400, $0x38;
	[tilespmem:$0x10800] =	vst v63  }
0x3a: {  	_ =	swait.ge [sflag:s21], $0x1400  }
0x3b: {  	[sflag:s21] =	ssyncset.done $0x0  }
0x3c: {  	[sflag:s21] =	ssyncadd.s32 $0xFFFFEC00  }
0x3d: {  	[tilespmem:s22], [sflag:$0x3] =	stream.linear.gather [hbm4b:s17+s12], $0x1400, $0x38;
	[tilespmem:$0x10800] =	vst v63  }
0x3e: {  	_ =	swait.ge [sflag:s21], $0x1400  }
0x3f: {  	[sflag:s21] =	ssyncset.done $0x0  }
0x40: {  	[sflag:s21] =	ssyncadd.s32 $0xFFFFEC00  }
0x41: {  	[tilespmem:s20], [sflag:$0x1] =	stream.indirect.gather [hbm4b:s4+s23], $0x40, s12, s23, $0xb8;
	[tilespmem:$0x10800] =	vst v63  }
0x42: {  	s3 =	simm.s32 $0x80  }
0x43: {  	[tilespmem:s24], [sflag:$0x2] =	stream.indirect.gather [hbm4b:s4+s23], $0x40, s3, s23, $0xb8;
	[tilespmem:$0x10800] =	vst v63  }
0x44: {  	_ =	swait.ge [sflag:s25], $0x2000  }
0x45: {  	[sflag:s25] =	ssyncset.done $0x0  }
0x46: {  	s10 =	simm.s32 $0x1400;
	[sflag:s25] =	ssyncadd.s32 $0xFFFFE000  }
0x47: {  	[spmem:s1] =	stream.indirect.scatter.add.f32 [tilespmem:s20], [sflag:$0x3], $0x40, s10, s23, $0xb8;
	[tilespmem:$0x10800] =	vst v63  }
0x48: {  	_ =	swait.ge [sflag:s21], $0x2000  }
0x49: {  	[sflag:s21] =	ssyncset.done $0x0  }
0x4a: {  	s11 =	simm.s32 $0x100;
	[sflag:s21] =	ssyncadd.s32 $0xFFFFE000  }
0x4b: {  	[tilespmem:s20], [sflag:$0x1] =	stream.indirect.gather [hbm4b:s4+s23], $0x40, s11, s23, $0xb8;
	[tilespmem:$0x10800] =	vst v63  }
0x4c: {  	_ =	swait.ge [sflag:s26], $0x2000  }
0x4d: {  	[sflag:s26] =	ssyncset.done $0x0  }
0x4e: {  	s12 =	simm.s32 $0x1480;
	[sflag:s26] =	ssyncadd.s32 $0xFFFFE000  }
0x4f: {  	[spmem:s1] =	stream.indirect.scatter.add.f32 [tilespmem:s24], [sflag:$0x3], $0x40, s12, s23, $0xb8;
	[tilespmem:$0x10800] =	vst v63  }
0x50: {  	_ =	swait.ge [sflag:s21], $0x2000  }
0x51: {  	s0 =	simm.s32 $0x100;
	s3 =	simm.s32 $0x800;
	[sflag:s21] =	ssyncset.done $0x0  }
.LBB2_4:
0x52: {  	s10 =	sadd.s32 $0x80, s0  }
0x53: {  	[sflag:s21] =	ssyncadd.s32 $0xFFFFE000;
	s11 =	smov.u32 s3;
	s12 =	sadd.s32 $0x400, s3  }
0x54: {  	[tilespmem:s24], [sflag:$0x2] =	stream.indirect.gather [hbm4b:s4+s23], $0x40, s10, s23, $0xb8;
	[tilespmem:$0x10800] =	vst v63  }
0x55: {  	p0 =	sne.s32 s3, $0x4800;
	_ =	swait.ge [sflag:s25], $0x2000  }
0x56: {  	[sflag:s25] =	ssyncset.done $0x0  }
0x57: {  	s3 =	sadd.s32 $0x1400, s0;
	[sflag:s25] =	ssyncadd.s32 $0xFFFFE000  }
0x58: {  	[spmem:s1] =	stream.indirect.scatter.add.f32 [tilespmem:s20], [sflag:$0x3], $0x40, s3, s23, $0xb8;
	[tilespmem:$0x10800] =	vst v63  }
0x59: {  	_ =	swait.ge [sflag:s21], $0x2000  }
0x5a: {  	[sflag:s21] =	ssyncset.done $0x0  }
0x5b: {  	s3 =	sadd.s32 $0x100, s0;
	[sflag:s21] =	ssyncadd.s32 $0xFFFFE000  }
0x5c: {  	[tilespmem:s20], [sflag:$0x1] =	stream.indirect.gather [hbm4b:s4+s23], $0x40, s3, s23, $0xb8;
	[tilespmem:$0x10800] =	vst v63  }
0x5d: {  	_ =	swait.ge [sflag:s26], $0x2000  }
.Ltmp1:
0x5e: {  	[sflag:s26] =	ssyncset.done $0x0;
	(pc) =	sbr.rel @p0 .LBB2_4-.Ltmp1, $4  }
0x5f: {  	s0 =	sadd.s32 $0x1480, s0;
	[sflag:s26] =	ssyncadd.s32 $0xFFFFE000  }
0x60: {  	[spmem:s1] =	stream.indirect.scatter.add.f32 [tilespmem:s24], [sflag:$0x3], $0x40, s0, s23, $0xb8;
	[tilespmem:$0x10800] =	vst v63  }
0x61: {  	_ =	swait.ge [sflag:s21], $0x2000  }
0x62: {  	s3 =	smov.u32 s12;
	s0 =	sshra.s32 s11, $0x2;
	[sflag:s21] =	ssyncset.done $0x0  }
0x63: {  	s3 =	sadd.s32 $0x80, s0;
	[sflag:s21] =	ssyncadd.s32 $0xFFFFE000  }
0x64: {  	[tilespmem:s24], [sflag:$0x2] =	stream.indirect.gather [hbm4b:s4+s23], $0x40, s3, s23, $0xb8;
	[tilespmem:$0x10800] =	vst v63  }
0x65: {  	_ =	swait.ge [sflag:s25], $0x2000  }
0x66: {  	[sflag:s25] =	ssyncset.done $0x0  }
0x67: {  	s12 =	sadd.s32 $0x1400, s0;
	[sflag:s25] =	ssyncadd.s32 $0xFFFFE000  }
0x68: {  	[spmem:s1] =	stream.indirect.scatter.add.f32 [tilespmem:s20], [sflag:$0x3], $0x40, s12, s23, $0xb8;
	[tilespmem:$0x10800] =	vst v63  }
0x69: {  	_ =	swait.ge [sflag:s21], $0x2000  }
0x6a: {  	[sflag:s21] =	ssyncset.done $0x0  }
0x6b: {  	s10 =	sadd.s32 $0x100, s0;
	[sflag:s21] =	ssyncadd.s32 $0xFFFFE000  }
0x6c: {  	[tilespmem:s20], [sflag:$0x1] =	stream.indirect.gather [hbm4b:s4+s23], $0x40, s10, s23, $0xb8;
	[tilespmem:$0x10800] =	vst v63  }
0x6d: {  	_ =	swait.ge [sflag:s26], $0x2000  }
0x6e: {  	[sflag:s26] =	ssyncset.done $0x0  }
0x6f: {  	s11 =	sadd.s32 $0x1480, s0;
	[sflag:s26] =	ssyncadd.s32 $0xFFFFE000  }
0x70: {  	[spmem:s1] =	stream.indirect.scatter.add.f32 [tilespmem:s24], [sflag:$0x3], $0x40, s11, s23, $0xb8;
	[tilespmem:$0x10800] =	vst v63  }
0x71: {  	_ =	swait.ge [sflag:s21], $0x2000  }
0x72: {  	[sflag:s21] =	ssyncset.done $0x0  }
0x73: {  	[sflag:s21] =	ssyncadd.s32 $0xFFFFE000  }
0x74: {  	[tilespmem:s24], [sflag:$0x2] =	stream.indirect.gather [hbm4b:s4+s23], $0x40, s28, s23, $0xb8;
	[tilespmem:$0x10800] =	vst v63  }
0x75: {  	_ =	swait.ge [sflag:s25], $0x2000  }
0x76: {  	[sflag:s25] =	ssyncset.done $0x0  }
0x77: {  	[sflag:s25] =	ssyncadd.s32 $0xFFFFE000  }
0x78: {  	[spmem:s1] =	stream.indirect.scatter.add.f32 [tilespmem:s20], [sflag:$0x3], $0x40, s29, s23, $0xb8;
	[tilespmem:$0x10800] =	vst v63  }
0x79: {  	_ =	swait.ge [sflag:s21], $0x2000  }
0x7a: {  	[sflag:s21] =	ssyncset.done $0x0  }
0x7b: {  	[sflag:s21] =	ssyncadd.s32 $0xFFFFE000  }
0x7c: {  	_ =	swait.ge [sflag:s26], $0x2000  }
0x7d: {  	[sflag:s26] =	ssyncset.done $0x0  }
0x7e: {  	[sflag:s26] =	ssyncadd.s32 $0xFFFFE000  }
0x7f: {  	[spmem:s1] =	stream.indirect.scatter.add.f32 [tilespmem:s24], [sflag:$0x3], $0x40, s30, s23, $0xb8;
	[tilespmem:$0x10800] =	vst v63  }
0x80: {  	_ =	swait.ge [sflag:s21], $0x2000  }
0x81: {  	[sflag:s21] =	ssyncset.done $0x0  }
0x82: {  	s12 =	simm.s32 $0x0;
	[sflag:s21] =	ssyncadd.s32 $0xFFFFE000  }
0x83: {  	[tilespmem:s12], [sflag:$0x3] =	stream.linear.gather [hbm4b:s18+s12], $0x1400, $0x38;
	[tilespmem:$0x10800] =	vst v63  }
0x84: {  	_ =	swait.ge [sflag:s21], $0x1400  }
0x85: {  	[sflag:s21] =	ssyncset.done $0x0  }
0x86: {  	[sflag:s21] =	ssyncadd.s32 $0xFFFFEC00  }
0x87: {  	[tilespmem:s22], [sflag:$0x3] =	stream.linear.gather [hbm4b:s19+s12], $0x1400, $0x38;
	[tilespmem:$0x10800] =	vst v63  }
0x88: {  	_ =	swait.ge [sflag:s21], $0x1400  }
0x89: {  	[sflag:s21] =	ssyncset.done $0x0  }
0x8a: {  	[sflag:s21] =	ssyncadd.s32 $0xFFFFEC00  }
0x8b: {  	[tilespmem:s20], [sflag:$0x1] =	stream.indirect.gather [hbm4b:s4+s23], $0x40, s12, s23, $0xb8;
	[tilespmem:$0x10800] =	vst v63  }
0x8c: {  	s3 =	simm.s32 $0x80  }
0x8d: {  	[tilespmem:s24], [sflag:$0x2] =	stream.indirect.gather [hbm4b:s4+s23], $0x40, s3, s23, $0xb8;
	[tilespmem:$0x10800] =	vst v63  }
0x8e: {  	_ =	swait.ge [sflag:s25], $0x2000  }
0x8f: {  	[sflag:s25] =	ssyncset.done $0x0  }
0x90: {  	s10 =	simm.s32 $0x1400;
	[sflag:s25] =	ssyncadd.s32 $0xFFFFE000  }
0x91: {  	[spmem:s1] =	stream.indirect.scatter.add.f32 [tilespmem:s20], [sflag:$0x3], $0x40, s10, s23, $0xb8;
	[tilespmem:$0x10800] =	vst v63  }
0x92: {  	_ =	swait.ge [sflag:s21], $0x2000  }
0x93: {  	[sflag:s21] =	ssyncset.done $0x0  }
0x94: {  	s11 =	simm.s32 $0x100;
	[sflag:s21] =	ssyncadd.s32 $0xFFFFE000  }
0x95: {  	[tilespmem:s20], [sflag:$0x1] =	stream.indirect.gather [hbm4b:s4+s23], $0x40, s11, s23, $0xb8;
	[tilespmem:$0x10800] =	vst v63  }
0x96: {  	_ =	swait.ge [sflag:s26], $0x2000  }
0x97: {  	[sflag:s26] =	ssyncset.done $0x0  }
0x98: {  	s12 =	simm.s32 $0x1480;
	[sflag:s26] =	ssyncadd.s32 $0xFFFFE000  }
0x99: {  	[spmem:s1] =	stream.indirect.scatter.add.f32 [tilespmem:s24], [sflag:$0x3], $0x40, s12, s23, $0xb8;
	[tilespmem:$0x10800] =	vst v63  }
0x9a: {  	_ =	swait.ge [sflag:s21], $0x2000  }
0x9b: {  	s0 =	simm.s32 $0x100;
	s3 =	simm.s32 $0x800;
	[sflag:s21] =	ssyncset.done $0x0  }
.LBB2_6:
0x9c: {  	s10 =	sadd.s32 $0x80, s0  }
0x9d: {  	[sflag:s21] =	ssyncadd.s32 $0xFFFFE000;
	s11 =	smov.u32 s3;
	s12 =	sadd.s32 $0x400, s3  }
0x9e: {  	[tilespmem:s24], [sflag:$0x2] =	stream.indirect.gather [hbm4b:s4+s23], $0x40, s10, s23, $0xb8;
	[tilespmem:$0x10800] =	vst v63  }
0x9f: {  	p0 =	sne.s32 s3, $0x4800;
	_ =	swait.ge [sflag:s25], $0x2000  }
0xa0: {  	[sflag:s25] =	ssyncset.done $0x0  }
0xa1: {  	s3 =	sadd.s32 $0x1400, s0;
	[sflag:s25] =	ssyncadd.s32 $0xFFFFE000  }
0xa2: {  	[spmem:s1] =	stream.indirect.scatter.add.f32 [tilespmem:s20], [sflag:$0x3], $0x40, s3, s23, $0xb8;
	[tilespmem:$0x10800] =	vst v63  }
0xa3: {  	_ =	swait.ge [sflag:s21], $0x2000  }
0xa4: {  	[sflag:s21] =	ssyncset.done $0x0  }
0xa5: {  	s3 =	sadd.s32 $0x100, s0;
	[sflag:s21] =	ssyncadd.s32 $0xFFFFE000  }
0xa6: {  	[tilespmem:s20], [sflag:$0x1] =	stream.indirect.gather [hbm4b:s4+s23], $0x40, s3, s23, $0xb8;
	[tilespmem:$0x10800] =	vst v63  }
0xa7: {  	_ =	swait.ge [sflag:s26], $0x2000  }
.Ltmp2:
0xa8: {  	[sflag:s26] =	ssyncset.done $0x0;
	(pc) =	sbr.rel @p0 .LBB2_6-.Ltmp2, $4  }
0xa9: {  	s0 =	sadd.s32 $0x1480, s0;
	[sflag:s26] =	ssyncadd.s32 $0xFFFFE000  }
0xaa: {  	[spmem:s1] =	stream.indirect.scatter.add.f32 [tilespmem:s24], [sflag:$0x3], $0x40, s0, s23, $0xb8;
	[tilespmem:$0x10800] =	vst v63  }
0xab: {  	_ =	swait.ge [sflag:s21], $0x2000  }
0xac: {  	s3 =	smov.u32 s12;
	s0 =	sshra.s32 s11, $0x2;
	[sflag:s21] =	ssyncset.done $0x0  }
0xad: {  	s3 =	sadd.s32 $0x80, s0;
	[sflag:s21] =	ssyncadd.s32 $0xFFFFE000  }
0xae: {  	[tilespmem:s24], [sflag:$0x2] =	stream.indirect.gather [hbm4b:s4+s23], $0x40, s3, s23, $0xb8;
	[tilespmem:$0x10800] =	vst v63  }
0xaf: {  	_ =	swait.ge [sflag:s25], $0x2000  }
0xb0: {  	[sflag:s25] =	ssyncset.done $0x0  }
0xb1: {  	s11 =	sadd.s32 $0x1400, s0;
	[sflag:s25] =	ssyncadd.s32 $0xFFFFE000  }
0xb2: {  	[spmem:s1] =	stream.indirect.scatter.add.f32 [tilespmem:s20], [sflag:$0x3], $0x40, s11, s23, $0xb8;
	[tilespmem:$0x10800] =	vst v63  }
0xb3: {  	_ =	swait.ge [sflag:s21], $0x2000  }
0xb4: {  	[sflag:s21] =	ssyncset.done $0x0  }
0xb5: {  	s12 =	sadd.s32 $0x100, s0;
	[sflag:s21] =	ssyncadd.s32 $0xFFFFE000  }
0xb6: {  	[tilespmem:s20], [sflag:$0x1] =	stream.indirect.gather [hbm4b:s4+s23], $0x40, s12, s23, $0xb8;
	[tilespmem:$0x10800] =	vst v63  }
0xb7: {  	_ =	swait.ge [sflag:s26], $0x2000  }
0xb8: {  	[sflag:s26] =	ssyncset.done $0x0  }
0xb9: {  	s3 =	sadd.s32 $0x1480, s0;
	[sflag:s26] =	ssyncadd.s32 $0xFFFFE000  }
0xba: {  	[spmem:s1] =	stream.indirect.scatter.add.f32 [tilespmem:s24], [sflag:$0x3], $0x40, s3, s23, $0xb8;
	[tilespmem:$0x10800] =	vst v63  }
0xbb: {  	_ =	swait.ge [sflag:s21], $0x2000  }
0xbc: {  	[sflag:s21] =	ssyncset.done $0x0  }
0xbd: {  	[sflag:s21] =	ssyncadd.s32 $0xFFFFE000  }
0xbe: {  	[tilespmem:s24], [sflag:$0x2] =	stream.indirect.gather [hbm4b:s4+s23], $0x40, s28, s23, $0xb8;
	[tilespmem:$0x10800] =	vst v63  }
0xbf: {  	_ =	swait.ge [sflag:s25], $0x2000  }
0xc0: {  	[sflag:s25] =	ssyncset.done $0x0  }
0xc1: {  	[sflag:s25] =	ssyncadd.s32 $0xFFFFE000  }
0xc2: {  	[spmem:s1] =	stream.indirect.scatter.add.f32 [tilespmem:s20], [sflag:$0x3], $0x40, s29, s23, $0xb8;
	[tilespmem:$0x10800] =	vst v63  }
0xc3: {  	_ =	swait.ge [sflag:s21], $0x2000  }
0xc4: {  	[sflag:s21] =	ssyncset.done $0x0  }
0xc5: {  	[sflag:s21] =	ssyncadd.s32 $0xFFFFE000  }
0xc6: {  	_ =	swait.ge [sflag:s26], $0x2000  }
0xc7: {  	[sflag:s26] =	ssyncset.done $0x0  }
0xc8: {  	[sflag:s26] =	ssyncadd.s32 $0xFFFFE000  }
0xc9: {  	[spmem:s1] =	stream.indirect.scatter.add.f32 [tilespmem:s24], [sflag:$0x3], $0x40, s30, s23, $0xb8;
	[tilespmem:$0x10800] =	vst v63  }
0xca: {  	_ =	swait.ge [sflag:s21], $0x2000  }
0xcb: {  	[sflag:s21] =	ssyncset.done $0x0  }
0xcc: {  	[sflag:s21] =	ssyncadd.s32 $0xFFFFE000  }
0xcd: {  	[bflag:$0x0] =	sbarrier.arrive $0xFFFF  }
0xce: {  	[tilespmem:s20], [sflag:$0x3] =	stream.linear.gather [spmem:s5], $0x2000, $0x38;
	[tilespmem:$0x10800] =	vst v63  }
0xcf: {  	_ =	swait.ge [sflag:s21], $0x2000  }
0xd0: {  	[sflag:s21] =	ssyncset.done $0x0  }
0xd1: {  	s10 =	rddreg [dreg:$0x4];
	[sflag:s21] =	ssyncadd.s32 $0xFFFFE000  }
0xd2: {  	[hbm4b:s10+s2] =	stream.linear.scatter [tilespmem:s20], [sflag:$0x3], $0x2000, $0x38;
	[tilespmem:$0x10800] =	vst v63  }
0xd3: {  	_ =	swait.ge [sflag:s21], $0x2000  }
0xd4: {  	[sflag:s21] =	ssyncset.done $0x0  }
0xd5: {  	[sflag:s21] =	ssyncadd.s32 $0xFFFFE000  }
0xd6: {  	[tilespmem:s20], [sflag:$0x3] =	stream.linear.gather [spmem:s6], $0x2000, $0x38;
	[tilespmem:$0x10800] =	vst v63  }
0xd7: {  	_ =	swait.ge [sflag:s21], $0x2000  }
0xd8: {  	[sflag:s21] =	ssyncset.done $0x0  }
0xd9: {  	s11 =	rddreg [dreg:$0x5];
	[sflag:s21] =	ssyncadd.s32 $0xFFFFE000  }
0xda: {  	[hbm4b:s11+s2] =	stream.linear.scatter [tilespmem:s20], [sflag:$0x3], $0x2000, $0x38;
	[tilespmem:$0x10800] =	vst v63  }
0xdb: {  	_ =	swait.ge [sflag:s21], $0x2000  }
0xdc: {  	[sflag:s21] =	ssyncset.done $0x0  }
0xdd: {  	[sflag:s21] =	ssyncadd.s32 $0xFFFFE000  }
0xde: {  	[tilespmem:s20], [sflag:$0x3] =	stream.linear.gather [spmem:s7], $0x2000, $0x38;
	[tilespmem:$0x10800] =	vst v63  }
0xdf: {  	_ =	swait.ge [sflag:s21], $0x2000  }
0xe0: {  	[sflag:s21] =	ssyncset.done $0x0  }
0xe1: {  	s12 =	rddreg [dreg:$0x6];
	[sflag:s21] =	ssyncadd.s32 $0xFFFFE000  }
0xe2: {  	[hbm4b:s12+s2] =	stream.linear.scatter [tilespmem:s20], [sflag:$0x3], $0x2000, $0x38;
	[tilespmem:$0x10800] =	vst v63  }
0xe3: {  	_ =	swait.ge [sflag:s21], $0x2000  }
0xe4: {  	[sflag:s21] =	ssyncset.done $0x0  }
0xe5: {  	[sflag:s21] =	ssyncadd.s32 $0xFFFFE000  }
0xe6: {  	[tilespmem:s20], [sflag:$0x3] =	stream.linear.gather [spmem:s8], $0x2000, $0x38;
	[tilespmem:$0x10800] =	vst v63  }
0xe7: {  	_ =	swait.ge [sflag:s21], $0x2000  }
0xe8: {  	[sflag:s21] =	ssyncset.done $0x0  }
0xe9: {  	[sflag:s21] =	ssyncadd.s32 $0xFFFFE000  }
0xea: {  	[hbm4b:s13+s2] =	stream.linear.scatter [tilespmem:s20], [sflag:$0x3], $0x2000, $0x38;
	[tilespmem:$0x10800] =	vst v63  }
0xeb: {  	_ =	swait.ge [sflag:s21], $0x2000  }
0xec: {  	[sflag:s21] =	ssyncset.done $0x0  }
0xed: {  	[sflag:s21] =	ssyncadd.s32 $0xFFFFE000  }
0xee: {  	[tilespmem:s20], [sflag:$0x3] =	stream.linear.gather [spmem:s9], $0x2000, $0x38;
	[tilespmem:$0x10800] =	vst v63  }
0xef: {  	s31 =	sadd.s32 $0x1, s31;
	_ =	swait.ge [sflag:s21], $0x2000  }
0xf0: {  	p0 =	sne.s32 s31, s15;
	[sflag:s21] =	ssyncset.done $0x0  }
.Ltmp3:
0xf1: {  	[sflag:s21] =	ssyncadd.s32 $0xFFFFE000;
	(pc) =	sbr.rel @p0 .LBB2_1-.Ltmp3, $4  }
0xf2: {  	[hbm4b:s14+s2] =	stream.linear.scatter [tilespmem:s20], [sflag:$0x3], $0x2000, $0x38;
	[tilespmem:$0x10800] =	vst v63  }
0xf3: {  	_ =	swait.ge [sflag:s21], $0x2000  }
0xf4: {  	[sflag:s21] =	ssyncset.done $0x0  }
0xf5: {  	[sflag:s21] =	ssyncadd.s32 $0xFFFFE000  }
0xf6: {  	_ =	sfence.sel $0x180000  }
0xf7: {  	[bflag:$0x0] =	sbarrier.arrive $0xFFFF  }
0xf8: {  	_ =	strace $0x9000004D  }
0xf9: {  	s0 =	stileid.u32;
	[bflag:$0x2] =	sbarrier.arrive $0xFFFF  }
0xfa: {  	p0 =	sne.s32 s0, $0x0;
	s0 =	rddreg [dreg:$0x3]  }
0xfb: {  	s0 =	sadd.s32 @!p0 $0x100000, s0  }
0xfc: {  	[sflag:s0] =	ssyncadd.tile.s32 @!p0 $0x1;
	_ =	shalt  }
.Lfunc_end2:
_tile_overlayer_lowered:
.L_overlay_start_2:
0xfd: {  	(tag) =	ssettag $0x2  }
0xfe: {  	s0 =	rddreg [dreg:$0x0];
	s2 =	stileid.u32  }
0xff: {  	s1 =	rddreg [dreg:$0x1];
	p0 =	sne.s32 s2, $0x0  }
0x100: {  	s3 =	rddreg [dreg:$0x2];
	[bflag:$0x3] =	sbarrier.arrive $0xFFFF;
	s2 =	simm.s32 @!p0 $0x1C03  }
0x101: {  	[timem:s3], [sflag:s2] =	dma.local @!p0 [hbm:s0], s1  }
0x102: {  	s0 =	simm.s32 @!p0 $0x3  }
0x103: {  	_ =	swait.ge @!p0 [sflag:s0], s1  }
0x104: {  	s1 =	ssub.s32 @!p0 $0x0, s1;
	[sflag:s0] =	ssyncset.done @!p0 $0x0  }
0x105: {  	[sflag:s0] =	ssyncadd.s32 @!p0 s1  }
0x106: {  	[bflag:$0x3] =	sbarrier.arrive $0xFFFF  }
0x107: {  	_ =	shalt  }

// kernel: kernel.8.cloned.1.call-start
scs
__scs_entry_jumppad:
0x0: {  	(pc) =	sbr.rel $0x88, $3  }
0x1: {  	(tag) =	ssettag $0x0;
	lr =	simm.s32 $0x1  }
0x2: {  	[smem:$0x3F9B] =	sst lr;
	_ =	strace $0xD0000000  }
0x3: {  	_ = 	snop  }
0x4: {  	_ = 	snop  }
0x5: {  	_ = 	snop  }
0x6: {  	_ = 	snop  }
0x7: {  	_ = 	snop  }
__scs_overlays_trampoline_lowered:
0x8: {  	[smem:$0x3FAA] =	sst s0  }
0x9: {  	[smem:$0x3FAB] =	sst s1  }
0xa: {  	[smem:$0x3FAC] =	sst s2  }
0xb: {  	[smem:$0x3FAD] =	sst s3  }
0xc: {  	[smem:$0x3FAE] =	sst s4  }
0xd: {  	[smem:$0x3FAF] =	sst s5  }
0xe: {  	[smem:$0x3FB0] =	sst s6  }
0xf: {  	[smem:$0x3FB1] =	sst s7  }
0x10: {  	[smem:$0x3FB2] =	sst s8  }
0x11: {  	[smem:$0x3FB3] =	sst s9;
	s0 =	simm.s32 @!p0 $0x0  }
0x12: {  	s1 =	sld [smem:$0x3F99];
	s0 =	simm.s32 @p0 $0x1  }
0x13: {  	[smem:$0x3FB4] =	sst s0;
	s0 =	simm.s32 @!p1 $0x0  }
0x14: {  	s2 =	sld [smem:$0x3F98];
	s0 =	simm.s32 @p1 $0x1  }
0x15: {  	[smem:$0x3FB5] =	sst s0;
	s0 =	simm.s32 @!p2 $0x0  }
0x16: {  	s3 =	sld [smem:$0x3FDB];
	s0 =	simm.s32 @p2 $0x1  }
0x17: {  	s4 =	simm.s32 $0x1BF5;
	[smem:$0x3FB7] =	sst s0  }
0x18: {  	s0 =	sld [smem:$0x3F9A];
	_ =	swait.ge [sflag:s4], $0x0  }
0x19: {  	s7 =	sld [smem:$0x3F9B]  }
0x1a: {  	s8 =	sadd.s32 $0xFFFFE003, lr  }
0x1b: {  	s9 =	sadd.s32 $0xFFFFFEF7, lr;
	s5 =	simm.s32 $0xFFFFFFFF;
	p2 =	slt.u32 s8, $0xFFFFF086  }
0x1c: {  	p1 =	slt.u32 s9, $0xF7A;
	s5 =	simm.s32 @!p2 $0x0  }
0x1d: {  	s5 =	simm.s32 @p1 $0x1;
	p0 =	seq.s32 s7, s2  }
0x1e: {  	s7 =	smul.u32 @!p0 $0xF7A, s2;
	p2 =	seq.s32 @!p0 s5, $0x0  }
0x1f: {  	s9 =	smul.u32 $0xF7A, s1;
	s8 =	simm.s32 @!p0 $0x1BF5;
	p2 =	por !p2, p0  }
0x20: {  	[sflag:s8] =	ssyncset.s32 @!p0 $0xFFFFF086;
	s6 =	sadd.s32 @!p0 s3, s7;
	s7 =	simm.s32 @!p0 $0x108  }
0x21: {  	s3 =	sadd.s32 s3, s9;
	s6 =	sadd.s32 @!p0 $0x88, s6;
	s7 =	simm.s32 @p2 $0x1082  }
0x22: {  	[simem:s7], [sflag:s8] =	dma.local @!p0 [hbm:s6], $0xF7A  }
0x23: {  	s9 =	sor.u32 $0xD0000000, s2;
	s6 =	simm.s32 $0x108;
	_ =	swait.ge @!p0 [sflag:s8], $0x0  }
0x24: {  	s3 =	sadd.s32 $0x88, s3;
	s6 =	simm.s32 @!p1 $0x1082;
	[sflag:s4] =	ssyncset.s32 $0xFFFFF086  }
0x25: {  	[simem:s6], [sflag:s4] =	dma.local [hbm:s3], $0xF7A  }
0x26: {  	[smem:$0x3F9B] =	sst s1;
	(tag) =	ssettag s2;
	_ =	strace s9  }
0x27: {  	s1 =	sld [smem:$0x3FAB]  }
0x28: {  	s2 =	sld [smem:$0x3FAC]  }
0x29: {  	s4 =	sld [smem:$0x3FAE]  }
0x2a: {  	p0 =	seq.s32 s5, $0x0;
	s5 =	sld [smem:$0x3FAF]  }
0x2b: {  	s6 =	sld [smem:$0x3FB0]  }
0x2c: {  	s7 =	sld [smem:$0x3FB1]  }
0x2d: {  	s3 =	simm.s32 $0x108;
	s8 =	sld [smem:$0x3FB2]  }
0x2e: {  	s3 =	simm.s32 @!p0 $0x1082;
	s9 =	sld [smem:$0x3FB3]  }
0x2f: {  	lr =	sadd.s32 s0, s3;
	s0 =	sld [smem:$0x3FAA]  }
0x30: {  	s3 =	sld [smem:$0x3FAD]  }
0x31: {  	[smem:$0x3FB6] =	sst s10  }
0x32: {  	s10 =	sld [smem:$0x3FB4];
	_ =	sdelay $0x3  }
0x33: {  	p0 =	seq.s32 s10, $0x1;
	s10 =	sld [smem:$0x3FB6];
	_ =	sdelay $0x3  }
0x34: {  	[smem:$0x3FB6] =	sst s10  }
0x35: {  	s10 =	sld [smem:$0x3FB5];
	_ =	sdelay $0x3  }
0x36: {  	p1 =	seq.s32 s10, $0x1;
	s10 =	sld [smem:$0x3FB6];
	_ =	sdelay $0x3  }
0x37: {  	[smem:$0x3FB6] =	sst s10  }
0x38: {  	s10 =	sld [smem:$0x3FB7]  }
0x39: {  	_ = 	snop;
	(pc) =	sbr.ind lr, $3  }
0x3a: {  	_ = 	snop  }
0x3b: {  	_ = 	snop  }
0x3c: {  	p2 =	seq.s32 s10, $0x1;
	s10 =	sld [smem:$0x3FB6]  }
0x3d: {  	_ =	shalt  }
0x3e: {  	_ =	shalt  }
0x3f: {  	_ =	shalt  }
0x40: {  	_ =	shalt  }
0x41: {  	_ =	shalt  }
0x42: {  	_ =	shalt  }
0x43: {  	_ =	shalt  }
0x44: {  	_ =	shalt  }
0x45: {  	_ =	shalt  }
0x46: {  	_ =	shalt  }
0x47: {  	_ =	shalt  }
0x48: {  	_ =	shalt  }
0x49: {  	_ =	shalt  }
0x4a: {  	_ =	shalt  }
0x4b: {  	_ =	shalt  }
0x4c: {  	_ =	shalt  }
0x4d: {  	_ =	shalt  }
0x4e: {  	_ =	shalt  }
0x4f: {  	_ =	shalt  }
0x50: {  	_ =	shalt  }
0x51: {  	_ =	shalt  }
0x52: {  	_ =	shalt  }
0x53: {  	_ =	shalt  }
0x54: {  	_ =	shalt  }
0x55: {  	_ =	shalt  }
0x56: {  	_ =	shalt  }
0x57: {  	_ =	shalt  }
0x58: {  	_ =	shalt  }
0x59: {  	_ =	shalt  }
0x5a: {  	_ =	shalt  }
0x5b: {  	_ =	shalt  }
0x5c: {  	_ =	shalt  }
0x5d: {  	_ =	shalt  }
0x5e: {  	_ =	shalt  }
0x5f: {  	_ =	shalt  }
0x60: {  	_ =	shalt  }
0x61: {  	_ =	shalt  }
0x62: {  	_ =	shalt  }
0x63: {  	_ =	shalt  }
0x64: {  	_ =	shalt  }
0x65: {  	_ =	shalt  }
0x66: {  	_ =	shalt  }
0x67: {  	_ =	shalt  }
0x68: {  	_ =	shalt  }
0x69: {  	_ =	shalt  }
0x6a: {  	_ =	shalt  }
0x6b: {  	_ =	shalt  }
0x6c: {  	_ =	shalt  }
0x6d: {  	_ =	shalt  }
0x6e: {  	_ =	shalt  }
0x6f: {  	_ =	shalt  }
0x70: {  	_ =	shalt  }
0x71: {  	_ =	shalt  }
0x72: {  	_ =	shalt  }
0x73: {  	_ =	shalt  }
0x74: {  	_ =	shalt  }
0x75: {  	_ =	shalt  }
0x76: {  	_ =	shalt  }
0x77: {  	_ =	shalt  }
0x78: {  	_ =	shalt  }
0x79: {  	_ =	shalt  }
0x7a: {  	_ =	shalt  }
0x7b: {  	_ =	shalt  }
0x7c: {  	_ =	shalt  }
0x7d: {  	_ =	shalt  }
0x7e: {  	_ =	shalt  }
0x7f: {  	_ =	shalt  }
0x80: {  	_ =	shalt  }
0x81: {  	_ =	shalt  }
0x82: {  	_ =	shalt  }
0x83: {  	_ =	shalt  }
0x84: {  	_ =	shalt  }
0x85: {  	_ =	shalt  }
0x86: {  	_ =	shalt  }
0x87: {  	_ =	shalt  }
.Lfunc_end0:
.L_simem_size_0:
called_computation_lowered:
.L_overlay_start_0:
0x88: {  	s2 =	sld [smem:$0x3FD9]  }
0x89: {  	s3 =	sld [smem:$0x3FFE];
	_ =	sdelay $0x1  }
0x8a: {  	s1 =	srdreg.scid  }
0x8b: {  	s0 =	sand.u32 $0x1, s1  }
0x8c: {  	s17 =	sshll.u32 s0, $0xA;
	s2 =	sadd.s32 s3, s2  }
0x8d: {  	s2 =	sadd.s32 s2, s17  }
0x8e: {  	[smem:$0x3FC2] =	sst s2  }
0x8f: {  	_ = 	snop  }
0x90: {  	s2 =	sld [smem:$0x3FD0];
	(tm) =	ssettm $0x1  }
0x91: {  	s18 =	sld [smem:$0x3FFB];
	_ =	sdelay $0x3  }
0x92: {  	_ =	strace s18  }
0x93: {  	s3 =	sld [smem:$0x3FFC];
	_ =	sdelay $0x3  }
0x94: {  	_ =	strace s3  }
0x95: {  	s3 =	sld [smem:$0x3FFD];
	_ =	sdelay $0x3  }
0x96: {  	_ =	strace s3  }
0x97: {  	_ =	strace $0x8FFFFFFF  }
0x98: {  	s19 =	sld [smem:$0x3FDB];
	_ =	sdelay $0x1  }
0x99: {  	s4 =	simm.s32 $_scs_section_size  }
0x9a: {  	s5 =	simm.s32 $_size__tile_overlayer_lowered;
	s6 =	simm.s32 $_tile_overlayer_lowered  }
0x9b: {  	s22 =	simm.s32 $0x1BFF;
	s21 =	sshll.u32 s6, $0x1;
	s3 =	sadd.s32 s4, s19  }
0x9c: {  	s7 =	simm.s32 $0x0;
	s20 =	sshll.u32 s5, $0x1;
	s5 =	sadd.s32 s21, s3  }
0x9d: {  	[timem:s7], [sflag:s22] =	dma.local [hbm:s5], s20  }
0x9e: {  	_ =	swait.ge [sflag:s22], s20  }
0x9f: {  	s4 =	ssub.s32 $0x0, s20;
	[sflag:s22] =	ssyncset.done $0x0  }
0xa0: {  	[sflag:s22] =	ssyncadd.s32 s4;
	_ =	sdelay $0x1  }
0xa1: {  	s23 =	simm.s32 $0x1B8B  }
0xa2: {  	_ =	swait.ge [sflag:s23], $0x1  }
0xa3: {  	[sflag:s23] =	ssyncset.done $0x0  }
0xa4: {  	s25 =	simm.s32 $0x1B8E;
	s24 =	sld [smem:$0x3FFE];
	[sflag:s23] =	ssyncadd.s32 $0xFFFFFFFF  }
0xa5: {  	s26 =	simm.s32 $execute0_lowered;
	[smem:$0x3FD2] =	sst s25  }
0xa6: {  	s5 =	sshll.u32 s26, $0x1;
	_ =	strace $0x80000046;
	[dreg:$0x1] =	wrdreg $0xFFFFFFFF  }
0xa7: {  	s28 =	simm.s32 $_size_execute0_lowered;
	s3 =	sadd.s32 s3, s5;
	[dreg:$0x0] =	wrdreg $0x0  }
0xa8: {  	s5 =	sshll.u32 s28, $0x1;
	[dreg:$0x2] =	wrdreg s3  }
0xa9: {  	[dreg:$0x3] =	wrdreg s5  }
0xaa: {  	[dreg:$0x4] =	wrdreg $0xC0  }
0xab: {  	_ =	task [dreg:s7], $0x5FFFF  }
0xac: {  	[dreg:$0x1] =	wrdreg $0xFFFFFFFF  }
0xad: {  	[dreg:$0x0] =	wrdreg $0x60  }
0xae: {  	[dreg:$0x2] =	wrdreg s24  }
0xaf: {  	[dreg:$0x3] =	wrdreg s2  }
0xb0: {  	[dreg:$0x4] =	wrdreg $0x53000  }
0xb1: {  	[dreg:$0x5] =	wrdreg $0x9  }
0xb2: {  	_ =	task.clear_ibuf [dreg:s7], $0x6FFFF;
	_ =	strace $0x90000046  }
0xb3: {  	s29 =	simm.s32 $0x9;
	_ =	strace $0x80000048  }
0xb4: {  	_ =	swait.ge [sflag:s29], $0x1  }
0xb5: {  	[sflag:s29] =	ssyncadd.s32 $0xFFFFFFFF  }
0xb6: {  	_ =	strace $0x90000048  }
0xb7: {  	_ =	sfence  }
0xb8: {  	s30 =	sld [smem:$0x0];
	_ =	sdelay $0x2  }
0xb9: {  	s31 =	sshll.u32 s1, $0xD;
	s1 =	sshrl.u32 s1, $0x2  }
0xba: {  	s3 =	sand.u32 $0x4000, s31;
	s1 =	sadd.s32 s1, s30  }
0xbb: {  	s0 =	sor.u32 s3, s0;
	s1 =	sshll.u32 s1, $0x11  }
0xbc: {  	s0 =	sor.u32 s1, s0  }
0xbd: {  	s0 =	sadd.s32 $0x8F2B, s0  }
0xbe: {  	[sflag:s0] =	ssyncadd.remote.s32 $0x1  }
0xbf: {  	_ =	sfence.sel $0xFFFF  }
0xc0: {  	[dreg:$0x0] =	wrdreg $0xFFFFFFFF;
	(pc) =	sbr.abs _section_cstart, $3  }
0xc1: {  	[dreg:$0x1] =	wrdreg $0xFFFFFFFF  }
0xc2: {  	_ =	task.clear_ibuf [dreg:s7], $0x2FFFF;
	_ =	strace $0x9FFFFFFF  }
0xc3: {  	(tm) =	ssettm $0x7FFFFFFF  }
tec
execute0_lowered:
.L_overlay_start_1:
0x0: {  	(tag) =	ssettag $0x1  }
0x1: {  	s4 =	rddreg [dreg:$0x0]  }
0x2: {  	s6 =	rddreg [dreg:$0x1]  }
0x3: {  	s1 =	rddreg [dreg:$0x2]  }
0x4: {  	s0 =	rddreg [dreg:$0x3]  }
0x5: {  	s2 =	simm.s32 $0x0;
	s3 =	srdreg.scid;
	s12 =	simm.s32 $0x0  }
0x6: {  	[smem:$0x7FF] =	sst s2;
	s5 =	sadd.s32 $0x1E00, s4;
	s7 =	sand.u32 $0x1, s3  }
0x7: {  	s8 =	sadd.s32 $0xBE00, s4;
	s3 =	stileid.u32;
	s10 =	sadd.s32 $0xC400, s4  }
0x8: {  	_ =	strace $0x80000047;
	s9 =	ssub.s32 $0x2, s7;
	s11 =	smul.u32 $0x280, s3  }
0x9: {  	p0 =	seq.s32 s7, $0x0;
	s31 =	smul.u32 $0xA00, s3;
	s30 =	sshrl.u32 s9, $0x1  }
0xa: {  	s6 =	smov.u32 @p0 s5;
	s10 =	smov.u32 @p0 s8;
	s8 =	simm.s32 $0x5080  }
0xb: {  	s9 =	ssub.s32 s9, s30;
	s4 =	sadd.s32 s11, s1;
	s11 =	sshrl.u32 s11, $0x3  }
0xc: {  	s6 =	sadd.s32 s6, s31;
	s5 =	smax.u32 s9, $0x1;
	s7 =	sadd.s32 s10, s11  }
0xd: {  	v0 =	vimm.f32 $1.000000000e+00;
	v1 =	vimm.f32 $0.0e+00;
	s9 =	simm.s32 $0x1;
	s10 =	simm.s32 $0x80;
	s11 =	simm.s32 $0x5000  }
.LBB2_1:
0xe: {  	[tilespmem:$0x5000] =	vst v0  }
0xf: {  	[tilespmem:$0x5010] =	vst v0  }
0x10: {  	[tilespmem:$0x5020] =	vst v0  }
0x11: {  	[tilespmem:$0x5030] =	vst v0  }
0x12: {  	[tilespmem:$0x5040] =	vst v0  }
0x13: {  	[tilespmem:$0x5050] =	vst v0  }
0x14: {  	[tilespmem:$0x5060] =	vst v0  }
0x15: {  	[tilespmem:$0x5070] =	vst v0  }
0x16: {  	[tilespmem:$0x5080] =	vst v1  }
0x17: {  	[tilespmem:$0x5090] =	vst v1  }
0x18: {  	[tilespmem:$0x50A0] =	vst v1  }
0x19: {  	[tilespmem:$0x50B0] =	vst v1  }
0x1a: {  	[tilespmem:$0x50C0] =	vst v1  }
0x1b: {  	[tilespmem:$0x50D0] =	vst v1  }
0x1c: {  	[tilespmem:$0x50E0] =	vst v1  }
0x1d: {  	[tilespmem:$0x50F0] =	vst v1  }
0x1e: {  	[tilespmem:$0x5100] =	vst v1  }
0x1f: {  	[tilespmem:$0x5110] =	vst v1  }
0x20: {  	[tilespmem:$0x5120] =	vst v1  }
0x21: {  	[tilespmem:$0x5130] =	vst v1  }
0x22: {  	[tilespmem:$0x5140] =	vst v1  }
0x23: {  	[tilespmem:$0x5150] =	vst v1  }
0x24: {  	[tilespmem:$0x5160] =	vst v1  }
0x25: {  	[tilespmem:$0x5170] =	vst v1  }
0x26: {  	[tilespmem:$0x5180] =	vst v1  }
0x27: {  	[tilespmem:$0x5190] =	vst v1  }
0x28: {  	[tilespmem:$0x51A0] =	vst v1  }
0x29: {  	[tilespmem:$0x51B0] =	vst v1  }
0x2a: {  	[tilespmem:$0x51C0] =	vst v1  }
0x2b: {  	[tilespmem:$0x51D0] =	vst v1  }
0x2c: {  	[tilespmem:$0x51E0] =	vst v1  }
0x2d: {  	[tilespmem:$0x51F0] =	vst v1  }
0x2e: {  	[tilespmem:$0x5200] =	vst v1  }
0x2f: {  	[tilespmem:$0x5210] =	vst v1  }
0x30: {  	[tilespmem:$0x5220] =	vst v1  }
0x31: {  	[tilespmem:$0x5230] =	vst v1  }
0x32: {  	[tilespmem:$0x5240] =	vst v1  }
0x33: {  	[tilespmem:$0x5250] =	vst v1  }
0x34: {  	[tilespmem:$0x5260] =	vst v1  }
0x35: {  	[tilespmem:$0x5270] =	vst v1  }
0x36: {  	[tilespmem:$0x5280] =	vst v1  }
0x37: {  	[tilespmem:$0x5290] =	vst v1  }
0x38: {  	[tilespmem:$0x52A0] =	vst v1  }
0x39: {  	[tilespmem:$0x52B0] =	vst v1  }
0x3a: {  	[tilespmem:$0x52C0] =	vst v1  }
0x3b: {  	[tilespmem:$0x52D0] =	vst v1  }
0x3c: {  	[tilespmem:$0x52E0] =	vst v1  }
0x3d: {  	[tilespmem:$0x52F0] =	vst v1  }
0x3e: {  	[spmem:s4] =	stream.linear.scatter [tilespmem:s8], [sflag:$0x1], $0x280, $0x38;
	[tilespmem:$0x5580] =	vst v63  }
0x3f: {  	_ =	swait.ge [sflag:s9], $0x280  }
0x40: {  	[sflag:s9] =	ssyncset.done $0x0  }
0x41: {  	[sflag:s9] =	ssyncadd.s32 $0xFFFFFD80  }
0x42: {  	[tilespmem:s2], [sflag:$0x1] =	stream.linear.gather [hbm4b:s6+s2], $0x5000, $0x38;
	[tilespmem:$0x5580] =	vst v63  }
0x43: {  	_ =	swait.ge [sflag:s9], $0x5000  }
0x44: {  	[sflag:s9] =	ssyncset.done $0x0  }
0x45: {  	[sflag:s9] =	ssyncadd.s32 $0xFFFFB000  }
0x46: {  	s13 =	simm.s32 $0x0;
	[bflag:$0x0] =	sbarrier.arrive $0xFFFF  }
0x47: {  	[spmem:s1] =	stream.indirect.scatter.add.f32 [tilespmem:s11], [sflag:$0x1], $0x1, s13, s10, $0xb8;
	[tilespmem:$0x5580] =	vst v63  }
0x48: {  	_ =	swait.ge [sflag:s9], $0x80  }
0x49: {  	s13 =	simm.s32 $0x200;
	[sflag:s9] =	ssyncset.done $0x0  }
.LBB2_2:
0x4a: {  	s14 =	sshra.s32 s13, $0x2;
	[sflag:s9] =	ssyncadd.s32 $0xFFFFFF80;
	p0 =	sne.s32 s13, $0x13E00  }
0x4b: {  	[spmem:s1] =	stream.indirect.scatter.add.f32 [tilespmem:s11], [sflag:$0x1], $0x1, s14, s10, $0xb8;
	[tilespmem:$0x5580] =	vst v63  }
.Ltmp0:
0x4c: {  	_ = 	snop;
	(pc) =	sbr.rel @p0 .LBB2_2-.Ltmp0, $4  }
0x4d: {  	_ = 	snop  }
0x4e: {  	s13 =	sadd.s32 $0x200, s13  }
0x4f: {  	_ =	swait.ge [sflag:s9], $0x80  }
0x50: {  	[sflag:s9] =	ssyncset.done $0x0  }
0x51: {  	[sflag:s9] =	ssyncadd.s32 $0xFFFFFF80  }
0x52: {  	[bflag:$0x0] =	sbarrier.arrive $0xFFFF  }
0x53: {  	[tilespmem:s8], [sflag:$0x1] =	stream.linear.gather [spmem:s4], $0x280, $0x38;
	[tilespmem:$0x5580] =	vst v63  }
0x54: {  	s12 =	sadd.s32 $0x1, s12;
	_ =	swait.ge [sflag:s9], $0x280  }
0x55: {  	p0 =	sne.s32 s12, s5;
	[sflag:s9] =	ssyncset.done $0x0  }
.Ltmp1:
0x56: {  	[sflag:s9] =	ssyncadd.s32 $0xFFFFFD80;
	(pc) =	sbr.rel @p0 .LBB2_1-.Ltmp1, $4  }
0x57: {  	[hbm4b:s7+s2] =	stream.linear.scatter [tilespmem:s8], [sflag:$0x1], $0x280, $0x38;
	[tilespmem:$0x5580] =	vst v63  }
0x58: {  	_ =	swait.ge [sflag:s9], $0x280  }
0x59: {  	[sflag:s9] =	ssyncset.done $0x0  }
0x5a: {  	[sflag:s9] =	ssyncadd.s32 $0xFFFFFD80  }
0x5b: {  	_ =	sfence.sel $0x180000  }
0x5c: {  	[bflag:$0x0] =	sbarrier.arrive $0xFFFF  }
0x5d: {  	p0 =	sne.s32 s3, $0x0;
	_ =	strace $0x90000047  }
0x5e: {  	s0 =	sadd.s32 @!p0 $0x100000, s0;
	[bflag:$0x2] =	sbarrier.arrive $0xFFFF  }
0x5f: {  	[sflag:s0] =	ssyncadd.tile.s32 @!p0 $0x1;
	_ =	shalt  }
.Lfunc_end2:
_tile_overlayer_lowered:
.L_overlay_start_2:
0x60: {  	(tag) =	ssettag $0x2  }
0x61: {  	s0 =	rddreg [dreg:$0x0];
	s2 =	stileid.u32  }
0x62: {  	s1 =	rddreg [dreg:$0x1];
	p0 =	sne.s32 s2, $0x0  }
0x63: {  	s3 =	rddreg [dreg:$0x2];
	[bflag:$0x3] =	sbarrier.arrive $0xFFFF;
	s2 =	simm.s32 @!p0 $0x1C01  }
0x64: {  	[timem:s3], [sflag:s2] =	dma.local @!p0 [hbm:s0], s1  }
0x65: {  	s0 =	simm.s32 @!p0 $0x1  }
0x66: {  	_ =	swait.ge @!p0 [sflag:s0], s1  }
0x67: {  	s1 =	ssub.s32 @!p0 $0x0, s1;
	[sflag:s0] =	ssyncset.done @!p0 $0x0  }
0x68: {  	[sflag:s0] =	ssyncadd.s32 @!p0 s1  }
0x69: {  	[bflag:$0x3] =	sbarrier.arrive $0xFFFF  }
0x6a: {  	_ =	shalt  }

</sc_bundles>
